<compile_context>
chip_gen: v7x
topology: tpu7x:2x2x1
jax: 0.10.2.dev20260603
libtpu: 0.0.44.dev20260713+nightly
codegen_flags: <defaults>
</compile_context>

<pallas_src>
import functools
import math

import jax
import jax.numpy as jnp
from jax import lax
from jax.experimental import pallas as pl
from jax.experimental.pallas import tpu as pltpu
from jax.experimental.pallas import tpu_sc as plsc

N = 10000
E = 320000
H = 64
D_EDGE = 16

NC = 2
NS = 16
NW = NC * NS
MB = 128
EPT = 10112
NMB = EPT // MB
EPAD = NW * EPT
N_AGG = 10112
ZPT = N_AGG // NS
IC = 8

_STG = 640


def _sc_gather_body(psrc_hbm, pdst_hbm, src_hbm, dst_hbm, z_hbm,
                    idxs_v, idxd_v, bs0, bd0, bs1, bd1,
                    sa0, sb0, sa1, sb1):
    wid = lax.axis_index("s") * NC + lax.axis_index("c")
    base = wid * EPT
    pltpu.sync_copy(src_hbm.at[wid], idxs_v)
    pltpu.sync_copy(dst_hbm.at[wid], idxd_v)

    def body(j, carry):
        cp_a = pltpu.async_copy(psrc_hbm.at[idxs_v.at[j]], bs0, sa0)
        cp_b = pltpu.async_copy(pdst_hbm.at[idxd_v.at[j]], bd0, sb0)
        cp_a.wait()
        cp_b.wait()

        def add_row(r, c2):
            for k in range(8):
                sl = pl.ds(k * 16, 16)
                bs0[r, sl] = bs0[r, sl] + bd0[r, sl]
            return c2

        lax.fori_loop(0, MB, add_row, 0)
        pltpu.sync_copy(bs0, z_hbm.at[pl.ds(base + j * MB, MB)])
        return carry

    lax.fori_loop(0, NMB, body, 0)


@functools.cache
def _sc_gather():
    mesh = plsc.VectorSubcoreMesh(core_axis_name="c", subcore_axis_name="s")
    return pl.kernel(
        _sc_gather_body,
        mesh=mesh,
        out_type=jax.ShapeDtypeStruct((EPAD, 2 * H), jnp.float32),
        scratch_types=[
            pltpu.VMEM((NMB + 1, MB), jnp.int32),
            pltpu.VMEM((NMB + 1, MB), jnp.int32),
            pltpu.VMEM((MB, 2 * H), jnp.float32),
            pltpu.VMEM((MB, 2 * H), jnp.float32),
            pltpu.VMEM((MB, 2 * H), jnp.float32),
            pltpu.VMEM((MB, 2 * H), jnp.float32),
            pltpu.SemaphoreType.DMA,
            pltpu.SemaphoreType.DMA,
            pltpu.SemaphoreType.DMA,
            pltpu.SemaphoreType.DMA,
        ],
    )


def _sc_scatter_body(h_hbm, dst_hbm, agg_hbm, agg_sh, idx_v, r0_v, r1_v,
                     s0, s1):
    c = lax.axis_index("c")
    s = lax.axis_index("s")
    wid = c * NS + s
    base = wid * EPT

    def zrow(r, c2):
        for k in range(2 * H // 16):
            r0_v[r, pl.ds(k * 16, 16)] = jnp.zeros((16,), jnp.float32)
        return c2

    lax.fori_loop(0, MB, zrow, 0)
    for q in range(4):
        pltpu.sync_copy(r0_v, agg_sh.at[pl.ds(s * ZPT + q * MB, MB)])
    pltpu.sync_copy(r0_v.at[pl.ds(0, ZPT - 4 * MB)],
                    agg_sh.at[pl.ds(s * ZPT + 4 * MB, ZPT - 4 * MB)])
    plsc.subcore_barrier()

    pltpu.sync_copy(dst_hbm.at[wid], idx_v)

    def body(j, carry):
        pltpu.sync_copy(h_hbm.at[pl.ds(base + j * MB, MB)], r0_v)
        pltpu.sync_copy(r0_v, agg_sh.at[idx_v.at[j]], add=True)
        return carry

    lax.fori_loop(0, NMB, body, 0)
    plsc.subcore_barrier()

    @pl.when(s < 10)
    def _():
        pltpu.sync_copy(agg_sh.at[pl.ds(s * 1000, 1000)],
                        agg_hbm.at[c, pl.ds(s * 1000, 1000)])


@functools.cache
def _sc_scatter():
    mesh = plsc.VectorSubcoreMesh(core_axis_name="c", subcore_axis_name="s")
    return pl.kernel(
        _sc_scatter_body,
        mesh=mesh,
        out_type=jax.ShapeDtypeStruct((NC, N, 2 * H), jnp.float32),
        scratch_types=[
            pltpu.VMEM_SHARED((N_AGG, 2 * H), jnp.float32),
            pltpu.VMEM((NMB + 1, MB), jnp.int32),
            pltpu.VMEM((MB, 2 * H), jnp.float32),
            pltpu.VMEM((MB, 2 * H), jnp.float32),
            pltpu.SemaphoreType.DMA,
            pltpu.SemaphoreType.DMA,
        ],
    )


_NBLK = 2000
_EBLK = 4096


def _t0_body(x_ref, we_ref, be_ref, ws_ref, wd_ref, v_ref, ps_ref, pd_ref):
    t = jnp.dot(x_ref[...], we_ref[...], preferred_element_type=jnp.float32,
                precision=lax.Precision.HIGHEST)
    t = t + be_ref[...]
    v = t * jax.nn.sigmoid(t)
    v_ref[...] = v
    ps_ref[...] = jnp.dot(v, ws_ref[...], preferred_element_type=jnp.float32,
                precision=lax.Precision.HIGHEST)
    pd_ref[...] = jnp.dot(v, wd_ref[...], preferred_element_type=jnp.float32,
                precision=lax.Precision.HIGHEST)


def _t0(x, w_emb, b_emb, wsrc, wdst):
    g = N // _NBLK
    return pl.pallas_call(
        _t0_body,
        grid=(g,),
        in_specs=[
            pl.BlockSpec((_NBLK, 128), lambda i: (i, 0)),
            pl.BlockSpec((128, H), lambda i: (0, 0)),
            pl.BlockSpec((1, H), lambda i: (0, 0)),
            pl.BlockSpec((H, 2 * H), lambda i: (0, 0)),
            pl.BlockSpec((H, 2 * H), lambda i: (0, 0)),
        ],
        out_specs=[
            pl.BlockSpec((_NBLK, H), lambda i: (i, 0)),
            pl.BlockSpec((_NBLK, 2 * H), lambda i: (i, 0)),
            pl.BlockSpec((_NBLK, 2 * H), lambda i: (i, 0)),
        ],
        out_shape=[
            jax.ShapeDtypeStruct((N, H), jnp.float32),
            jax.ShapeDtypeStruct((N, 2 * H), jnp.float32),
            jax.ShapeDtypeStruct((N, 2 * H), jnp.float32),
        ],
    )(x, w_emb, b_emb, wsrc, wdst)


def _t1_body(z_ref, ef_ref, we_ref, b_ref, h_ref):
    i = pl.program_id(0)
    z = z_ref[...] + jnp.dot(ef_ref[...], we_ref[...],
                             preferred_element_type=jnp.float32) + b_ref[...]
    am = jax.nn.sigmoid(z[:, :H])
    sp = jax.nn.softplus(z[:, H:])
    h = am * sp
    rows = i * _EBLK + lax.broadcasted_iota(jnp.int32, (_EBLK, 1), 0)
    h = jnp.where(rows < E, h, 0.0)
    h_ref[...] = jnp.concatenate([h, jnp.zeros_like(h)], axis=1)


def _t1(z, ef, we, b):
    g = EPAD // _EBLK
    return pl.pallas_call(
        _t1_body,
        grid=(g,),
        in_specs=[
            pl.BlockSpec((_EBLK, 2 * H), lambda i: (i, 0)),
            pl.BlockSpec((_EBLK, D_EDGE), lambda i: (i, 0)),
            pl.BlockSpec((D_EDGE, 2 * H), lambda i: (0, 0)),
            pl.BlockSpec((1, 2 * H), lambda i: (0, 0)),
        ],
        out_specs=pl.BlockSpec((_EBLK, 2 * H), lambda i: (i, 0)),
        out_shape=jax.ShapeDtypeStruct((EPAD, 2 * H), jnp.float32),
    )(z, ef, we, b)


def _t2_body(agg_ref, v_ref, cg_ref, be_ref, ws_ref, wd_ref,
             vn_ref, ps_ref, pd_ref):
    a = agg_ref[0, :, :H] + agg_ref[1, :, :H]
    vn = jax.nn.softplus(a * cg_ref[...] + be_ref[...] + v_ref[...])
    vn_ref[...] = vn
    ps_ref[...] = jnp.dot(vn, ws_ref[...], preferred_element_type=jnp.float32,
                precision=lax.Precision.HIGHEST)
    pd_ref[...] = jnp.dot(vn, wd_ref[...], preferred_element_type=jnp.float32,
                precision=lax.Precision.HIGHEST)


def _t2(agg, v, cg, be, wsrc, wdst):
    g = N // _NBLK
    return pl.pallas_call(
        _t2_body,
        grid=(g,),
        in_specs=[
            pl.BlockSpec((NC, _NBLK, 2 * H), lambda i: (0, i, 0)),
            pl.BlockSpec((_NBLK, H), lambda i: (i, 0)),
            pl.BlockSpec((1, H), lambda i: (0, 0)),
            pl.BlockSpec((1, H), lambda i: (0, 0)),
            pl.BlockSpec((H, 2 * H), lambda i: (0, 0)),
            pl.BlockSpec((H, 2 * H), lambda i: (0, 0)),
        ],
        out_specs=[
            pl.BlockSpec((_NBLK, H), lambda i: (i, 0)),
            pl.BlockSpec((_NBLK, 2 * H), lambda i: (i, 0)),
            pl.BlockSpec((_NBLK, 2 * H), lambda i: (i, 0)),
        ],
        out_shape=[
            jax.ShapeDtypeStruct((N, H), jnp.float32),
            jax.ShapeDtypeStruct((N, 2 * H), jnp.float32),
            jax.ShapeDtypeStruct((N, 2 * H), jnp.float32),
        ],
    )(agg, v, cg, be, wsrc, wdst)


def _t2f_body(agg_ref, v_ref, cg_ref, be_ref, acc_ref):
    i = pl.program_id(0)
    a = agg_ref[0, :, :H] + agg_ref[1, :, :H]
    vn = jax.nn.softplus(a * cg_ref[...] + be_ref[...] + v_ref[...])
    part = jnp.sum(vn, axis=0, keepdims=True)

    @pl.when(i == 0)
    def _():
        acc_ref[...] = jnp.zeros_like(acc_ref)

    acc_ref[...] += part


def _t2f(agg, v, cg, be):
    g = N // _NBLK
    return pl.pallas_call(
        _t2f_body,
        grid=(g,),
        in_specs=[
            pl.BlockSpec((NC, _NBLK, 2 * H), lambda i: (0, i, 0)),
            pl.BlockSpec((_NBLK, H), lambda i: (i, 0)),
            pl.BlockSpec((1, H), lambda i: (0, 0)),
            pl.BlockSpec((1, H), lambda i: (0, 0)),
        ],
        out_specs=pl.BlockSpec((1, H), lambda i: (0, 0)),
        out_shape=jax.ShapeDtypeStruct((1, H), jnp.float32),
    )(agg, v, cg, be)


def _t3_body(vs_ref, wfc_ref, bfc_ref, wp_ref, bp_ref, out_ref):
    vc = vs_ref[...] * (1.0 / N)
    t = jnp.dot(vc, wfc_ref[...], preferred_element_type=jnp.float32,
                precision=lax.Precision.HIGHEST)
    t = t + bfc_ref[...]
    t = t * jax.nn.sigmoid(t)
    out_ref[...] = jnp.dot(t, wp_ref[...],
                           preferred_element_type=jnp.float32,
                precision=lax.Precision.HIGHEST) + bp_ref[...]


def _t3(vsum, wfc, bfc, wp, bp):
    return pl.pallas_call(
        _t3_body,
        out_shape=jax.ShapeDtypeStruct((1, 1), jnp.float32),
    )(vsum, wfc, bfc, wp, bp)


def kernel(node_feats, edge_feats, edge_index, W_emb, b_emb, g_emb, be_emb,
           conv_mlp_W, conv_mlp_b, conv_mlp_g, conv_mlp_be,
           conv_scr_W, conv_scr_b, conv_scr_g, conv_scr_be,
           conv_bn_g, conv_bn_be, W_fc, b_fc, g_fc, be_fc, W_pred, b_pred):
    c = 1.0 / math.sqrt(1.0 + 1e-5)

    w_embf = W_emb * (c * g_emb)[None, :]
    b_embf = (b_emb * c * g_emb + be_emb)[None, :]
    wm = conv_mlp_W * (c * conv_mlp_g)[:, None, :]
    bm = conv_mlp_b * (c * conv_mlp_g) + conv_mlp_be
    ws = conv_scr_W * (c * conv_scr_g)[:, None, :]
    bs = conv_scr_b * (c * conv_scr_g) + conv_scr_be
    wsrc = jnp.concatenate([wm[:, :H, :], ws[:, :H, :]], axis=2)
    wdst = jnp.concatenate([wm[:, H:2 * H, :], ws[:, H:2 * H, :]], axis=2)
    wed = jnp.concatenate([wm[:, 2 * H:, :], ws[:, 2 * H:, :]], axis=2)
    bcat = jnp.concatenate([bm, bs], axis=1)[:, None, :]
    cg_bn = (c * conv_bn_g)[:, None, :]
    be_bn = conv_bn_be[:, None, :]
    w_fcf = W_fc * (c * g_fc)[None, :]
    b_fcf = (b_fc * c * g_fc + be_fc)[None, :]
    b_predf = b_pred[None, :]

    src = edge_index[0].astype(jnp.int32)
    dst = edge_index[1].astype(jnp.int32)
    src2d = jnp.pad(jnp.pad(src, (0, EPAD - E)).reshape(NW, NMB, MB),
                    ((0, 0), (0, 1), (0, 0)))
    dst2d = jnp.pad(jnp.pad(dst, (0, EPAD - E)).reshape(NW, NMB, MB),
                    ((0, 0), (0, 1), (0, 0)))
    efp = jnp.pad(edge_feats, ((0, EPAD - E), (0, 0)))

    v, psrc, pdst = _t0(node_feats, w_embf, b_embf, wsrc[0], wdst[0])
    for i in range(3):
        z = _sc_gather()(psrc, pdst, src2d, dst2d)
        h = _t1(z, efp, wed[i], bcat[i])
        agg = _sc_scatter()(h, dst2d)
        if i < 2:
            v, psrc, pdst = _t2(agg, v, cg_bn[i], be_bn[i],
                                wsrc[i + 1], wdst[i + 1])
        else:
            vsum = _t2f(agg, v, cg_bn[i], be_bn[i])
    return _t3(vsum, w_fcf, b_fcf, W_pred, b_predf)

# --- scband reference (transcript-rebuilt; emitter-appended) ---
"""Pipeline reference for scband-cgcnn-55233279427066 (READ-ONLY COPY).

The authoritative reference and input builder live on the scoring server;
editing this copy changes nothing except your own understanding.
"""

import jax, jax.numpy as jnp
import numpy as np

N = 10000
E = 320000
D_NODE = 128
D_EDGE = 16
H = 64
CONV = 3
FC = 32
COMB = 2 * H + D_EDGE  # 144


def setup_inputs(seed: int = 0) -> dict:
    key = jax.random.key(seed)
    ks = jax.random.split(key, 40)
    inp = {}
    inp["node_feats"] = jax.random.normal(ks[0], (N, D_NODE), dtype=jnp.float32)
    inp["edge_feats"] = jax.random.normal(ks[1], (E, D_EDGE), dtype=jnp.float32)
    inp["edge_index"] = jax.random.randint(ks[2], (2, E), 0, N, dtype=jnp.int32).astype(jnp.int64)
    s = 0.05
    # node embedding MLPLayer: Linear(128,64) + BN(64)
    inp["W_emb"] = jax.random.normal(ks[3], (D_NODE, H), dtype=jnp.float32) * s
    inp["b_emb"] = jnp.zeros((H,), dtype=jnp.float32)
    inp["g_emb"] = jnp.ones((H,), dtype=jnp.float32)
    inp["be_emb"] = jnp.zeros((H,), dtype=jnp.float32)
    # conv layers (stacked over CONV)
    inp["conv_mlp_W"] = jax.random.normal(ks[4], (CONV, COMB, H), dtype=jnp.float32) * s
    inp["conv_mlp_b"] = jnp.zeros((CONV, H), dtype=jnp.float32)
    inp["conv_mlp_g"] = jnp.ones((CONV, H), dtype=jnp.float32)
    inp["conv_mlp_be"] = jnp.zeros((CONV, H), dtype=jnp.float32)
    inp["conv_scr_W"] = jax.random.normal(ks[5], (CONV, COMB, H), dtype=jnp.float32) * s
    inp["conv_scr_b"] = jnp.zeros((CONV, H), dtype=jnp.float32)
    inp["conv_scr_g"] = jnp.ones((CONV, H), dtype=jnp.float32)
    inp["conv_scr_be"] = jnp.zeros((CONV, H), dtype=jnp.float32)
    inp["conv_bn_g"] = jnp.ones((CONV, H), dtype=jnp.float32)
    inp["conv_bn_be"] = jnp.zeros((CONV, H), dtype=jnp.float32)
    # fc layer MLPLayer: Linear(64,32) + BN(32)
    inp["W_fc"] = jax.random.normal(ks[6], (H, FC), dtype=jnp.float32) * s
    inp["b_fc"] = jnp.zeros((FC,), dtype=jnp.float32)
    inp["g_fc"] = jnp.ones((FC,), dtype=jnp.float32)
    inp["be_fc"] = jnp.zeros((FC,), dtype=jnp.float32)
    # regression head Linear(32,1)
    inp["W_pred"] = jax.random.normal(ks[7], (FC, 1), dtype=jnp.float32) * s
    inp["b_pred"] = jnp.zeros((1,), dtype=jnp.float32)
    return inp


def _bn(x, g, b):
    # BatchNorm1d in eval mode: running_mean=0, running_var=1, eps=1e-5
    return x / jnp.sqrt(1.0 + 1e-5) * g + b


def reference(node_feats, edge_feats, edge_index, W_emb, b_emb, g_emb, be_emb,
              conv_mlp_W, conv_mlp_b, conv_mlp_g, conv_mlp_be,
              conv_scr_W, conv_scr_b, conv_scr_g, conv_scr_be,
              conv_bn_g, conv_bn_be, W_fc, b_fc, g_fc, be_fc, W_pred, b_pred):
    # node embedding
    v = jax.nn.silu(_bn(node_feats @ W_emb + b_emb, g_emb, be_emb))
    src = edge_index[0]
    dst = edge_index[1]
    for i in range(CONV):
        # apply_edges: concat(src h, dst h, edge h)
        h_combine = jnp.concatenate([v[src], v[dst], edge_feats], axis=1)
        h_mlp = jax.nn.sigmoid(_bn(h_combine @ conv_mlp_W[i] + conv_mlp_b[i], conv_mlp_g[i], conv_mlp_be[i]))
        h_scr = jax.nn.softplus(_bn(h_combine @ conv_scr_W[i] + conv_scr_b[i], conv_scr_g[i], conv_scr_be[i]))
        h_upd = h_mlp * h_scr
        # update_all: copy_e + sum to dst nodes (scatter-add)
        agg = jnp.zeros((v.shape[0], H), dtype=v.dtype).at[dst].add(h_upd)
        v = jax.nn.softplus(_bn(agg, conv_bn_g[i], conv_bn_be[i]) + v)
    # AvgPooling over single graph
    vc = jnp.mean(v, axis=0, keepdims=True)
    # fc layer
    vc = jax.nn.silu(_bn(vc @ W_fc + b_fc, g_fc, be_fc))
    # regression head
    out = vc @ W_pred + b_pred
    return out

if __name__ == "__main__":
    import jax
    _d = setup_inputs()
    print(jax.jit(kernel)(*tuple(_d.values())))

</pallas_src>

<mosaic_0001>
#map = affine_map<(d0, d1) -> (0, 0)>
#map1 = affine_map<(d0, d1) -> (0, 0, 0)>
module attributes {stable_mosaic.version = 14 : i64} {
  func.func @_sc_gather_body(%arg0: i32, %arg1: i32, %arg2: memref<10000x128xf32, #tpu.memory_space<hbm>>, %arg3: memref<10000x128xf32, #tpu.memory_space<hbm>>, %arg4: memref<32x80x128xi32, #tpu.memory_space<hbm>>, %arg5: memref<32x80x128xi32, #tpu.memory_space<hbm>>, %arg6: memref<323584x128xf32, #tpu.memory_space<hbm>>, %arg7: memref<80x128xi32, #tpu.memory_space<vmem>>, %arg8: memref<80x128xi32, #tpu.memory_space<vmem>>, %arg9: memref<128x128xf32, #tpu.memory_space<vmem>>, %arg10: memref<128x128xf32, #tpu.memory_space<vmem>>, %arg11: memref<128x128xf32, #tpu.memory_space<vmem>>, %arg12: memref<128x128xf32, #tpu.memory_space<vmem>>, %arg13: memref<!tpu.dma_semaphore, #tpu.memory_space<semaphore_mem>>, %arg14: memref<!tpu.dma_semaphore, #tpu.memory_space<semaphore_mem>>, %arg15: memref<!tpu.dma_semaphore, #tpu.memory_space<semaphore_mem>>, %arg16: memref<!tpu.dma_semaphore, #tpu.memory_space<semaphore_mem>>) attributes {dimension_semantics = [#tpu.dimension_semantics<core_parallel>, #tpu.dimension_semantics<subcore_parallel>], iteration_bounds = array<i64: 2, 16>, scalar_prefetch = 0 : i64, scratch_operands = 10 : i64, tpu.core_type = #tpu.core_type<sc_vector_subcore>, window_params = [{transform_indices = #map}, {transform_indices = #map}, {transform_indices = #map1}, {transform_indices = #map1}, {transform_indices = #map}]} {
    %mul3A = arith.constant 2 : i32
    %mul3A_0 = arith.muli %arg1, %mul3A : i32
    %add3A = arith.addi %mul3A_0, %arg0 : i32
    %mul3A_1 = arith.constant 10112 : i32
    %mul3A_2 = arith.muli %add3A, %mul3A_1 : i32
    "tpu.region"() ({
      %run_scoped3A = tpu.sem_alloc : memref<!tpu.dma_semaphore, #tpu.memory_space<semaphore_mem>>
      %dma_start3A = arith.constant 0 : i32
      %dma_start3A_8 = arith.constant 0 : i32
      %dma_start3A_9 = tpu.memref_slice %arg4[%add3A, %dma_start3A, %dma_start3A_8] : memref<32x80x128xi32, #tpu.memory_space<hbm>> -> memref<1x80x128xi32, #tpu.memory_space<hbm>>
      %dma_start3A_10 = tpu.memref_squeeze %dma_start3A_9 : memref<1x80x128xi32, #tpu.memory_space<hbm>> -> memref<80x128xi32, #tpu.memory_space<hbm>>
      %dma_start3A_11 = arith.constant 0 : i32
      %dma_start3A_12 = arith.constant 0 : i32
      %dma_start3A_13 = tpu.memref_slice %arg4[%add3A, %dma_start3A_11, %dma_start3A_12] : memref<32x80x128xi32, #tpu.memory_space<hbm>> -> memref<1x80x128xi32, #tpu.memory_space<hbm>>
      %dma_start3A_14 = tpu.memref_squeeze %dma_start3A_13 : memref<1x80x128xi32, #tpu.memory_space<hbm>> -> memref<80x128xi32, #tpu.memory_space<hbm>>
      tpu.enqueue_dma source(%dma_start3A_14 : memref<80x128xi32, #tpu.memory_space<hbm>>) target(%arg7 : memref<80x128xi32, #tpu.memory_space<vmem>>) target_semaphore(%run_scoped3A : memref<!tpu.dma_semaphore, #tpu.memory_space<semaphore_mem>>)
      %dma_wait3A = arith.constant 0 : i32
      %dma_wait3A_15 = arith.constant 0 : i32
      %dma_wait3A_16 = tpu.memref_slice %arg4[%add3A, %dma_wait3A, %dma_wait3A_15] : memref<32x80x128xi32, #tpu.memory_space<hbm>> -> memref<1x80x128xi32, #tpu.memory_space<hbm>>
      %dma_wait3A_17 = tpu.memref_squeeze %dma_wait3A_16 : memref<1x80x128xi32, #tpu.memory_space<hbm>> -> memref<80x128xi32, #tpu.memory_space<hbm>>
      %dma_wait3A_18 = arith.constant 0 : i32
      %dma_wait3A_19 = arith.constant 0 : i32
      %dma_wait3A_20 = tpu.memref_slice %arg4[%add3A, %dma_wait3A_18, %dma_wait3A_19] : memref<32x80x128xi32, #tpu.memory_space<hbm>> -> memref<1x80x128xi32, #tpu.memory_space<hbm>>
      %dma_wait3A_21 = tpu.memref_squeeze %dma_wait3A_20 : memref<1x80x128xi32, #tpu.memory_space<hbm>> -> memref<80x128xi32, #tpu.memory_space<hbm>>
      tpu.wait_dma2 semaphore(%run_scoped3A : memref<!tpu.dma_semaphore, #tpu.memory_space<semaphore_mem>>) src(%dma_wait3A_21 : memref<80x128xi32, #tpu.memory_space<hbm>>) dst(%arg7 : memref<80x128xi32, #tpu.memory_space<vmem>>)
      tpu.yield
    }) : () -> ()
    "tpu.region"() ({
      %run_scoped3A = tpu.sem_alloc : memref<!tpu.dma_semaphore, #tpu.memory_space<semaphore_mem>>
      %dma_start3A = arith.constant 0 : i32
      %dma_start3A_8 = arith.constant 0 : i32
      %dma_start3A_9 = tpu.memref_slice %arg5[%add3A, %dma_start3A, %dma_start3A_8] : memref<32x80x128xi32, #tpu.memory_space<hbm>> -> memref<1x80x128xi32, #tpu.memory_space<hbm>>
      %dma_start3A_10 = tpu.memref_squeeze %dma_start3A_9 : memref<1x80x128xi32, #tpu.memory_space<hbm>> -> memref<80x128xi32, #tpu.memory_space<hbm>>
      %dma_start3A_11 = arith.constant 0 : i32
      %dma_start3A_12 = arith.constant 0 : i32
      %dma_start3A_13 = tpu.memref_slice %arg5[%add3A, %dma_start3A_11, %dma_start3A_12] : memref<32x80x128xi32, #tpu.memory_space<hbm>> -> memref<1x80x128xi32, #tpu.memory_space<hbm>>
      %dma_start3A_14 = tpu.memref_squeeze %dma_start3A_13 : memref<1x80x128xi32, #tpu.memory_space<hbm>> -> memref<80x128xi32, #tpu.memory_space<hbm>>
      tpu.enqueue_dma source(%dma_start3A_14 : memref<80x128xi32, #tpu.memory_space<hbm>>) target(%arg8 : memref<80x128xi32, #tpu.memory_space<vmem>>) target_semaphore(%run_scoped3A : memref<!tpu.dma_semaphore, #tpu.memory_space<semaphore_mem>>)
      %dma_wait3A = arith.constant 0 : i32
      %dma_wait3A_15 = arith.constant 0 : i32
      %dma_wait3A_16 = tpu.memref_slice %arg5[%add3A, %dma_wait3A, %dma_wait3A_15] : memref<32x80x128xi32, #tpu.memory_space<hbm>> -> memref<1x80x128xi32, #tpu.memory_space<hbm>>
      %dma_wait3A_17 = tpu.memref_squeeze %dma_wait3A_16 : memref<1x80x128xi32, #tpu.memory_space<hbm>> -> memref<80x128xi32, #tpu.memory_space<hbm>>
      %dma_wait3A_18 = arith.constant 0 : i32
      %dma_wait3A_19 = arith.constant 0 : i32
      %dma_wait3A_20 = tpu.memref_slice %arg5[%add3A, %dma_wait3A_18, %dma_wait3A_19] : memref<32x80x128xi32, #tpu.memory_space<hbm>> -> memref<1x80x128xi32, #tpu.memory_space<hbm>>
      %dma_wait3A_21 = tpu.memref_squeeze %dma_wait3A_20 : memref<1x80x128xi32, #tpu.memory_space<hbm>> -> memref<80x128xi32, #tpu.memory_space<hbm>>
      tpu.wait_dma2 semaphore(%run_scoped3A : memref<!tpu.dma_semaphore, #tpu.memory_space<semaphore_mem>>) src(%dma_wait3A_21 : memref<80x128xi32, #tpu.memory_space<hbm>>) dst(%arg8 : memref<80x128xi32, #tpu.memory_space<vmem>>)
      tpu.yield
    }) : () -> ()
    %scan3A = arith.constant 0 : i32
    %scan3A_3 = arith.constant 0 : i32
    %scan3A_4 = arith.constant 79 : i32
    %scan3A_5 = arith.addi %scan3A_3, %scan3A_4 : i32
    %scan3A_6 = arith.constant 1 : i32
    scf.for %scan3A_8 = %scan3A_3 to %scan3A_5 step %scan3A_6  : i32 {
      %dma_start3A = arith.constant 0 : i32
      %dma_start3A_9 = tpu.memref_slice %arg7[%scan3A_8, %dma_start3A] : memref<80x128xi32, #tpu.memory_space<vmem>> -> memref<1x128xi32, #tpu.memory_space<vmem>>
      %dma_start3A_10 = tpu.memref_squeeze %dma_start3A_9 : memref<1x128xi32, #tpu.memory_space<vmem>> -> memref<128xi32, #tpu.memory_space<vmem>>
      %dma_start3A_11 = arith.constant 0 : i32
      %dma_start3A_12 = arith.constant 0 : i32
      %dma_start3A_13 = tpu.memref_slice %arg2[%dma_start3A_11, %dma_start3A_12] : memref<10000x128xf32, #tpu.memory_space<hbm>> -> memref<10000x128xf32, #tpu.memory_space<hbm>>
      tpu.enqueue_indirect_dma source(%dma_start3A_13 : memref<10000x128xf32, #tpu.memory_space<hbm>>) target(%arg9 : memref<128x128xf32, #tpu.memory_space<vmem>>) offsets(%dma_start3A_10 : memref<128xi32, #tpu.memory_space<vmem>>) semaphore(%arg13 : memref<!tpu.dma_semaphore, #tpu.memory_space<semaphore_mem>>)
      %dma_start3A_14 = arith.constant 0 : i32
      %dma_start3A_15 = tpu.memref_slice %arg8[%scan3A_8, %dma_start3A_14] : memref<80x128xi32, #tpu.memory_space<vmem>> -> memref<1x128xi32, #tpu.memory_space<vmem>>
      %dma_start3A_16 = tpu.memref_squeeze %dma_start3A_15 : memref<1x128xi32, #tpu.memory_space<vmem>> -> memref<128xi32, #tpu.memory_space<vmem>>
      %dma_start3A_17 = arith.constant 0 : i32
      %dma_start3A_18 = arith.constant 0 : i32
      %dma_start3A_19 = tpu.memref_slice %arg3[%dma_start3A_17, %dma_start3A_18] : memref<10000x128xf32, #tpu.memory_space<hbm>> -> memref<10000x128xf32, #tpu.memory_space<hbm>>
      tpu.enqueue_indirect_dma source(%dma_start3A_19 : memref<10000x128xf32, #tpu.memory_space<hbm>>) target(%arg10 : memref<128x128xf32, #tpu.memory_space<vmem>>) offsets(%dma_start3A_16 : memref<128xi32, #tpu.memory_space<vmem>>) semaphore(%arg14 : memref<!tpu.dma_semaphore, #tpu.memory_space<semaphore_mem>>)
      %dma_wait3A = arith.constant 0 : i32
      %dma_wait3A_20 = tpu.memref_slice %arg7[%scan3A_8, %dma_wait3A] : memref<80x128xi32, #tpu.memory_space<vmem>> -> memref<1x128xi32, #tpu.memory_space<vmem>>
      %dma_wait3A_21 = tpu.memref_squeeze %dma_wait3A_20 : memref<1x128xi32, #tpu.memory_space<vmem>> -> memref<128xi32, #tpu.memory_space<vmem>>
      %dma_wait3A_22 = arith.constant 0 : i32
      %dma_wait3A_23 = arith.constant 0 : i32
      %dma_wait3A_24 = tpu.memref_slice %arg2[%dma_wait3A_22, %dma_wait3A_23] : memref<10000x128xf32, #tpu.memory_space<hbm>> -> memref<10000x128xf32, #tpu.memory_space<hbm>>
      tpu.wait_indirect_dma semaphore(%arg13 : memref<!tpu.dma_semaphore, #tpu.memory_space<semaphore_mem>>) src(%dma_wait3A_24 : memref<10000x128xf32, #tpu.memory_space<hbm>>) dst(%arg9 : memref<128x128xf32, #tpu.memory_space<vmem>>)
      %dma_wait3A_25 = arith.constant 0 : i32
      %dma_wait3A_26 = tpu.memref_slice %arg8[%scan3A_8, %dma_wait3A_25] : memref<80x128xi32, #tpu.memory_space<vmem>> -> memref<1x128xi32, #tpu.memory_space<vmem>>
      %dma_wait3A_27 = tpu.memref_squeeze %dma_wait3A_26 : memref<1x128xi32, #tpu.memory_space<vmem>> -> memref<128xi32, #tpu.memory_space<vmem>>
      %dma_wait3A_28 = arith.constant 0 : i32
      %dma_wait3A_29 = arith.constant 0 : i32
      %dma_wait3A_30 = tpu.memref_slice %arg3[%dma_wait3A_28, %dma_wait3A_29] : memref<10000x128xf32, #tpu.memory_space<hbm>> -> memref<10000x128xf32, #tpu.memory_space<hbm>>
      tpu.wait_indirect_dma semaphore(%arg14 : memref<!tpu.dma_semaphore, #tpu.memory_space<semaphore_mem>>) src(%dma_wait3A_30 : memref<10000x128xf32, #tpu.memory_space<hbm>>) dst(%arg10 : memref<128x128xf32, #tpu.memory_space<vmem>>)
      %scan3A_31 = arith.constant 0 : i32
      %scan3A_32 = arith.constant 0 : i32
      %scan3A_33 = arith.constant 128 : i32
      %scan3A_34 = arith.addi %scan3A_32, %scan3A_33 : i32
      %scan3A_35 = arith.constant 1 : i32
      scf.for %scan3A_40 = %scan3A_32 to %scan3A_34 step %scan3A_35  : i32 {
        %get3A = arith.index_cast %scan3A_40 : i32 to index
        %get3A_41 = arith.constant 0 : index
        %get3A_42 = tpu.vector_load %arg9[%get3A, %get3A_41] {strides = array<i32>} : memref<128x128xf32, #tpu.memory_space<vmem>>, vector<1x16xf32>,
        %get3A_43 = vector.shape_cast %get3A_42 : vector<1x16xf32> to vector<16xf32>
        %get3A_44 = arith.index_cast %scan3A_40 : i32 to index
        %get3A_45 = arith.constant 0 : index
        %get3A_46 = tpu.vector_load %arg10[%get3A_44, %get3A_45] {strides = array<i32>} : memref<128x128xf32, #tpu.memory_space<vmem>>, vector<1x16xf32>,
        %get3A_47 = vector.shape_cast %get3A_46 : vector<1x16xf32> to vector<16xf32>
        %add3A_48 = arith.addf %get3A_43, %get3A_47 : vector<16xf32>
        %swap3A = arith.index_cast %scan3A_40 : i32 to index
        %swap3A_49 = arith.constant 0 : index
        %swap3A_50 = tpu.vector_load %arg9[%swap3A, %swap3A_49] {strides = array<i32>} : memref<128x128xf32, #tpu.memory_space<vmem>>, vector<1x16xf32>,
        %swap3A_51 = vector.shape_cast %swap3A_50 : vector<1x16xf32> to vector<16xf32>
        %swap3A_52 = vector.shape_cast %add3A_48 : vector<16xf32> to vector<1x16xf32>
        tpu.vector_store %arg9[%swap3A, %swap3A_49], %swap3A_52 {strides = array<i32>} : memref<128x128xf32, #tpu.memory_space<vmem>>, vector<1x16xf32>,
        %get3A_53 = arith.index_cast %scan3A_40 : i32 to index
        %get3A_54 = arith.constant 16 : index
        %get3A_55 = tpu.vector_load %arg9[%get3A_53, %get3A_54] {strides = array<i32>} : memref<128x128xf32, #tpu.memory_space<vmem>>, vector<1x16xf32>,
        %get3A_56 = vector.shape_cast %get3A_55 : vector<1x16xf32> to vector<16xf32>
        %get3A_57 = arith.index_cast %scan3A_40 : i32 to index
        %get3A_58 = arith.constant 16 : index
        %get3A_59 = tpu.vector_load %arg10[%get3A_57, %get3A_58] {strides = array<i32>} : memref<128x128xf32, #tpu.memory_space<vmem>>, vector<1x16xf32>,
        %get3A_60 = vector.shape_cast %get3A_59 : vector<1x16xf32> to vector<16xf32>
        %add3A_61 = arith.addf %get3A_56, %get3A_60 : vector<16xf32>
        %swap3A_62 = arith.index_cast %scan3A_40 : i32 to index
        %swap3A_63 = arith.constant 16 : index
        %swap3A_64 = tpu.vector_load %arg9[%swap3A_62, %swap3A_63] {strides = array<i32>} : memref<128x128xf32, #tpu.memory_space<vmem>>, vector<1x16xf32>,
        %swap3A_65 = vector.shape_cast %swap3A_64 : vector<1x16xf32> to vector<16xf32>
        %swap3A_66 = vector.shape_cast %add3A_61 : vector<16xf32> to vector<1x16xf32>
        tpu.vector_store %arg9[%swap3A_62, %swap3A_63], %swap3A_66 {strides = array<i32>} : memref<128x128xf32, #tpu.memory_space<vmem>>, vector<1x16xf32>,
        %get3A_67 = arith.index_cast %scan3A_40 : i32 to index
        %get3A_68 = arith.constant 32 : index
        %get3A_69 = tpu.vector_load %arg9[%get3A_67, %get3A_68] {strides = array<i32>} : memref<128x128xf32, #tpu.memory_space<vmem>>, vector<1x16xf32>,
        %get3A_70 = vector.shape_cast %get3A_69 : vector<1x16xf32> to vector<16xf32>
        %get3A_71 = arith.index_cast %scan3A_40 : i32 to index
        %get3A_72 = arith.constant 32 : index
        %get3A_73 = tpu.vector_load %arg10[%get3A_71, %get3A_72] {strides = array<i32>} : memref<128x128xf32, #tpu.memory_space<vmem>>, vector<1x16xf32>,
        %get3A_74 = vector.shape_cast %get3A_73 : vector<1x16xf32> to vector<16xf32>
        %add3A_75 = arith.addf %get3A_70, %get3A_74 : vector<16xf32>
        %swap3A_76 = arith.index_cast %scan3A_40 : i32 to index
        %swap3A_77 = arith.constant 32 : index
        %swap3A_78 = tpu.vector_load %arg9[%swap3A_76, %swap3A_77] {strides = array<i32>} : memref<128x128xf32, #tpu.memory_space<vmem>>, vector<1x16xf32>,
        %swap3A_79 = vector.shape_cast %swap3A_78 : vector<1x16xf32> to vector<16xf32>
        %swap3A_80 = vector.shape_cast %add3A_75 : vector<16xf32> to vector<1x16xf32>
        tpu.vector_store %arg9[%swap3A_76, %swap3A_77], %swap3A_80 {strides = array<i32>} : memref<128x128xf32, #tpu.memory_space<vmem>>, vector<1x16xf32>,
        %get3A_81 = arith.index_cast %scan3A_40 : i32 to index
        %get3A_82 = arith.constant 48 : index
        %get3A_83 = tpu.vector_load %arg9[%get3A_81, %get3A_82] {strides = array<i32>} : memref<128x128xf32, #tpu.memory_space<vmem>>, vector<1x16xf32>,
        %get3A_84 = vector.shape_cast %get3A_83 : vector<1x16xf32> to vector<16xf32>
        %get3A_85 = arith.index_cast %scan3A_40 : i32 to index
        %get3A_86 = arith.constant 48 : index
        %get3A_87 = tpu.vector_load %arg10[%get3A_85, %get3A_86] {strides = array<i32>} : memref<128x128xf32, #tpu.memory_space<vmem>>, vector<1x16xf32>,
        %get3A_88 = vector.shape_cast %get3A_87 : vector<1x16xf32> to vector<16xf32>
        %add3A_89 = arith.addf %get3A_84, %get3A_88 : vector<16xf32>
        %swap3A_90 = arith.index_cast %scan3A_40 : i32 to index
        %swap3A_91 = arith.constant 48 : index
        %swap3A_92 = tpu.vector_load %arg9[%swap3A_90, %swap3A_91] {strides = array<i32>} : memref<128x128xf32, #tpu.memory_space<vmem>>, vector<1x16xf32>,
        %swap3A_93 = vector.shape_cast %swap3A_92 : vector<1x16xf32> to vector<16xf32>
        %swap3A_94 = vector.shape_cast %add3A_89 : vector<16xf32> to vector<1x16xf32>
        tpu.vector_store %arg9[%swap3A_90, %swap3A_91], %swap3A_94 {strides = array<i32>} : memref<128x128xf32, #tpu.memory_space<vmem>>, vector<1x16xf32>,
        %get3A_95 = arith.index_cast %scan3A_40 : i32 to index
        %get3A_96 = arith.constant 64 : index
        %get3A_97 = tpu.vector_load %arg9[%get3A_95, %get3A_96] {strides = array<i32>} : memref<128x128xf32, #tpu.memory_space<vmem>>, vector<1x16xf32>,
        %get3A_98 = vector.shape_cast %get3A_97 : vector<1x16xf32> to vector<16xf32>
        %get3A_99 = arith.index_cast %scan3A_40 : i32 to index
        %get3A_100 = arith.constant 64 : index
        %get3A_101 = tpu.vector_load %arg10[%get3A_99, %get3A_100] {strides = array<i32>} : memref<128x128xf32, #tpu.memory_space<vmem>>, vector<1x16xf32>,
        %get3A_102 = vector.shape_cast %get3A_101 : vector<1x16xf32> to vector<16xf32>
        %add3A_103 = arith.addf %get3A_98, %get3A_102 : vector<16xf32>
        %swap3A_104 = arith.index_cast %scan3A_40 : i32 to index
        %swap3A_105 = arith.constant 64 : index
        %swap3A_106 = tpu.vector_load %arg9[%swap3A_104, %swap3A_105] {strides = array<i32>} : memref<128x128xf32, #tpu.memory_space<vmem>>, vector<1x16xf32>,
        %swap3A_107 = vector.shape_cast %swap3A_106 : vector<1x16xf32> to vector<16xf32>
        %swap3A_108 = vector.shape_cast %add3A_103 : vector<16xf32> to vector<1x16xf32>
        tpu.vector_store %arg9[%swap3A_104, %swap3A_105], %swap3A_108 {strides = array<i32>} : memref<128x128xf32, #tpu.memory_space<vmem>>, vector<1x16xf32>,
        %get3A_109 = arith.index_cast %scan3A_40 : i32 to index
        %get3A_110 = arith.constant 80 : index
        %get3A_111 = tpu.vector_load %arg9[%get3A_109, %get3A_110] {strides = array<i32>} : memref<128x128xf32, #tpu.memory_space<vmem>>, vector<1x16xf32>,
        %get3A_112 = vector.shape_cast %get3A_111 : vector<1x16xf32> to vector<16xf32>
        %get3A_113 = arith.index_cast %scan3A_40 : i32 to index
        %get3A_114 = arith.constant 80 : index
        %get3A_115 = tpu.vector_load %arg10[%get3A_113, %get3A_114] {strides = array<i32>} : memref<128x128xf32, #tpu.memory_space<vmem>>, vector<1x16xf32>,
        %get3A_116 = vector.shape_cast %get3A_115 : vector<1x16xf32> to vector<16xf32>
        %add3A_117 = arith.addf %get3A_112, %get3A_116 : vector<16xf32>
        %swap3A_118 = arith.index_cast %scan3A_40 : i32 to index
        %swap3A_119 = arith.constant 80 : index
        %swap3A_120 = tpu.vector_load %arg9[%swap3A_118, %swap3A_119] {strides = array<i32>} : memref<128x128xf32, #tpu.memory_space<vmem>>, vector<1x16xf32>,
        %swap3A_121 = vector.shape_cast %swap3A_120 : vector<1x16xf32> to vector<16xf32>
        %swap3A_122 = vector.shape_cast %add3A_117 : vector<16xf32> to vector<1x16xf32>
        tpu.vector_store %arg9[%swap3A_118, %swap3A_119], %swap3A_122 {strides = array<i32>} : memref<128x128xf32, #tpu.memory_space<vmem>>, vector<1x16xf32>,
        %get3A_123 = arith.index_cast %scan3A_40 : i32 to index
        %get3A_124 = arith.constant 96 : index
        %get3A_125 = tpu.vector_load %arg9[%get3A_123, %get3A_124] {strides = array<i32>} : memref<128x128xf32, #tpu.memory_space<vmem>>, vector<1x16xf32>,
        %get3A_126 = vector.shape_cast %get3A_125 : vector<1x16xf32> to vector<16xf32>
        %get3A_127 = arith.index_cast %scan3A_40 : i32 to index
        %get3A_128 = arith.constant 96 : index
        %get3A_129 = tpu.vector_load %arg10[%get3A_127, %get3A_128] {strides = array<i32>} : memref<128x128xf32, #tpu.memory_space<vmem>>, vector<1x16xf32>,
        %get3A_130 = vector.shape_cast %get3A_129 : vector<1x16xf32> to vector<16xf32>
        %add3A_131 = arith.addf %get3A_126, %get3A_130 : vector<16xf32>
        %swap3A_132 = arith.index_cast %scan3A_40 : i32 to index
        %swap3A_133 = arith.constant 96 : index
        %swap3A_134 = tpu.vector_load %arg9[%swap3A_132, %swap3A_133] {strides = array<i32>} : memref<128x128xf32, #tpu.memory_space<vmem>>, vector<1x16xf32>,
        %swap3A_135 = vector.shape_cast %swap3A_134 : vector<1x16xf32> to vector<16xf32>
        %swap3A_136 = vector.shape_cast %add3A_131 : vector<16xf32> to vector<1x16xf32>
        tpu.vector_store %arg9[%swap3A_132, %swap3A_133], %swap3A_136 {strides = array<i32>} : memref<128x128xf32, #tpu.memory_space<vmem>>, vector<1x16xf32>,
        %get3A_137 = arith.index_cast %scan3A_40 : i32 to index
        %get3A_138 = arith.constant 112 : index
        %get3A_139 = tpu.vector_load %arg9[%get3A_137, %get3A_138] {strides = array<i32>} : memref<128x128xf32, #tpu.memory_space<vmem>>, vector<1x16xf32>,
        %get3A_140 = vector.shape_cast %get3A_139 : vector<1x16xf32> to vector<16xf32>
        %get3A_141 = arith.index_cast %scan3A_40 : i32 to index
        %get3A_142 = arith.constant 112 : index
        %get3A_143 = tpu.vector_load %arg10[%get3A_141, %get3A_142] {strides = array<i32>} : memref<128x128xf32, #tpu.memory_space<vmem>>, vector<1x16xf32>,
        %get3A_144 = vector.shape_cast %get3A_143 : vector<1x16xf32> to vector<16xf32>
        %add3A_145 = arith.addf %get3A_140, %get3A_144 : vector<16xf32>
        %swap3A_146 = arith.index_cast %scan3A_40 : i32 to index
        %swap3A_147 = arith.constant 112 : index
        %swap3A_148 = tpu.vector_load %arg9[%swap3A_146, %swap3A_147] {strides = array<i32>} : memref<128x128xf32, #tpu.memory_space<vmem>>, vector<1x16xf32>,
        %swap3A_149 = vector.shape_cast %swap3A_148 : vector<1x16xf32> to vector<16xf32>
        %swap3A_150 = vector.shape_cast %add3A_145 : vector<16xf32> to vector<1x16xf32>
        tpu.vector_store %arg9[%swap3A_146, %swap3A_147], %swap3A_150 {strides = array<i32>} : memref<128x128xf32, #tpu.memory_space<vmem>>, vector<1x16xf32>,
      }
      %scan3A_36 = arith.constant 128 : i32
      %mul3A_37 = arith.constant 128 : i32
      %mul3A_38 = arith.muli %scan3A_8, %mul3A_37 : i32
      %add3A_39 = arith.addi %mul3A_2, %mul3A_38 : i32
      "tpu.region"() ({
        %run_scoped3A = tpu.sem_alloc : memref<!tpu.dma_semaphore, #tpu.memory_space<semaphore_mem>>
        %dma_start3A_40 = arith.constant 0 : i32
        %dma_start3A_41 = tpu.memref_slice %arg6[%add3A_39, %dma_start3A_40] : memref<323584x128xf32, #tpu.memory_space<hbm>> -> memref<128x128xf32, #tpu.memory_space<hbm>>
        %dma_start3A_42 = arith.constant 0 : i32
        %dma_start3A_43 = tpu.memref_slice %arg6[%add3A_39, %dma_start3A_42] : memref<323584x128xf32, #tpu.memory_space<hbm>> -> memref<128x128xf32, #tpu.memory_space<hbm>>
        tpu.enqueue_dma source(%arg9 : memref<128x128xf32, #tpu.memory_space<vmem>>) target(%dma_start3A_43 : memref<128x128xf32, #tpu.memory_space<hbm>>) target_semaphore(%run_scoped3A : memref<!tpu.dma_semaphore, #tpu.memory_space<semaphore_mem>>)
        %dma_wait3A_44 = arith.constant 0 : i32
        %dma_wait3A_45 = tpu.memref_slice %arg6[%add3A_39, %dma_wait3A_44] : memref<323584x128xf32, #tpu.memory_space<hbm>> -> memref<128x128xf32, #tpu.memory_space<hbm>>
        %dma_wait3A_46 = arith.constant 0 : i32
        %dma_wait3A_47 = tpu.memref_slice %arg6[%add3A_39, %dma_wait3A_46] : memref<323584x128xf32, #tpu.memory_space<hbm>> -> memref<128x128xf32, #tpu.memory_space<hbm>>
        tpu.wait_dma2 semaphore(%run_scoped3A : memref<!tpu.dma_semaphore, #tpu.memory_space<semaphore_mem>>) src(%arg9 : memref<128x128xf32, #tpu.memory_space<vmem>>) dst(%dma_wait3A_47 : memref<128x128xf32, #tpu.memory_space<hbm>>)
        tpu.yield
      }) : () -> ()
    }
    %scan3A_7 = arith.constant 79 : i32
    return
  }
}

#map = affine_map<(d0, d1) -> (0, 0)>
#map1 = affine_map<(d0, d1) -> (0, 0, 0)>
module attributes {stable_mosaic.version = 14 : i64} {
  func.func @_sc_gather_body(%arg0: i32, %arg1: i32, %arg2: memref<10000x128xf32, #tpu.memory_space<hbm>>, %arg3: memref<10000x128xf32, #tpu.memory_space<hbm>>, %arg4: memref<32x80x128xi32, #tpu.memory_space<hbm>>, %arg5: memref<32x80x128xi32, #tpu.memory_space<hbm>>, %arg6: memref<323584x128xf32, #tpu.memory_space<hbm>>, %arg7: memref<80x128xi32, #tpu.memory_space<vmem>>, %arg8: memref<80x128xi32, #tpu.memory_space<vmem>>, %arg9: memref<128x128xf32, #tpu.memory_space<vmem>>, %arg10: memref<128x128xf32, #tpu.memory_space<vmem>>, %arg11: memref<128x128xf32, #tpu.memory_space<vmem>>, %arg12: memref<128x128xf32, #tpu.memory_space<vmem>>, %arg13: memref<!tpu.dma_semaphore, #tpu.memory_space<semaphore_mem>>, %arg14: memref<!tpu.dma_semaphore, #tpu.memory_space<semaphore_mem>>, %arg15: memref<!tpu.dma_semaphore, #tpu.memory_space<semaphore_mem>>, %arg16: memref<!tpu.dma_semaphore, #tpu.memory_space<semaphore_mem>>) attributes {dimension_semantics = [#tpu.dimension_semantics<core_parallel>, #tpu.dimension_semantics<subcore_parallel>], iteration_bounds = array<i64: 2, 16>, scalar_prefetch = 0 : i64, scratch_operands = 10 : i64, tpu.core_type = #tpu.core_type<sc_vector_subcore>, window_params = [{transform_indices = #map}, {transform_indices = #map}, {transform_indices = #map1}, {transform_indices = #map1}, {transform_indices = #map}]} {
    %mul3A = arith.constant 2 : i32
    %mul3A_0 = arith.muli %arg1, %mul3A : i32
    %add3A = arith.addi %mul3A_0, %arg0 : i32
    %mul3A_1 = arith.constant 10112 : i32
    %mul3A_2 = arith.muli %add3A, %mul3A_1 : i32
    "tpu.region"() ({
      %run_scoped3A = tpu.sem_alloc : memref<!tpu.dma_semaphore, #tpu.memory_space<semaphore_mem>>
      %dma_start3A = arith.constant 0 : i32
      %dma_start3A_8 = arith.constant 0 : i32
      %dma_start3A_9 = tpu.memref_slice %arg4[%add3A, %dma_start3A, %dma_start3A_8] : memref<32x80x128xi32, #tpu.memory_space<hbm>> -> memref<1x80x128xi32, #tpu.memory_space<hbm>>
      %dma_start3A_10 = tpu.memref_squeeze %dma_start3A_9 : memref<1x80x128xi32, #tpu.memory_space<hbm>> -> memref<80x128xi32, #tpu.memory_space<hbm>>
      %dma_start3A_11 = arith.constant 0 : i32
      %dma_start3A_12 = arith.constant 0 : i32
      %dma_start3A_13 = tpu.memref_slice %arg4[%add3A, %dma_start3A_11, %dma_start3A_12] : memref<32x80x128xi32, #tpu.memory_space<hbm>> -> memref<1x80x128xi32, #tpu.memory_space<hbm>>
      %dma_start3A_14 = tpu.memref_squeeze %dma_start3A_13 : memref<1x80x128xi32, #tpu.memory_space<hbm>> -> memref<80x128xi32, #tpu.memory_space<hbm>>
      tpu.enqueue_dma source(%dma_start3A_14 : memref<80x128xi32, #tpu.memory_space<hbm>>) target(%arg7 : memref<80x128xi32, #tpu.memory_space<vmem>>) target_semaphore(%run_scoped3A : memref<!tpu.dma_semaphore, #tpu.memory_space<semaphore_mem>>)
      %dma_wait3A = arith.constant 0 : i32
      %dma_wait3A_15 = arith.constant 0 : i32
      %dma_wait3A_16 = tpu.memref_slice %arg4[%add3A, %dma_wait3A, %dma_wait3A_15] : memref<32x80x128xi32, #tpu.memory_space<hbm>> -> memref<1x80x128xi32, #tpu.memory_space<hbm>>
      %dma_wait3A_17 = tpu.memref_squeeze %dma_wait3A_16 : memref<1x80x128xi32, #tpu.memory_space<hbm>> -> memref<80x128xi32, #tpu.memory_space<hbm>>
      %dma_wait3A_18 = arith.constant 0 : i32
      %dma_wait3A_19 = arith.constant 0 : i32
      %dma_wait3A_20 = tpu.memref_slice %arg4[%add3A, %dma_wait3A_18, %dma_wait3A_19] : memref<32x80x128xi32, #tpu.memory_space<hbm>> -> memref<1x80x128xi32, #tpu.memory_space<hbm>>
      %dma_wait3A_21 = tpu.memref_squeeze %dma_wait3A_20 : memref<1x80x128xi32, #tpu.memory_space<hbm>> -> memref<80x128xi32, #tpu.memory_space<hbm>>
      tpu.wait_dma2 semaphore(%run_scoped3A : memref<!tpu.dma_semaphore, #tpu.memory_space<semaphore_mem>>) src(%dma_wait3A_21 : memref<80x128xi32, #tpu.memory_space<hbm>>) dst(%arg7 : memref<80x128xi32, #tpu.memory_space<vmem>>)
      tpu.yield
    }) : () -> ()
    "tpu.region"() ({
      %run_scoped3A = tpu.sem_alloc : memref<!tpu.dma_semaphore, #tpu.memory_space<semaphore_mem>>
      %dma_start3A = arith.constant 0 : i32
      %dma_start3A_8 = arith.constant 0 : i32
      %dma_start3A_9 = tpu.memref_slice %arg5[%add3A, %dma_start3A, %dma_start3A_8] : memref<32x80x128xi32, #tpu.memory_space<hbm>> -> memref<1x80x128xi32, #tpu.memory_space<hbm>>
      %dma_start3A_10 = tpu.memref_squeeze %dma_start3A_9 : memref<1x80x128xi32, #tpu.memory_space<hbm>> -> memref<80x128xi32, #tpu.memory_space<hbm>>
      %dma_start3A_11 = arith.constant 0 : i32
      %dma_start3A_12 = arith.constant 0 : i32
      %dma_start3A_13 = tpu.memref_slice %arg5[%add3A, %dma_start3A_11, %dma_start3A_12] : memref<32x80x128xi32, #tpu.memory_space<hbm>> -> memref<1x80x128xi32, #tpu.memory_space<hbm>>
      %dma_start3A_14 = tpu.memref_squeeze %dma_start3A_13 : memref<1x80x128xi32, #tpu.memory_space<hbm>> -> memref<80x128xi32, #tpu.memory_space<hbm>>
      tpu.enqueue_dma source(%dma_start3A_14 : memref<80x128xi32, #tpu.memory_space<hbm>>) target(%arg8 : memref<80x128xi32, #tpu.memory_space<vmem>>) target_semaphore(%run_scoped3A : memref<!tpu.dma_semaphore, #tpu.memory_space<semaphore_mem>>)
      %dma_wait3A = arith.constant 0 : i32
      %dma_wait3A_15 = arith.constant 0 : i32
      %dma_wait3A_16 = tpu.memref_slice %arg5[%add3A, %dma_wait3A, %dma_wait3A_15] : memref<32x80x128xi32, #tpu.memory_space<hbm>> -> memref<1x80x128xi32, #tpu.memory_space<hbm>>
      %dma_wait3A_17 = tpu.memref_squeeze %dma_wait3A_16 : memref<1x80x128xi32, #tpu.memory_space<hbm>> -> memref<80x128xi32, #tpu.memory_space<hbm>>
      %dma_wait3A_18 = arith.constant 0 : i32
      %dma_wait3A_19 = arith.constant 0 : i32
      %dma_wait3A_20 = tpu.memref_slice %arg5[%add3A, %dma_wait3A_18, %dma_wait3A_19] : memref<32x80x128xi32, #tpu.memory_space<hbm>> -> memref<1x80x128xi32, #tpu.memory_space<hbm>>
      %dma_wait3A_21 = tpu.memref_squeeze %dma_wait3A_20 : memref<1x80x128xi32, #tpu.memory_space<hbm>> -> memref<80x128xi32, #tpu.memory_space<hbm>>
      tpu.wait_dma2 semaphore(%run_scoped3A : memref<!tpu.dma_semaphore, #tpu.memory_space<semaphore_mem>>) src(%dma_wait3A_21 : memref<80x128xi32, #tpu.memory_space<hbm>>) dst(%arg8 : memref<80x128xi32, #tpu.memory_space<vmem>>)
      tpu.yield
    }) : () -> ()
    %scan3A = arith.constant 0 : i32
    %scan3A_3 = arith.constant 0 : i32
    %scan3A_4 = arith.constant 79 : i32
    %scan3A_5 = arith.addi %scan3A_3, %scan3A_4 : i32
    %scan3A_6 = arith.constant 1 : i32
    scf.for %scan3A_8 = %scan3A_3 to %scan3A_5 step %scan3A_6  : i32 {
      %dma_start3A = arith.constant 0 : i32
      %dma_start3A_9 = tpu.memref_slice %arg7[%scan3A_8, %dma_start3A] : memref<80x128xi32, #tpu.memory_space<vmem>> -> memref<1x128xi32, #tpu.memory_space<vmem>>
      %dma_start3A_10 = tpu.memref_squeeze %dma_start3A_9 : memref<1x128xi32, #tpu.memory_space<vmem>> -> memref<128xi32, #tpu.memory_space<vmem>>
      %dma_start3A_11 = arith.constant 0 : i32
      %dma_start3A_12 = arith.constant 0 : i32
      %dma_start3A_13 = tpu.memref_slice %arg2[%dma_start3A_11, %dma_start3A_12] : memref<10000x128xf32, #tpu.memory_space<hbm>> -> memref<10000x128xf32, #tpu.memory_space<hbm>>
      tpu.enqueue_indirect_dma source(%dma_start3A_13 : memref<10000x128xf32, #tpu.memory_space<hbm>>) target(%arg9 : memref<128x128xf32, #tpu.memory_space<vmem>>) offsets(%dma_start3A_10 : memref<128xi32, #tpu.memory_space<vmem>>) semaphore(%arg13 : memref<!tpu.dma_semaphore, #tpu.memory_space<semaphore_mem>>)
      %dma_start3A_14 = arith.constant 0 : i32
      %dma_start3A_15 = tpu.memref_slice %arg8[%scan3A_8, %dma_start3A_14] : memref<80x128xi32, #tpu.memory_space<vmem>> -> memref<1x128xi32, #tpu.memory_space<vmem>>
      %dma_start3A_16 = tpu.memref_squeeze %dma_start3A_15 : memref<1x128xi32, #tpu.memory_space<vmem>> -> memref<128xi32, #tpu.memory_space<vmem>>
      %dma_start3A_17 = arith.constant 0 : i32
      %dma_start3A_18 = arith.constant 0 : i32
      %dma_start3A_19 = tpu.memref_slice %arg3[%dma_start3A_17, %dma_start3A_18] : memref<10000x128xf32, #tpu.memory_space<hbm>> -> memref<10000x128xf32, #tpu.memory_space<hbm>>
      tpu.enqueue_indirect_dma source(%dma_start3A_19 : memref<10000x128xf32, #tpu.memory_space<hbm>>) target(%arg10 : memref<128x128xf32, #tpu.memory_space<vmem>>) offsets(%dma_start3A_16 : memref<128xi32, #tpu.memory_space<vmem>>) semaphore(%arg14 : memref<!tpu.dma_semaphore, #tpu.memory_space<semaphore_mem>>)
      %dma_wait3A = arith.constant 0 : i32
      %dma_wait3A_20 = tpu.memref_slice %arg7[%scan3A_8, %dma_wait3A] : memref<80x128xi32, #tpu.memory_space<vmem>> -> memref<1x128xi32, #tpu.memory_space<vmem>>
      %dma_wait3A_21 = tpu.memref_squeeze %dma_wait3A_20 : memref<1x128xi32, #tpu.memory_space<vmem>> -> memref<128xi32, #tpu.memory_space<vmem>>
      %dma_wait3A_22 = arith.constant 0 : i32
      %dma_wait3A_23 = arith.constant 0 : i32
      %dma_wait3A_24 = tpu.memref_slice %arg2[%dma_wait3A_22, %dma_wait3A_23] : memref<10000x128xf32, #tpu.memory_space<hbm>> -> memref<10000x128xf32, #tpu.memory_space<hbm>>
      tpu.wait_indirect_dma semaphore(%arg13 : memref<!tpu.dma_semaphore, #tpu.memory_space<semaphore_mem>>) src(%dma_wait3A_24 : memref<10000x128xf32, #tpu.memory_space<hbm>>) dst(%arg9 : memref<128x128xf32, #tpu.memory_space<vmem>>)
      %dma_wait3A_25 = arith.constant 0 : i32
      %dma_wait3A_26 = tpu.memref_slice %arg8[%scan3A_8, %dma_wait3A_25] : memref<80x128xi32, #tpu.memory_space<vmem>> -> memref<1x128xi32, #tpu.memory_space<vmem>>
      %dma_wait3A_27 = tpu.memref_squeeze %dma_wait3A_26 : memref<1x128xi32, #tpu.memory_space<vmem>> -> memref<128xi32, #tpu.memory_space<vmem>>
      %dma_wait3A_28 = arith.constant 0 : i32
      %dma_wait3A_29 = arith.constant 0 : i32
      %dma_wait3A_30 = tpu.memref_slice %arg3[%dma_wait3A_28, %dma_wait3A_29] : memref<10000x128xf32, #tpu.memory_space<hbm>> -> memref<10000x128xf32, #tpu.memory_space<hbm>>
      tpu.wait_indirect_dma semaphore(%arg14 : memref<!tpu.dma_semaphore, #tpu.memory_space<semaphore_mem>>) src(%dma_wait3A_30 : memref<10000x128xf32, #tpu.memory_space<hbm>>) dst(%arg10 : memref<128x128xf32, #tpu.memory_space<vmem>>)
      %scan3A_31 = arith.constant 0 : i32
      %scan3A_32 = arith.constant 0 : i32
      %scan3A_33 = arith.constant 128 : i32
      %scan3A_34 = arith.addi %scan3A_32, %scan3A_33 : i32
      %scan3A_35 = arith.constant 1 : i32
      scf.for %scan3A_40 = %scan3A_32 to %scan3A_34 step %scan3A_35  : i32 {
        %get3A = arith.index_cast %scan3A_40 : i32 to index
        %get3A_41 = arith.constant 0 : index
        %get3A_42 = tpu.vector_load %arg9[%get3A, %get3A_41] {strides = array<i32>} : memref<128x128xf32, #tpu.memory_space<vmem>>, vector<1x16xf32>,
        %get3A_43 = vector.shape_cast %get3A_42 : vector<1x16xf32> to vector<16xf32>
        %get3A_44 = arith.index_cast %scan3A_40 : i32 to index
        %get3A_45 = arith.constant 0 : index
        %get3A_46 = tpu.vector_load %arg10[%get3A_44, %get3A_45] {strides = array<i32>} : memref<128x128xf32, #tpu.memory_space<vmem>>, vector<1x16xf32>,
        %get3A_47 = vector.shape_cast %get3A_46 : vector<1x16xf32> to vector<16xf32>
        %add3A_48 = arith.addf %get3A_43, %get3A_47 : vector<16xf32>
        %swap3A = arith.index_cast %scan3A_40 : i32 to index
        %swap3A_49 = arith.constant 0 : index
        %swap3A_50 = tpu.vector_load %arg9[%swap3A, %swap3A_49] {strides = array<i32>} : memref<128x128xf32, #tpu.memory_space<vmem>>, vector<1x16xf32>,
        %swap3A_51 = vector.shape_cast %swap3A_50 : vector<1x16xf32> to vector<16xf32>
        %swap3A_52 = vector.shape_cast %add3A_48 : vector<16xf32> to vector<1x16xf32>
        tpu.vector_store %arg9[%swap3A, %swap3A_49], %swap3A_52 {strides = array<i32>} : memref<128x128xf32, #tpu.memory_space<vmem>>, vector<1x16xf32>,
        %get3A_53 = arith.index_cast %scan3A_40 : i32 to index
        %get3A_54 = arith.constant 16 : index
        %get3A_55 = tpu.vector_load %arg9[%get3A_53, %get3A_54] {strides = array<i32>} : memref<128x128xf32, #tpu.memory_space<vmem>>, vector<1x16xf32>,
        %get3A_56 = vector.shape_cast %get3A_55 : vector<1x16xf32> to vector<16xf32>
        %get3A_57 = arith.index_cast %scan3A_40 : i32 to index
        %get3A_58 = arith.constant 16 : index
        %get3A_59 = tpu.vector_load %arg10[%get3A_57, %get3A_58] {strides = array<i32>} : memref<128x128xf32, #tpu.memory_space<vmem>>, vector<1x16xf32>,
        %get3A_60 = vector.shape_cast %get3A_59 : vector<1x16xf32> to vector<16xf32>
        %add3A_61 = arith.addf %get3A_56, %get3A_60 : vector<16xf32>
        %swap3A_62 = arith.index_cast %scan3A_40 : i32 to index
        %swap3A_63 = arith.constant 16 : index
        %swap3A_64 = tpu.vector_load %arg9[%swap3A_62, %swap3A_63] {strides = array<i32>} : memref<128x128xf32, #tpu.memory_space<vmem>>, vector<1x16xf32>,
        %swap3A_65 = vector.shape_cast %swap3A_64 : vector<1x16xf32> to vector<16xf32>
        %swap3A_66 = vector.shape_cast %add3A_61 : vector<16xf32> to vector<1x16xf32>
        tpu.vector_store %arg9[%swap3A_62, %swap3A_63], %swap3A_66 {strides = array<i32>} : memref<128x128xf32, #tpu.memory_space<vmem>>, vector<1x16xf32>,
        %get3A_67 = arith.index_cast %scan3A_40 : i32 to index
        %get3A_68 = arith.constant 32 : index
        %get3A_69 = tpu.vector_load %arg9[%get3A_67, %get3A_68] {strides = array<i32>} : memref<128x128xf32, #tpu.memory_space<vmem>>, vector<1x16xf32>,
        %get3A_70 = vector.shape_cast %get3A_69 : vector<1x16xf32> to vector<16xf32>
        %get3A_71 = arith.index_cast %scan3A_40 : i32 to index
        %get3A_72 = arith.constant 32 : index
        %get3A_73 = tpu.vector_load %arg10[%get3A_71, %get3A_72] {strides = array<i32>} : memref<128x128xf32, #tpu.memory_space<vmem>>, vector<1x16xf32>,
        %get3A_74 = vector.shape_cast %get3A_73 : vector<1x16xf32> to vector<16xf32>
        %add3A_75 = arith.addf %get3A_70, %get3A_74 : vector<16xf32>
        %swap3A_76 = arith.index_cast %scan3A_40 : i32 to index
        %swap3A_77 = arith.constant 32 : index
        %swap3A_78 = tpu.vector_load %arg9[%swap3A_76, %swap3A_77] {strides = array<i32>} : memref<128x128xf32, #tpu.memory_space<vmem>>, vector<1x16xf32>,
        %swap3A_79 = vector.shape_cast %swap3A_78 : vector<1x16xf32> to vector<16xf32>
        %swap3A_80 = vector.shape_cast %add3A_75 : vector<16xf32> to vector<1x16xf32>
        tpu.vector_store %arg9[%swap3A_76, %swap3A_77], %swap3A_80 {strides = array<i32>} : memref<128x128xf32, #tpu.memory_space<vmem>>, vector<1x16xf32>,
        %get3A_81 = arith.index_cast %scan3A_40 : i32 to index
        %get3A_82 = arith.constant 48 : index
        %get3A_83 = tpu.vector_load %arg9[%get3A_81, %get3A_82] {strides = array<i32>} : memref<128x128xf32, #tpu.memory_space<vmem>>, vector<1x16xf32>,
        %get3A_84 = vector.shape_cast %get3A_83 : vector<1x16xf32> to vector<16xf32>
        %get3A_85 = arith.index_cast %scan3A_40 : i32 to index
        %get3A_86 = arith.constant 48 : index
        %get3A_87 = tpu.vector_load %arg10[%get3A_85, %get3A_86] {strides = array<i32>} : memref<128x128xf32, #tpu.memory_space<vmem>>, vector<1x16xf32>,
        %get3A_88 = vector.shape_cast %get3A_87 : vector<1x16xf32> to vector<16xf32>
        %add3A_89 = arith.addf %get3A_84, %get3A_88 : vector<16xf32>
        %swap3A_90 = arith.index_cast %scan3A_40 : i32 to index
        %swap3A_91 = arith.constant 48 : index
        %swap3A_92 = tpu.vector_load %arg9[%swap3A_90, %swap3A_91] {strides = array<i32>} : memref<128x128xf32, #tpu.memory_space<vmem>>, vector<1x16xf32>,
        %swap3A_93 = vector.shape_cast %swap3A_92 : vector<1x16xf32> to vector<16xf32>
        %swap3A_94 = vector.shape_cast %add3A_89 : vector<16xf32> to vector<1x16xf32>
        tpu.vector_store %arg9[%swap3A_90, %swap3A_91], %swap3A_94 {strides = array<i32>} : memref<128x128xf32, #tpu.memory_space<vmem>>, vector<1x16xf32>,
        %get3A_95 = arith.index_cast %scan3A_40 : i32 to index
        %get3A_96 = arith.constant 64 : index
        %get3A_97 = tpu.vector_load %arg9[%get3A_95, %get3A_96] {strides = array<i32>} : memref<128x128xf32, #tpu.memory_space<vmem>>, vector<1x16xf32>,
        %get3A_98 = vector.shape_cast %get3A_97 : vector<1x16xf32> to vector<16xf32>
        %get3A_99 = arith.index_cast %scan3A_40 : i32 to index
        %get3A_100 = arith.constant 64 : index
        %get3A_101 = tpu.vector_load %arg10[%get3A_99, %get3A_100] {strides = array<i32>} : memref<128x128xf32, #tpu.memory_space<vmem>>, vector<1x16xf32>,
        %get3A_102 = vector.shape_cast %get3A_101 : vector<1x16xf32> to vector<16xf32>
        %add3A_103 = arith.addf %get3A_98, %get3A_102 : vector<16xf32>
        %swap3A_104 = arith.index_cast %scan3A_40 : i32 to index
        %swap3A_105 = arith.constant 64 : index
        %swap3A_106 = tpu.vector_load %arg9[%swap3A_104, %swap3A_105] {strides = array<i32>} : memref<128x128xf32, #tpu.memory_space<vmem>>, vector<1x16xf32>,
        %swap3A_107 = vector.shape_cast %swap3A_106 : vector<1x16xf32> to vector<16xf32>
        %swap3A_108 = vector.shape_cast %add3A_103 : vector<16xf32> to vector<1x16xf32>
        tpu.vector_store %arg9[%swap3A_104, %swap3A_105], %swap3A_108 {strides = array<i32>} : memref<128x128xf32, #tpu.memory_space<vmem>>, vector<1x16xf32>,
        %get3A_109 = arith.index_cast %scan3A_40 : i32 to index
        %get3A_110 = arith.constant 80 : index
        %get3A_111 = tpu.vector_load %arg9[%get3A_109, %get3A_110] {strides = array<i32>} : memref<128x128xf32, #tpu.memory_space<vmem>>, vector<1x16xf32>,
        %get3A_112 = vector.shape_cast %get3A_111 : vector<1x16xf32> to vector<16xf32>
        %get3A_113 = arith.index_cast %scan3A_40 : i32 to index
        %get3A_114 = arith.constant 80 : index
        %get3A_115 = tpu.vector_load %arg10[%get3A_113, %get3A_114] {strides = array<i32>} : memref<128x128xf32, #tpu.memory_space<vmem>>, vector<1x16xf32>,
        %get3A_116 = vector.shape_cast %get3A_115 : vector<1x16xf32> to vector<16xf32>
        %add3A_117 = arith.addf %get3A_112, %get3A_116 : vector<16xf32>
        %swap3A_118 = arith.index_cast %scan3A_40 : i32 to index
        %swap3A_119 = arith.constant 80 : index
        %swap3A_120 = tpu.vector_load %arg9[%swap3A_118, %swap3A_119] {strides = array<i32>} : memref<128x128xf32, #tpu.memory_space<vmem>>, vector<1x16xf32>,
        %swap3A_121 = vector.shape_cast %swap3A_120 : vector<1x16xf32> to vector<16xf32>
        %swap3A_122 = vector.shape_cast %add3A_117 : vector<16xf32> to vector<1x16xf32>
        tpu.vector_store %arg9[%swap3A_118, %swap3A_119], %swap3A_122 {strides = array<i32>} : memref<128x128xf32, #tpu.memory_space<vmem>>, vector<1x16xf32>,
        %get3A_123 = arith.index_cast %scan3A_40 : i32 to index
        %get3A_124 = arith.constant 96 : index
        %get3A_125 = tpu.vector_load %arg9[%get3A_123, %get3A_124] {strides = array<i32>} : memref<128x128xf32, #tpu.memory_space<vmem>>, vector<1x16xf32>,
        %get3A_126 = vector.shape_cast %get3A_125 : vector<1x16xf32> to vector<16xf32>
        %get3A_127 = arith.index_cast %scan3A_40 : i32 to index
        %get3A_128 = arith.constant 96 : index
        %get3A_129 = tpu.vector_load %arg10[%get3A_127, %get3A_128] {strides = array<i32>} : memref<128x128xf32, #tpu.memory_space<vmem>>, vector<1x16xf32>,
        %get3A_130 = vector.shape_cast %get3A_129 : vector<1x16xf32> to vector<16xf32>
        %add3A_131 = arith.addf %get3A_126, %get3A_130 : vector<16xf32>
        %swap3A_132 = arith.index_cast %scan3A_40 : i32 to index
        %swap3A_133 = arith.constant 96 : index
        %swap3A_134 = tpu.vector_load %arg9[%swap3A_132, %swap3A_133] {strides = array<i32>} : memref<128x128xf32, #tpu.memory_space<vmem>>, vector<1x16xf32>,
        %swap3A_135 = vector.shape_cast %swap3A_134 : vector<1x16xf32> to vector<16xf32>
        %swap3A_136 = vector.shape_cast %add3A_131 : vector<16xf32> to vector<1x16xf32>
        tpu.vector_store %arg9[%swap3A_132, %swap3A_133], %swap3A_136 {strides = array<i32>} : memref<128x128xf32, #tpu.memory_space<vmem>>, vector<1x16xf32>,
        %get3A_137 = arith.index_cast %scan3A_40 : i32 to index
        %get3A_138 = arith.constant 112 : index
        %get3A_139 = tpu.vector_load %arg9[%get3A_137, %get3A_138] {strides = array<i32>} : memref<128x128xf32, #tpu.memory_space<vmem>>, vector<1x16xf32>,
        %get3A_140 = vector.shape_cast %get3A_139 : vector<1x16xf32> to vector<16xf32>
        %get3A_141 = arith.index_cast %scan3A_40 : i32 to index
        %get3A_142 = arith.constant 112 : index
        %get3A_143 = tpu.vector_load %arg10[%get3A_141, %get3A_142] {strides = array<i32>} : memref<128x128xf32, #tpu.memory_space<vmem>>, vector<1x16xf32>,
        %get3A_144 = vector.shape_cast %get3A_143 : vector<1x16xf32> to vector<16xf32>
        %add3A_145 = arith.addf %get3A_140, %get3A_144 : vector<16xf32>
        %swap3A_146 = arith.index_cast %scan3A_40 : i32 to index
        %swap3A_147 = arith.constant 112 : index
        %swap3A_148 = tpu.vector_load %arg9[%swap3A_146, %swap3A_147] {strides = array<i32>} : memref<128x128xf32, #tpu.memory_space<vmem>>, vector<1x16xf32>,
        %swap3A_149 = vector.shape_cast %swap3A_148 : vector<1x16xf32> to vector<16xf32>
        %swap3A_150 = vector.shape_cast %add3A_145 : vector<16xf32> to vector<1x16xf32>
        tpu.vector_store %arg9[%swap3A_146, %swap3A_147], %swap3A_150 {strides = array<i32>} : memref<128x128xf32, #tpu.memory_space<vmem>>, vector<1x16xf32>,
      }
      %scan3A_36 = arith.constant 128 : i32
      %mul3A_37 = arith.constant 128 : i32
      %mul3A_38 = arith.muli %scan3A_8, %mul3A_37 : i32
      %add3A_39 = arith.addi %mul3A_2, %mul3A_38 : i32
      "tpu.region"() ({
        %run_scoped3A = tpu.sem_alloc : memref<!tpu.dma_semaphore, #tpu.memory_space<semaphore_mem>>
        %dma_start3A_40 = arith.constant 0 : i32
        %dma_start3A_41 = tpu.memref_slice %arg6[%add3A_39, %dma_start3A_40] : memref<323584x128xf32, #tpu.memory_space<hbm>> -> memref<128x128xf32, #tpu.memory_space<hbm>>
        %dma_start3A_42 = arith.constant 0 : i32
        %dma_start3A_43 = tpu.memref_slice %arg6[%add3A_39, %dma_start3A_42] : memref<323584x128xf32, #tpu.memory_space<hbm>> -> memref<128x128xf32, #tpu.memory_space<hbm>>
        tpu.enqueue_dma source(%arg9 : memref<128x128xf32, #tpu.memory_space<vmem>>) target(%dma_start3A_43 : memref<128x128xf32, #tpu.memory_space<hbm>>) target_semaphore(%run_scoped3A : memref<!tpu.dma_semaphore, #tpu.memory_space<semaphore_mem>>)
        %dma_wait3A_44 = arith.constant 0 : i32
        %dma_wait3A_45 = tpu.memref_slice %arg6[%add3A_39, %dma_wait3A_44] : memref<323584x128xf32, #tpu.memory_space<hbm>> -> memref<128x128xf32, #tpu.memory_space<hbm>>
        %dma_wait3A_46 = arith.constant 0 : i32
        %dma_wait3A_47 = tpu.memref_slice %arg6[%add3A_39, %dma_wait3A_46] : memref<323584x128xf32, #tpu.memory_space<hbm>> -> memref<128x128xf32, #tpu.memory_space<hbm>>
        tpu.wait_dma2 semaphore(%run_scoped3A : memref<!tpu.dma_semaphore, #tpu.memory_space<semaphore_mem>>) src(%arg9 : memref<128x128xf32, #tpu.memory_space<vmem>>) dst(%dma_wait3A_47 : memref<128x128xf32, #tpu.memory_space<hbm>>)
        tpu.yield
      }) : () -> ()
    }
    %scan3A_7 = arith.constant 79 : i32
    return
  }
}

#map = affine_map<(d0, d1) -> (0, 0)>
#map1 = affine_map<(d0, d1) -> (0, 0, 0)>
module attributes {stable_mosaic.version = 14 : i64} {
  func.func @_sc_scatter_body(%arg0: i32, %arg1: i32, %arg2: memref<323584x128xf32, #tpu.memory_space<hbm>>, %arg3: memref<32x80x128xi32, #tpu.memory_space<hbm>>, %arg4: memref<2x10000x128xf32, #tpu.memory_space<hbm>>, %arg5: memref<10112x128xf32, #tpu.memory_space<vmem_shared>>, %arg6: memref<80x128xi32, #tpu.memory_space<vmem>>, %arg7: memref<128x128xf32, #tpu.memory_space<vmem>>, %arg8: memref<128x128xf32, #tpu.memory_space<vmem>>, %arg9: memref<!tpu.dma_semaphore, #tpu.memory_space<semaphore_mem>>, %arg10: memref<!tpu.dma_semaphore, #tpu.memory_space<semaphore_mem>>) attributes {dimension_semantics = [#tpu.dimension_semantics<core_parallel>, #tpu.dimension_semantics<subcore_parallel>], iteration_bounds = array<i64: 2, 16>, scalar_prefetch = 0 : i64, scratch_operands = 6 : i64, tpu.core_type = #tpu.core_type<sc_vector_subcore>, window_params = [{transform_indices = #map}, {transform_indices = #map1}, {transform_indices = #map1}]} {
    %mul3A = arith.constant 16 : i32
    %mul3A_0 = arith.muli %arg0, %mul3A : i32
    %add3A = arith.addi %mul3A_0, %arg1 : i32
    %mul3A_1 = arith.constant 10112 : i32
    %mul3A_2 = arith.muli %add3A, %mul3A_1 : i32
    %scan3A = arith.constant 0 : i32
    %scan3A_3 = arith.constant 0 : i32
    %scan3A_4 = arith.constant 128 : i32
    %scan3A_5 = arith.addi %scan3A_3, %scan3A_4 : i32
    %scan3A_6 = arith.constant 1 : i32
    scf.for %scan3A_37 = %scan3A_3 to %scan3A_5 step %scan3A_6  : i32 {
      %broadcast_in_dim3A = arith.constant 0.000000e+00 : f32
      %broadcast_in_dim3A_38 = vector.broadcast %broadcast_in_dim3A : f32 to vector<16xf32>
      %swap3A = arith.index_cast %scan3A_37 : i32 to index
      %swap3A_39 = arith.constant 0 : index
      %swap3A_40 = tpu.vector_load %arg7[%swap3A, %swap3A_39] {strides = array<i32>} : memref<128x128xf32, #tpu.memory_space<vmem>>, vector<1x16xf32>,
      %swap3A_41 = vector.shape_cast %swap3A_40 : vector<1x16xf32> to vector<16xf32>
      %swap3A_42 = vector.shape_cast %broadcast_in_dim3A_38 : vector<16xf32> to vector<1x16xf32>
      tpu.vector_store %arg7[%swap3A, %swap3A_39], %swap3A_42 {strides = array<i32>} : memref<128x128xf32, #tpu.memory_space<vmem>>, vector<1x16xf32>,
      %broadcast_in_dim3A_43 = arith.constant 0.000000e+00 : f32
      %broadcast_in_dim3A_44 = vector.broadcast %broadcast_in_dim3A_43 : f32 to vector<16xf32>
      %swap3A_45 = arith.index_cast %scan3A_37 : i32 to index
      %swap3A_46 = arith.constant 16 : index
      %swap3A_47 = tpu.vector_load %arg7[%swap3A_45, %swap3A_46] {strides = array<i32>} : memref<128x128xf32, #tpu.memory_space<vmem>>, vector<1x16xf32>,
      %swap3A_48 = vector.shape_cast %swap3A_47 : vector<1x16xf32> to vector<16xf32>
      %swap3A_49 = vector.shape_cast %broadcast_in_dim3A_44 : vector<16xf32> to vector<1x16xf32>
      tpu.vector_store %arg7[%swap3A_45, %swap3A_46], %swap3A_49 {strides = array<i32>} : memref<128x128xf32, #tpu.memory_space<vmem>>, vector<1x16xf32>,
      %broadcast_in_dim3A_50 = arith.constant 0.000000e+00 : f32
      %broadcast_in_dim3A_51 = vector.broadcast %broadcast_in_dim3A_50 : f32 to vector<16xf32>
      %swap3A_52 = arith.index_cast %scan3A_37 : i32 to index
      %swap3A_53 = arith.constant 32 : index
      %swap3A_54 = tpu.vector_load %arg7[%swap3A_52, %swap3A_53] {strides = array<i32>} : memref<128x128xf32, #tpu.memory_space<vmem>>, vector<1x16xf32>,
      %swap3A_55 = vector.shape_cast %swap3A_54 : vector<1x16xf32> to vector<16xf32>
      %swap3A_56 = vector.shape_cast %broadcast_in_dim3A_51 : vector<16xf32> to vector<1x16xf32>
      tpu.vector_store %arg7[%swap3A_52, %swap3A_53], %swap3A_56 {strides = array<i32>} : memref<128x128xf32, #tpu.memory_space<vmem>>, vector<1x16xf32>,
      %broadcast_in_dim3A_57 = arith.constant 0.000000e+00 : f32
      %broadcast_in_dim3A_58 = vector.broadcast %broadcast_in_dim3A_57 : f32 to vector<16xf32>
      %swap3A_59 = arith.index_cast %scan3A_37 : i32 to index
      %swap3A_60 = arith.constant 48 : index
      %swap3A_61 = tpu.vector_load %arg7[%swap3A_59, %swap3A_60] {strides = array<i32>} : memref<128x128xf32, #tpu.memory_space<vmem>>, vector<1x16xf32>,
      %swap3A_62 = vector.shape_cast %swap3A_61 : vector<1x16xf32> to vector<16xf32>
      %swap3A_63 = vector.shape_cast %broadcast_in_dim3A_58 : vector<16xf32> to vector<1x16xf32>
      tpu.vector_store %arg7[%swap3A_59, %swap3A_60], %swap3A_63 {strides = array<i32>} : memref<128x128xf32, #tpu.memory_space<vmem>>, vector<1x16xf32>,
      %broadcast_in_dim3A_64 = arith.constant 0.000000e+00 : f32
      %broadcast_in_dim3A_65 = vector.broadcast %broadcast_in_dim3A_64 : f32 to vector<16xf32>
      %swap3A_66 = arith.index_cast %scan3A_37 : i32 to index
      %swap3A_67 = arith.constant 64 : index
      %swap3A_68 = tpu.vector_load %arg7[%swap3A_66, %swap3A_67] {strides = array<i32>} : memref<128x128xf32, #tpu.memory_space<vmem>>, vector<1x16xf32>,
      %swap3A_69 = vector.shape_cast %swap3A_68 : vector<1x16xf32> to vector<16xf32>
      %swap3A_70 = vector.shape_cast %broadcast_in_dim3A_65 : vector<16xf32> to vector<1x16xf32>
      tpu.vector_store %arg7[%swap3A_66, %swap3A_67], %swap3A_70 {strides = array<i32>} : memref<128x128xf32, #tpu.memory_space<vmem>>, vector<1x16xf32>,
      %broadcast_in_dim3A_71 = arith.constant 0.000000e+00 : f32
      %broadcast_in_dim3A_72 = vector.broadcast %broadcast_in_dim3A_71 : f32 to vector<16xf32>
      %swap3A_73 = arith.index_cast %scan3A_37 : i32 to index
      %swap3A_74 = arith.constant 80 : index
      %swap3A_75 = tpu.vector_load %arg7[%swap3A_73, %swap3A_74] {strides = array<i32>} : memref<128x128xf32, #tpu.memory_space<vmem>>, vector<1x16xf32>,
      %swap3A_76 = vector.shape_cast %swap3A_75 : vector<1x16xf32> to vector<16xf32>
      %swap3A_77 = vector.shape_cast %broadcast_in_dim3A_72 : vector<16xf32> to vector<1x16xf32>
      tpu.vector_store %arg7[%swap3A_73, %swap3A_74], %swap3A_77 {strides = array<i32>} : memref<128x128xf32, #tpu.memory_space<vmem>>, vector<1x16xf32>,
      %broadcast_in_dim3A_78 = arith.constant 0.000000e+00 : f32
      %broadcast_in_dim3A_79 = vector.broadcast %broadcast_in_dim3A_78 : f32 to vector<16xf32>
      %swap3A_80 = arith.index_cast %scan3A_37 : i32 to index
      %swap3A_81 = arith.constant 96 : index
      %swap3A_82 = tpu.vector_load %arg7[%swap3A_80, %swap3A_81] {strides = array<i32>} : memref<128x128xf32, #tpu.memory_space<vmem>>, vector<1x16xf32>,
      %swap3A_83 = vector.shape_cast %swap3A_82 : vector<1x16xf32> to vector<16xf32>
      %swap3A_84 = vector.shape_cast %broadcast_in_dim3A_79 : vector<16xf32> to vector<1x16xf32>
      tpu.vector_store %arg7[%swap3A_80, %swap3A_81], %swap3A_84 {strides = array<i32>} : memref<128x128xf32, #tpu.memory_space<vmem>>, vector<1x16xf32>,
      %broadcast_in_dim3A_85 = arith.constant 0.000000e+00 : f32
      %broadcast_in_dim3A_86 = vector.broadcast %broadcast_in_dim3A_85 : f32 to vector<16xf32>
      %swap3A_87 = arith.index_cast %scan3A_37 : i32 to index
      %swap3A_88 = arith.constant 112 : index
      %swap3A_89 = tpu.vector_load %arg7[%swap3A_87, %swap3A_88] {strides = array<i32>} : memref<128x128xf32, #tpu.memory_space<vmem>>, vector<1x16xf32>,
      %swap3A_90 = vector.shape_cast %swap3A_89 : vector<1x16xf32> to vector<16xf32>
      %swap3A_91 = vector.shape_cast %broadcast_in_dim3A_86 : vector<16xf32> to vector<1x16xf32>
      tpu.vector_store %arg7[%swap3A_87, %swap3A_88], %swap3A_91 {strides = array<i32>} : memref<128x128xf32, #tpu.memory_space<vmem>>, vector<1x16xf32>,
    }
    %scan3A_7 = arith.constant 128 : i32
    %mul3A_8 = arith.constant 632 : i32
    %mul3A_9 = arith.muli %arg1, %mul3A_8 : i32
    %add3A_10 = arith.constant 0 : i32
    %add3A_11 = arith.addi %mul3A_9, %add3A_10 : i32
    "tpu.region"() ({
      %run_scoped3A = tpu.sem_alloc : memref<!tpu.dma_semaphore, #tpu.memory_space<semaphore_mem>>
      %dma_start3A = arith.constant 0 : i32
      %dma_start3A_37 = tpu.memref_slice %arg5[%add3A_11, %dma_start3A] : memref<10112x128xf32, #tpu.memory_space<vmem_shared>> -> memref<128x128xf32, #tpu.memory_space<vmem_shared>>
      %dma_start3A_38 = arith.constant 0 : i32
      %dma_start3A_39 = tpu.memref_slice %arg5[%add3A_11, %dma_start3A_38] : memref<10112x128xf32, #tpu.memory_space<vmem_shared>> -> memref<128x128xf32, #tpu.memory_space<vmem_shared>>
      tpu.enqueue_dma source(%arg7 : memref<128x128xf32, #tpu.memory_space<vmem>>) target(%dma_start3A_39 : memref<128x128xf32, #tpu.memory_space<vmem_shared>>) target_semaphore(%run_scoped3A : memref<!tpu.dma_semaphore, #tpu.memory_space<semaphore_mem>>)
      %dma_wait3A = arith.constant 0 : i32
      %dma_wait3A_40 = tpu.memref_slice %arg5[%add3A_11, %dma_wait3A] : memref<10112x128xf32, #tpu.memory_space<vmem_shared>> -> memref<128x128xf32, #tpu.memory_space<vmem_shared>>
      %dma_wait3A_41 = arith.constant 0 : i32
      %dma_wait3A_42 = tpu.memref_slice %arg5[%add3A_11, %dma_wait3A_41] : memref<10112x128xf32, #tpu.memory_space<vmem_shared>> -> memref<128x128xf32, #tpu.memory_space<vmem_shared>>
      tpu.wait_dma2 semaphore(%run_scoped3A : memref<!tpu.dma_semaphore, #tpu.memory_space<semaphore_mem>>) src(%arg7 : memref<128x128xf32, #tpu.memory_space<vmem>>) dst(%dma_wait3A_42 : memref<128x128xf32, #tpu.memory_space<vmem_shared>>)
      tpu.yield
    }) : () -> ()
    %mul3A_12 = arith.constant 632 : i32
    %mul3A_13 = arith.muli %arg1, %mul3A_12 : i32
    %add3A_14 = arith.constant 128 : i32
    %add3A_15 = arith.addi %mul3A_13, %add3A_14 : i32
    "tpu.region"() ({
      %run_scoped3A = tpu.sem_alloc : memref<!tpu.dma_semaphore, #tpu.memory_space<semaphore_mem>>
      %dma_start3A = arith.constant 0 : i32
      %dma_start3A_37 = tpu.memref_slice %arg5[%add3A_15, %dma_start3A] : memref<10112x128xf32, #tpu.memory_space<vmem_shared>> -> memref<128x128xf32, #tpu.memory_space<vmem_shared>>
      %dma_start3A_38 = arith.constant 0 : i32
      %dma_start3A_39 = tpu.memref_slice %arg5[%add3A_15, %dma_start3A_38] : memref<10112x128xf32, #tpu.memory_space<vmem_shared>> -> memref<128x128xf32, #tpu.memory_space<vmem_shared>>
      tpu.enqueue_dma source(%arg7 : memref<128x128xf32, #tpu.memory_space<vmem>>) target(%dma_start3A_39 : memref<128x128xf32, #tpu.memory_space<vmem_shared>>) target_semaphore(%run_scoped3A : memref<!tpu.dma_semaphore, #tpu.memory_space<semaphore_mem>>)
      %dma_wait3A = arith.constant 0 : i32
      %dma_wait3A_40 = tpu.memref_slice %arg5[%add3A_15, %dma_wait3A] : memref<10112x128xf32, #tpu.memory_space<vmem_shared>> -> memref<128x128xf32, #tpu.memory_space<vmem_shared>>
      %dma_wait3A_41 = arith.constant 0 : i32
      %dma_wait3A_42 = tpu.memref_slice %arg5[%add3A_15, %dma_wait3A_41] : memref<10112x128xf32, #tpu.memory_space<vmem_shared>> -> memref<128x128xf32, #tpu.memory_space<vmem_shared>>
      tpu.wait_dma2 semaphore(%run_scoped3A : memref<!tpu.dma_semaphore, #tpu.memory_space<semaphore_mem>>) src(%arg7 : memref<128x128xf32, #tpu.memory_space<vmem>>) dst(%dma_wait3A_42 : memref<128x128xf32, #tpu.memory_space<vmem_shared>>)
      tpu.yield
    }) : () -> ()
    %mul3A_16 = arith.constant 632 : i32
    %mul3A_17 = arith.muli %arg1, %mul3A_16 : i32
    %add3A_18 = arith.constant 256 : i32
    %add3A_19 = arith.addi %mul3A_17, %add3A_18 : i32
    "tpu.region"() ({
      %run_scoped3A = tpu.sem_alloc : memref<!tpu.dma_semaphore, #tpu.memory_space<semaphore_mem>>
      %dma_start3A = arith.constant 0 : i32
      %dma_start3A_37 = tpu.memref_slice %arg5[%add3A_19, %dma_start3A] : memref<10112x128xf32, #tpu.memory_space<vmem_shared>> -> memref<128x128xf32, #tpu.memory_space<vmem_shared>>
      %dma_start3A_38 = arith.constant 0 : i32
      %dma_start3A_39 = tpu.memref_slice %arg5[%add3A_19, %dma_start3A_38] : memref<10112x128xf32, #tpu.memory_space<vmem_shared>> -> memref<128x128xf32, #tpu.memory_space<vmem_shared>>
      tpu.enqueue_dma source(%arg7 : memref<128x128xf32, #tpu.memory_space<vmem>>) target(%dma_start3A_39 : memref<128x128xf32, #tpu.memory_space<vmem_shared>>) target_semaphore(%run_scoped3A : memref<!tpu.dma_semaphore, #tpu.memory_space<semaphore_mem>>)
      %dma_wait3A = arith.constant 0 : i32
      %dma_wait3A_40 = tpu.memref_slice %arg5[%add3A_19, %dma_wait3A] : memref<10112x128xf32, #tpu.memory_space<vmem_shared>> -> memref<128x128xf32, #tpu.memory_space<vmem_shared>>
      %dma_wait3A_41 = arith.constant 0 : i32
      %dma_wait3A_42 = tpu.memref_slice %arg5[%add3A_19, %dma_wait3A_41] : memref<10112x128xf32, #tpu.memory_space<vmem_shared>> -> memref<128x128xf32, #tpu.memory_space<vmem_shared>>
      tpu.wait_dma2 semaphore(%run_scoped3A : memref<!tpu.dma_semaphore, #tpu.memory_space<semaphore_mem>>) src(%arg7 : memref<128x128xf32, #tpu.memory_space<vmem>>) dst(%dma_wait3A_42 : memref<128x128xf32, #tpu.memory_space<vmem_shared>>)
      tpu.yield
    }) : () -> ()
    %mul3A_20 = arith.constant 632 : i32
    %mul3A_21 = arith.muli %arg1, %mul3A_20 : i32
    %add3A_22 = arith.constant 384 : i32
    %add3A_23 = arith.addi %mul3A_21, %add3A_22 : i32
    "tpu.region"() ({
      %run_scoped3A = tpu.sem_alloc : memref<!tpu.dma_semaphore, #tpu.memory_space<semaphore_mem>>
      %dma_start3A = arith.constant 0 : i32
      %dma_start3A_37 = tpu.memref_slice %arg5[%add3A_23, %dma_start3A] : memref<10112x128xf32, #tpu.memory_space<vmem_shared>> -> memref<128x128xf32, #tpu.memory_space<vmem_shared>>
      %dma_start3A_38 = arith.constant 0 : i32
      %dma_start3A_39 = tpu.memref_slice %arg5[%add3A_23, %dma_start3A_38] : memref<10112x128xf32, #tpu.memory_space<vmem_shared>> -> memref<128x128xf32, #tpu.memory_space<vmem_shared>>
      tpu.enqueue_dma source(%arg7 : memref<128x128xf32, #tpu.memory_space<vmem>>) target(%dma_start3A_39 : memref<128x128xf32, #tpu.memory_space<vmem_shared>>) target_semaphore(%run_scoped3A : memref<!tpu.dma_semaphore, #tpu.memory_space<semaphore_mem>>)
      %dma_wait3A = arith.constant 0 : i32
      %dma_wait3A_40 = tpu.memref_slice %arg5[%add3A_23, %dma_wait3A] : memref<10112x128xf32, #tpu.memory_space<vmem_shared>> -> memref<128x128xf32, #tpu.memory_space<vmem_shared>>
      %dma_wait3A_41 = arith.constant 0 : i32
      %dma_wait3A_42 = tpu.memref_slice %arg5[%add3A_23, %dma_wait3A_41] : memref<10112x128xf32, #tpu.memory_space<vmem_shared>> -> memref<128x128xf32, #tpu.memory_space<vmem_shared>>
      tpu.wait_dma2 semaphore(%run_scoped3A : memref<!tpu.dma_semaphore, #tpu.memory_space<semaphore_mem>>) src(%arg7 : memref<128x128xf32, #tpu.memory_space<vmem>>) dst(%dma_wait3A_42 : memref<128x128xf32, #tpu.memory_space<vmem_shared>>)
      tpu.yield
    }) : () -> ()
    %mul3A_24 = arith.constant 632 : i32
    %mul3A_25 = arith.muli %arg1, %mul3A_24 : i32
    %add3A_26 = arith.constant 512 : i32
    %add3A_27 = arith.addi %mul3A_25, %add3A_26 : i32
    "tpu.region"() ({
      %run_scoped3A = tpu.sem_alloc : memref<!tpu.dma_semaphore, #tpu.memory_space<semaphore_mem>>
      %dma_start3A = arith.constant 0 : i32
      %dma_start3A_37 = arith.constant 0 : i32
      %dma_start3A_38 = tpu.memref_slice %arg7[%dma_start3A, %dma_start3A_37] : memref<128x128xf32, #tpu.memory_space<vmem>> -> memref<120x128xf32, #tpu.memory_space<vmem>>
      %dma_start3A_39 = arith.constant 0 : i32
      %dma_start3A_40 = tpu.memref_slice %arg5[%add3A_27, %dma_start3A_39] : memref<10112x128xf32, #tpu.memory_space<vmem_shared>> -> memref<120x128xf32, #tpu.memory_space<vmem_shared>>
      %dma_start3A_41 = arith.constant 0 : i32
      %dma_start3A_42 = tpu.memref_slice %arg5[%add3A_27, %dma_start3A_41] : memref<10112x128xf32, #tpu.memory_space<vmem_shared>> -> memref<120x128xf32, #tpu.memory_space<vmem_shared>>
      %dma_start3A_43 = arith.constant 0 : i32
      %dma_start3A_44 = arith.constant 0 : i32
      %dma_start3A_45 = tpu.memref_slice %arg7[%dma_start3A_43, %dma_start3A_44] : memref<128x128xf32, #tpu.memory_space<vmem>> -> memref<120x128xf32, #tpu.memory_space<vmem>>
      tpu.enqueue_dma source(%dma_start3A_45 : memref<120x128xf32, #tpu.memory_space<vmem>>) target(%dma_start3A_42 : memref<120x128xf32, #tpu.memory_space<vmem_shared>>) target_semaphore(%run_scoped3A : memref<!tpu.dma_semaphore, #tpu.memory_space<semaphore_mem>>)
      %dma_wait3A = arith.constant 0 : i32
      %dma_wait3A_46 = arith.constant 0 : i32
      %dma_wait3A_47 = tpu.memref_slice %arg7[%dma_wait3A, %dma_wait3A_46] : memref<128x128xf32, #tpu.memory_space<vmem>> -> memref<120x128xf32, #tpu.memory_space<vmem>>
      %dma_wait3A_48 = arith.constant 0 : i32
      %dma_wait3A_49 = tpu.memref_slice %arg5[%add3A_27, %dma_wait3A_48] : memref<10112x128xf32, #tpu.memory_space<vmem_shared>> -> memref<120x128xf32, #tpu.memory_space<vmem_shared>>
      %dma_wait3A_50 = arith.constant 0 : i32
      %dma_wait3A_51 = tpu.memref_slice %arg5[%add3A_27, %dma_wait3A_50] : memref<10112x128xf32, #tpu.memory_space<vmem_shared>> -> memref<120x128xf32, #tpu.memory_space<vmem_shared>>
      %dma_wait3A_52 = arith.constant 0 : i32
      %dma_wait3A_53 = arith.constant 0 : i32
      %dma_wait3A_54 = tpu.memref_slice %arg7[%dma_wait3A_52, %dma_wait3A_53] : memref<128x128xf32, #tpu.memory_space<vmem>> -> memref<120x128xf32, #tpu.memory_space<vmem>>
      tpu.wait_dma2 semaphore(%run_scoped3A : memref<!tpu.dma_semaphore, #tpu.memory_space<semaphore_mem>>) src(%dma_wait3A_54 : memref<120x128xf32, #tpu.memory_space<vmem>>) dst(%dma_wait3A_51 : memref<120x128xf32, #tpu.memory_space<vmem_shared>>)
      tpu.yield
    }) : () -> ()
    %barrier3A = arith.constant 0 : index
    tpu.barrier barrier_id(%barrier3A)
    "tpu.region"() ({
      %run_scoped3A = tpu.sem_alloc : memref<!tpu.dma_semaphore, #tpu.memory_space<semaphore_mem>>
      %dma_start3A = arith.constant 0 : i32
      %dma_start3A_37 = arith.constant 0 : i32
      %dma_start3A_38 = tpu.memref_slice %arg3[%add3A, %dma_start3A, %dma_start3A_37] : memref<32x80x128xi32, #tpu.memory_space<hbm>> -> memref<1x80x128xi32, #tpu.memory_space<hbm>>
      %dma_start3A_39 = tpu.memref_squeeze %dma_start3A_38 : memref<1x80x128xi32, #tpu.memory_space<hbm>> -> memref<80x128xi32, #tpu.memory_space<hbm>>
      %dma_start3A_40 = arith.constant 0 : i32
      %dma_start3A_41 = arith.constant 0 : i32
      %dma_start3A_42 = tpu.memref_slice %arg3[%add3A, %dma_start3A_40, %dma_start3A_41] : memref<32x80x128xi32, #tpu.memory_space<hbm>> -> memref<1x80x128xi32, #tpu.memory_space<hbm>>
      %dma_start3A_43 = tpu.memref_squeeze %dma_start3A_42 : memref<1x80x128xi32, #tpu.memory_space<hbm>> -> memref<80x128xi32, #tpu.memory_space<hbm>>
      tpu.enqueue_dma source(%dma_start3A_43 : memref<80x128xi32, #tpu.memory_space<hbm>>) target(%arg6 : memref<80x128xi32, #tpu.memory_space<vmem>>) target_semaphore(%run_scoped3A : memref<!tpu.dma_semaphore, #tpu.memory_space<semaphore_mem>>)
      %dma_wait3A = arith.constant 0 : i32
      %dma_wait3A_44 = arith.constant 0 : i32
      %dma_wait3A_45 = tpu.memref_slice %arg3[%add3A, %dma_wait3A, %dma_wait3A_44] : memref<32x80x128xi32, #tpu.memory_space<hbm>> -> memref<1x80x128xi32, #tpu.memory_space<hbm>>
      %dma_wait3A_46 = tpu.memref_squeeze %dma_wait3A_45 : memref<1x80x128xi32, #tpu.memory_space<hbm>> -> memref<80x128xi32, #tpu.memory_space<hbm>>
      %dma_wait3A_47 = arith.constant 0 : i32
      %dma_wait3A_48 = arith.constant 0 : i32
      %dma_wait3A_49 = tpu.memref_slice %arg3[%add3A, %dma_wait3A_47, %dma_wait3A_48] : memref<32x80x128xi32, #tpu.memory_space<hbm>> -> memref<1x80x128xi32, #tpu.memory_space<hbm>>
      %dma_wait3A_50 = tpu.memref_squeeze %dma_wait3A_49 : memref<1x80x128xi32, #tpu.memory_space<hbm>> -> memref<80x128xi32, #tpu.memory_space<hbm>>
      tpu.wait_dma2 semaphore(%run_scoped3A : memref<!tpu.dma_semaphore, #tpu.memory_space<semaphore_mem>>) src(%dma_wait3A_50 : memref<80x128xi32, #tpu.memory_space<hbm>>) dst(%arg6 : memref<80x128xi32, #tpu.memory_space<vmem>>)
      tpu.yield
    }) : () -> ()
    %scan3A_28 = arith.constant 0 : i32
    %scan3A_29 = arith.constant 0 : i32
    %scan3A_30 = arith.constant 79 : i32
    %scan3A_31 = arith.addi %scan3A_29, %scan3A_30 : i32
    %scan3A_32 = arith.constant 1 : i32
    scf.for %scan3A_37 = %scan3A_29 to %scan3A_31 step %scan3A_32  : i32 {
      %mul3A_38 = arith.constant 128 : i32
      %mul3A_39 = arith.muli %scan3A_37, %mul3A_38 : i32
      %add3A_40 = arith.addi %mul3A_2, %mul3A_39 : i32
      "tpu.region"() ({
        %run_scoped3A = tpu.sem_alloc : memref<!tpu.dma_semaphore, #tpu.memory_space<semaphore_mem>>
        %dma_start3A = arith.constant 0 : i32
        %dma_start3A_41 = tpu.memref_slice %arg2[%add3A_40, %dma_start3A] : memref<323584x128xf32, #tpu.memory_space<hbm>> -> memref<128x128xf32, #tpu.memory_space<hbm>>
        %dma_start3A_42 = arith.constant 0 : i32
        %dma_start3A_43 = tpu.memref_slice %arg2[%add3A_40, %dma_start3A_42] : memref<323584x128xf32, #tpu.memory_space<hbm>> -> memref<128x128xf32, #tpu.memory_space<hbm>>
        tpu.enqueue_dma source(%dma_start3A_43 : memref<128x128xf32, #tpu.memory_space<hbm>>) target(%arg7 : memref<128x128xf32, #tpu.memory_space<vmem>>) target_semaphore(%run_scoped3A : memref<!tpu.dma_semaphore, #tpu.memory_space<semaphore_mem>>)
        %dma_wait3A = arith.constant 0 : i32
        %dma_wait3A_44 = tpu.memref_slice %arg2[%add3A_40, %dma_wait3A] : memref<323584x128xf32, #tpu.memory_space<hbm>> -> memref<128x128xf32, #tpu.memory_space<hbm>>
        %dma_wait3A_45 = arith.constant 0 : i32
        %dma_wait3A_46 = tpu.memref_slice %arg2[%add3A_40, %dma_wait3A_45] : memref<323584x128xf32, #tpu.memory_space<hbm>> -> memref<128x128xf32, #tpu.memory_space<hbm>>
        tpu.wait_dma2 semaphore(%run_scoped3A : memref<!tpu.dma_semaphore, #tpu.memory_space<semaphore_mem>>) src(%dma_wait3A_46 : memref<128x128xf32, #tpu.memory_space<hbm>>) dst(%arg7 : memref<128x128xf32, #tpu.memory_space<vmem>>)
        tpu.yield
      }) : () -> ()
      "tpu.region"() ({
        %run_scoped3A = tpu.sem_alloc : memref<!tpu.dma_semaphore, #tpu.memory_space<semaphore_mem>>
        %dma_start3A = arith.constant 0 : i32
        %dma_start3A_41 = tpu.memref_slice %arg6[%scan3A_37, %dma_start3A] : memref<80x128xi32, #tpu.memory_space<vmem>> -> memref<1x128xi32, #tpu.memory_space<vmem>>
        %dma_start3A_42 = tpu.memref_squeeze %dma_start3A_41 : memref<1x128xi32, #tpu.memory_space<vmem>> -> memref<128xi32, #tpu.memory_space<vmem>>
        %dma_start3A_43 = arith.constant 0 : i32
        %dma_start3A_44 = arith.constant 0 : i32
        %dma_start3A_45 = tpu.memref_slice %arg5[%dma_start3A_43, %dma_start3A_44] : memref<10112x128xf32, #tpu.memory_space<vmem_shared>> -> memref<10112x128xf32, #tpu.memory_space<vmem_shared>>
        tpu.enqueue_indirect_dma source(%arg7 : memref<128x128xf32, #tpu.memory_space<vmem>>) target(%dma_start3A_45 : memref<10112x128xf32, #tpu.memory_space<vmem_shared>>) offsets(%dma_start3A_42 : memref<128xi32, #tpu.memory_space<vmem>>) semaphore(%run_scoped3A : memref<!tpu.dma_semaphore, #tpu.memory_space<semaphore_mem>>) {add = true}
        %dma_wait3A = arith.constant 0 : i32
        %dma_wait3A_46 = tpu.memref_slice %arg6[%scan3A_37, %dma_wait3A] : memref<80x128xi32, #tpu.memory_space<vmem>> -> memref<1x128xi32, #tpu.memory_space<vmem>>
        %dma_wait3A_47 = tpu.memref_squeeze %dma_wait3A_46 : memref<1x128xi32, #tpu.memory_space<vmem>> -> memref<128xi32, #tpu.memory_space<vmem>>
        %dma_wait3A_48 = arith.constant 0 : i32
        %dma_wait3A_49 = arith.constant 0 : i32
        %dma_wait3A_50 = tpu.memref_slice %arg5[%dma_wait3A_48, %dma_wait3A_49] : memref<10112x128xf32, #tpu.memory_space<vmem_shared>> -> memref<10112x128xf32, #tpu.memory_space<vmem_shared>>
        tpu.wait_indirect_dma semaphore(%run_scoped3A : memref<!tpu.dma_semaphore, #tpu.memory_space<semaphore_mem>>) src(%arg7 : memref<128x128xf32, #tpu.memory_space<vmem>>) dst(%dma_wait3A_50 : memref<10112x128xf32, #tpu.memory_space<vmem_shared>>)
        tpu.yield
      }) : () -> ()
    }
    %scan3A_33 = arith.constant 79 : i32
    %barrier3A_34 = arith.constant 0 : index
    tpu.barrier barrier_id(%barrier3A_34)
    %lt3A = arith.constant 10 : i32
    %lt3A_35 = arith.cmpi slt, %arg1, %lt3A : i32
    %convert_element_type3A = arith.extui %lt3A_35 : i1 to i32
    %cond3A = arith.constant 0 : i32
    %cond3A_36 = arith.cmpi ne, %convert_element_type3A, %cond3A : i32
    scf.if %cond3A_36 {
      %mul3A_37 = arith.constant 1000 : i32
      %mul3A_38 = arith.muli %arg1, %mul3A_37 : i32
      %mul3A_39 = arith.constant 1000 : i32
      %mul3A_40 = arith.muli %arg1, %mul3A_39 : i32
      "tpu.region"() ({
        %run_scoped3A = tpu.sem_alloc : memref<!tpu.dma_semaphore, #tpu.memory_space<semaphore_mem>>
        %dma_start3A = arith.constant 0 : i32
        %dma_start3A_41 = tpu.memref_slice %arg4[%arg0, %mul3A_40, %dma_start3A] : memref<2x10000x128xf32, #tpu.memory_space<hbm>> -> memref<1x1000x128xf32, #tpu.memory_space<hbm>>
        %dma_start3A_42 = tpu.memref_squeeze %dma_start3A_41 : memref<1x1000x128xf32, #tpu.memory_space<hbm>> -> memref<1000x128xf32, #tpu.memory_space<hbm>>
        %dma_start3A_43 = arith.constant 0 : i32
        %dma_start3A_44 = tpu.memref_slice %arg5[%mul3A_38, %dma_start3A_43] : memref<10112x128xf32, #tpu.memory_space<vmem_shared>> -> memref<1000x128xf32, #tpu.memory_space<vmem_shared>>
        tpu.enqueue_dma source(%dma_start3A_44 : memref<1000x128xf32, #tpu.memory_space<vmem_shared>>) target(%dma_start3A_42 : memref<1000x128xf32, #tpu.memory_space<hbm>>) target_semaphore(%run_scoped3A : memref<!tpu.dma_semaphore, #tpu.memory_space<semaphore_mem>>)
        %dma_wait3A = arith.constant 0 : i32
        %dma_wait3A_45 = tpu.memref_slice %arg4[%arg0, %mul3A_40, %dma_wait3A] : memref<2x10000x128xf32, #tpu.memory_space<hbm>> -> memref<1x1000x128xf32, #tpu.memory_space<hbm>>
        %dma_wait3A_46 = tpu.memref_squeeze %dma_wait3A_45 : memref<1x1000x128xf32, #tpu.memory_space<hbm>> -> memref<1000x128xf32, #tpu.memory_space<hbm>>
        %dma_wait3A_47 = arith.constant 0 : i32
        %dma_wait3A_48 = tpu.memref_slice %arg5[%mul3A_38, %dma_wait3A_47] : memref<10112x128xf32, #tpu.memory_space<vmem_shared>> -> memref<1000x128xf32, #tpu.memory_space<vmem_shared>>
        tpu.wait_dma2 semaphore(%run_scoped3A : memref<!tpu.dma_semaphore, #tpu.memory_space<semaphore_mem>>) src(%dma_wait3A_48 : memref<1000x128xf32, #tpu.memory_space<vmem_shared>>) dst(%dma_wait3A_46 : memref<1000x128xf32, #tpu.memory_space<hbm>>)
        tpu.yield
      }) : () -> ()
    } else {
    }
    return
  }
}

#map = affine_map<(d0, d1) -> (0, 0)>
#map1 = affine_map<(d0, d1) -> (0, 0, 0)>
module attributes {stable_mosaic.version = 14 : i64} {
  func.func @_sc_scatter_body(%arg0: i32, %arg1: i32, %arg2: memref<323584x128xf32, #tpu.memory_space<hbm>>, %arg3: memref<32x80x128xi32, #tpu.memory_space<hbm>>, %arg4: memref<2x10000x128xf32, #tpu.memory_space<hbm>>, %arg5: memref<10112x128xf32, #tpu.memory_space<vmem_shared>>, %arg6: memref<80x128xi32, #tpu.memory_space<vmem>>, %arg7: memref<128x128xf32, #tpu.memory_space<vmem>>, %arg8: memref<128x128xf32, #tpu.memory_space<vmem>>, %arg9: memref<!tpu.dma_semaphore, #tpu.memory_space<semaphore_mem>>, %arg10: memref<!tpu.dma_semaphore, #tpu.memory_space<semaphore_mem>>) attributes {dimension_semantics = [#tpu.dimension_semantics<core_parallel>, #tpu.dimension_semantics<subcore_parallel>], iteration_bounds = array<i64: 2, 16>, scalar_prefetch = 0 : i64, scratch_operands = 6 : i64, tpu.core_type = #tpu.core_type<sc_vector_subcore>, window_params = [{transform_indices = #map}, {transform_indices = #map1}, {transform_indices = #map1}]} {
    %mul3A = arith.constant 16 : i32
    %mul3A_0 = arith.muli %arg0, %mul3A : i32
    %add3A = arith.addi %mul3A_0, %arg1 : i32
    %mul3A_1 = arith.constant 10112 : i32
    %mul3A_2 = arith.muli %add3A, %mul3A_1 : i32
    %scan3A = arith.constant 0 : i32
    %scan3A_3 = arith.constant 0 : i32
    %scan3A_4 = arith.constant 128 : i32
    %scan3A_5 = arith.addi %scan3A_3, %scan3A_4 : i32
    %scan3A_6 = arith.constant 1 : i32
    scf.for %scan3A_37 = %scan3A_3 to %scan3A_5 step %scan3A_6  : i32 {
      %broadcast_in_dim3A = arith.constant 0.000000e+00 : f32
      %broadcast_in_dim3A_38 = vector.broadcast %broadcast_in_dim3A : f32 to vector<16xf32>
      %swap3A = arith.index_cast %scan3A_37 : i32 to index
      %swap3A_39 = arith.constant 0 : index
      %swap3A_40 = tpu.vector_load %arg7[%swap3A, %swap3A_39] {strides = array<i32>} : memref<128x128xf32, #tpu.memory_space<vmem>>, vector<1x16xf32>,
      %swap3A_41 = vector.shape_cast %swap3A_40 : vector<1x16xf32> to vector<16xf32>
      %swap3A_42 = vector.shape_cast %broadcast_in_dim3A_38 : vector<16xf32> to vector<1x16xf32>
      tpu.vector_store %arg7[%swap3A, %swap3A_39], %swap3A_42 {strides = array<i32>} : memref<128x128xf32, #tpu.memory_space<vmem>>, vector<1x16xf32>,
      %broadcast_in_dim3A_43 = arith.constant 0.000000e+00 : f32
      %broadcast_in_dim3A_44 = vector.broadcast %broadcast_in_dim3A_43 : f32 to vector<16xf32>
      %swap3A_45 = arith.index_cast %scan3A_37 : i32 to index
      %swap3A_46 = arith.constant 16 : index
      %swap3A_47 = tpu.vector_load %arg7[%swap3A_45, %swap3A_46] {strides = array<i32>} : memref<128x128xf32, #tpu.memory_space<vmem>>, vector<1x16xf32>,
      %swap3A_48 = vector.shape_cast %swap3A_47 : vector<1x16xf32> to vector<16xf32>
      %swap3A_49 = vector.shape_cast %broadcast_in_dim3A_44 : vector<16xf32> to vector<1x16xf32>
      tpu.vector_store %arg7[%swap3A_45, %swap3A_46], %swap3A_49 {strides = array<i32>} : memref<128x128xf32, #tpu.memory_space<vmem>>, vector<1x16xf32>,
      %broadcast_in_dim3A_50 = arith.constant 0.000000e+00 : f32
      %broadcast_in_dim3A_51 = vector.broadcast %broadcast_in_dim3A_50 : f32 to vector<16xf32>
      %swap3A_52 = arith.index_cast %scan3A_37 : i32 to index
      %swap3A_53 = arith.constant 32 : index
      %swap3A_54 = tpu.vector_load %arg7[%swap3A_52, %swap3A_53] {strides = array<i32>} : memref<128x128xf32, #tpu.memory_space<vmem>>, vector<1x16xf32>,
      %swap3A_55 = vector.shape_cast %swap3A_54 : vector<1x16xf32> to vector<16xf32>
      %swap3A_56 = vector.shape_cast %broadcast_in_dim3A_51 : vector<16xf32> to vector<1x16xf32>
      tpu.vector_store %arg7[%swap3A_52, %swap3A_53], %swap3A_56 {strides = array<i32>} : memref<128x128xf32, #tpu.memory_space<vmem>>, vector<1x16xf32>,
      %broadcast_in_dim3A_57 = arith.constant 0.000000e+00 : f32
      %broadcast_in_dim3A_58 = vector.broadcast %broadcast_in_dim3A_57 : f32 to vector<16xf32>
      %swap3A_59 = arith.index_cast %scan3A_37 : i32 to index
      %swap3A_60 = arith.constant 48 : index
      %swap3A_61 = tpu.vector_load %arg7[%swap3A_59, %swap3A_60] {strides = array<i32>} : memref<128x128xf32, #tpu.memory_space<vmem>>, vector<1x16xf32>,
      %swap3A_62 = vector.shape_cast %swap3A_61 : vector<1x16xf32> to vector<16xf32>
      %swap3A_63 = vector.shape_cast %broadcast_in_dim3A_58 : vector<16xf32> to vector<1x16xf32>
      tpu.vector_store %arg7[%swap3A_59, %swap3A_60], %swap3A_63 {strides = array<i32>} : memref<128x128xf32, #tpu.memory_space<vmem>>, vector<1x16xf32>,
      %broadcast_in_dim3A_64 = arith.constant 0.000000e+00 : f32
      %broadcast_in_dim3A_65 = vector.broadcast %broadcast_in_dim3A_64 : f32 to vector<16xf32>
      %swap3A_66 = arith.index_cast %scan3A_37 : i32 to index
      %swap3A_67 = arith.constant 64 : index
      %swap3A_68 = tpu.vector_load %arg7[%swap3A_66, %swap3A_67] {strides = array<i32>} : memref<128x128xf32, #tpu.memory_space<vmem>>, vector<1x16xf32>,
      %swap3A_69 = vector.shape_cast %swap3A_68 : vector<1x16xf32> to vector<16xf32>
      %swap3A_70 = vector.shape_cast %broadcast_in_dim3A_65 : vector<16xf32> to vector<1x16xf32>
      tpu.vector_store %arg7[%swap3A_66, %swap3A_67], %swap3A_70 {strides = array<i32>} : memref<128x128xf32, #tpu.memory_space<vmem>>, vector<1x16xf32>,
      %broadcast_in_dim3A_71 = arith.constant 0.000000e+00 : f32
      %broadcast_in_dim3A_72 = vector.broadcast %broadcast_in_dim3A_71 : f32 to vector<16xf32>
      %swap3A_73 = arith.index_cast %scan3A_37 : i32 to index
      %swap3A_74 = arith.constant 80 : index
      %swap3A_75 = tpu.vector_load %arg7[%swap3A_73, %swap3A_74] {strides = array<i32>} : memref<128x128xf32, #tpu.memory_space<vmem>>, vector<1x16xf32>,
      %swap3A_76 = vector.shape_cast %swap3A_75 : vector<1x16xf32> to vector<16xf32>
      %swap3A_77 = vector.shape_cast %broadcast_in_dim3A_72 : vector<16xf32> to vector<1x16xf32>
      tpu.vector_store %arg7[%swap3A_73, %swap3A_74], %swap3A_77 {strides = array<i32>} : memref<128x128xf32, #tpu.memory_space<vmem>>, vector<1x16xf32>,
      %broadcast_in_dim3A_78 = arith.constant 0.000000e+00 : f32
      %broadcast_in_dim3A_79 = vector.broadcast %broadcast_in_dim3A_78 : f32 to vector<16xf32>
      %swap3A_80 = arith.index_cast %scan3A_37 : i32 to index
      %swap3A_81 = arith.constant 96 : index
      %swap3A_82 = tpu.vector_load %arg7[%swap3A_80, %swap3A_81] {strides = array<i32>} : memref<128x128xf32, #tpu.memory_space<vmem>>, vector<1x16xf32>,
      %swap3A_83 = vector.shape_cast %swap3A_82 : vector<1x16xf32> to vector<16xf32>
      %swap3A_84 = vector.shape_cast %broadcast_in_dim3A_79 : vector<16xf32> to vector<1x16xf32>
      tpu.vector_store %arg7[%swap3A_80, %swap3A_81], %swap3A_84 {strides = array<i32>} : memref<128x128xf32, #tpu.memory_space<vmem>>, vector<1x16xf32>,
      %broadcast_in_dim3A_85 = arith.constant 0.000000e+00 : f32
      %broadcast_in_dim3A_86 = vector.broadcast %broadcast_in_dim3A_85 : f32 to vector<16xf32>
      %swap3A_87 = arith.index_cast %scan3A_37 : i32 to index
      %swap3A_88 = arith.constant 112 : index
      %swap3A_89 = tpu.vector_load %arg7[%swap3A_87, %swap3A_88] {strides = array<i32>} : memref<128x128xf32, #tpu.memory_space<vmem>>, vector<1x16xf32>,
      %swap3A_90 = vector.shape_cast %swap3A_89 : vector<1x16xf32> to vector<16xf32>
      %swap3A_91 = vector.shape_cast %broadcast_in_dim3A_86 : vector<16xf32> to vector<1x16xf32>
      tpu.vector_store %arg7[%swap3A_87, %swap3A_88], %swap3A_91 {strides = array<i32>} : memref<128x128xf32, #tpu.memory_space<vmem>>, vector<1x16xf32>,
    }
    %scan3A_7 = arith.constant 128 : i32
    %mul3A_8 = arith.constant 632 : i32
    %mul3A_9 = arith.muli %arg1, %mul3A_8 : i32
    %add3A_10 = arith.constant 0 : i32
    %add3A_11 = arith.addi %mul3A_9, %add3A_10 : i32
    "tpu.region"() ({
      %run_scoped3A = tpu.sem_alloc : memref<!tpu.dma_semaphore, #tpu.memory_space<semaphore_mem>>
      %dma_start3A = arith.constant 0 : i32
      %dma_start3A_37 = tpu.memref_slice %arg5[%add3A_11, %dma_start3A] : memref<10112x128xf32, #tpu.memory_space<vmem_shared>> -> memref<128x128xf32, #tpu.memory_space<vmem_shared>>
      %dma_start3A_38 = arith.constant 0 : i32
      %dma_start3A_39 = tpu.memref_slice %arg5[%add3A_11, %dma_start3A_38] : memref<10112x128xf32, #tpu.memory_space<vmem_shared>> -> memref<128x128xf32, #tpu.memory_space<vmem_shared>>
      tpu.enqueue_dma source(%arg7 : memref<128x128xf32, #tpu.memory_space<vmem>>) target(%dma_start3A_39 : memref<128x128xf32, #tpu.memory_space<vmem_shared>>) target_semaphore(%run_scoped3A : memref<!tpu.dma_semaphore, #tpu.memory_space<semaphore_mem>>)
      %dma_wait3A = arith.constant 0 : i32
      %dma_wait3A_40 = tpu.memref_slice %arg5[%add3A_11, %dma_wait3A] : memref<10112x128xf32, #tpu.memory_space<vmem_shared>> -> memref<128x128xf32, #tpu.memory_space<vmem_shared>>
      %dma_wait3A_41 = arith.constant 0 : i32
      %dma_wait3A_42 = tpu.memref_slice %arg5[%add3A_11, %dma_wait3A_41] : memref<10112x128xf32, #tpu.memory_space<vmem_shared>> -> memref<128x128xf32, #tpu.memory_space<vmem_shared>>
      tpu.wait_dma2 semaphore(%run_scoped3A : memref<!tpu.dma_semaphore, #tpu.memory_space<semaphore_mem>>) src(%arg7 : memref<128x128xf32, #tpu.memory_space<vmem>>) dst(%dma_wait3A_42 : memref<128x128xf32, #tpu.memory_space<vmem_shared>>)
      tpu.yield
    }) : () -> ()
    %mul3A_12 = arith.constant 632 : i32
    %mul3A_13 = arith.muli %arg1, %mul3A_12 : i32
    %add3A_14 = arith.constant 128 : i32
    %add3A_15 = arith.addi %mul3A_13, %add3A_14 : i32
    "tpu.region"() ({
      %run_scoped3A = tpu.sem_alloc : memref<!tpu.dma_semaphore, #tpu.memory_space<semaphore_mem>>
      %dma_start3A = arith.constant 0 : i32
      %dma_start3A_37 = tpu.memref_slice %arg5[%add3A_15, %dma_start3A] : memref<10112x128xf32, #tpu.memory_space<vmem_shared>> -> memref<128x128xf32, #tpu.memory_space<vmem_shared>>
      %dma_start3A_38 = arith.constant 0 : i32
      %dma_start3A_39 = tpu.memref_slice %arg5[%add3A_15, %dma_start3A_38] : memref<10112x128xf32, #tpu.memory_space<vmem_shared>> -> memref<128x128xf32, #tpu.memory_space<vmem_shared>>
      tpu.enqueue_dma source(%arg7 : memref<128x128xf32, #tpu.memory_space<vmem>>) target(%dma_start3A_39 : memref<128x128xf32, #tpu.memory_space<vmem_shared>>) target_semaphore(%run_scoped3A : memref<!tpu.dma_semaphore, #tpu.memory_space<semaphore_mem>>)
      %dma_wait3A = arith.constant 0 : i32
      %dma_wait3A_40 = tpu.memref_slice %arg5[%add3A_15, %dma_wait3A] : memref<10112x128xf32, #tpu.memory_space<vmem_shared>> -> memref<128x128xf32, #tpu.memory_space<vmem_shared>>
      %dma_wait3A_41 = arith.constant 0 : i32
      %dma_wait3A_42 = tpu.memref_slice %arg5[%add3A_15, %dma_wait3A_41] : memref<10112x128xf32, #tpu.memory_space<vmem_shared>> -> memref<128x128xf32, #tpu.memory_space<vmem_shared>>
      tpu.wait_dma2 semaphore(%run_scoped3A : memref<!tpu.dma_semaphore, #tpu.memory_space<semaphore_mem>>) src(%arg7 : memref<128x128xf32, #tpu.memory_space<vmem>>) dst(%dma_wait3A_42 : memref<128x128xf32, #tpu.memory_space<vmem_shared>>)
      tpu.yield
    }) : () -> ()
    %mul3A_16 = arith.constant 632 : i32
    %mul3A_17 = arith.muli %arg1, %mul3A_16 : i32
    %add3A_18 = arith.constant 256 : i32
    %add3A_19 = arith.addi %mul3A_17, %add3A_18 : i32
    "tpu.region"() ({
      %run_scoped3A = tpu.sem_alloc : memref<!tpu.dma_semaphore, #tpu.memory_space<semaphore_mem>>
      %dma_start3A = arith.constant 0 : i32
      %dma_start3A_37 = tpu.memref_slice %arg5[%add3A_19, %dma_start3A] : memref<10112x128xf32, #tpu.memory_space<vmem_shared>> -> memref<128x128xf32, #tpu.memory_space<vmem_shared>>
      %dma_start3A_38 = arith.constant 0 : i32
      %dma_start3A_39 = tpu.memref_slice %arg5[%add3A_19, %dma_start3A_38] : memref<10112x128xf32, #tpu.memory_space<vmem_shared>> -> memref<128x128xf32, #tpu.memory_space<vmem_shared>>
      tpu.enqueue_dma source(%arg7 : memref<128x128xf32, #tpu.memory_space<vmem>>) target(%dma_start3A_39 : memref<128x128xf32, #tpu.memory_space<vmem_shared>>) target_semaphore(%run_scoped3A : memref<!tpu.dma_semaphore, #tpu.memory_space<semaphore_mem>>)
      %dma_wait3A = arith.constant 0 : i32
      %dma_wait3A_40 = tpu.memref_slice %arg5[%add3A_19, %dma_wait3A] : memref<10112x128xf32, #tpu.memory_space<vmem_shared>> -> memref<128x128xf32, #tpu.memory_space<vmem_shared>>
      %dma_wait3A_41 = arith.constant 0 : i32
      %dma_wait3A_42 = tpu.memref_slice %arg5[%add3A_19, %dma_wait3A_41] : memref<10112x128xf32, #tpu.memory_space<vmem_shared>> -> memref<128x128xf32, #tpu.memory_space<vmem_shared>>
      tpu.wait_dma2 semaphore(%run_scoped3A : memref<!tpu.dma_semaphore, #tpu.memory_space<semaphore_mem>>) src(%arg7 : memref<128x128xf32, #tpu.memory_space<vmem>>) dst(%dma_wait3A_42 : memref<128x128xf32, #tpu.memory_space<vmem_shared>>)
      tpu.yield
    }) : () -> ()
    %mul3A_20 = arith.constant 632 : i32
    %mul3A_21 = arith.muli %arg1, %mul3A_20 : i32
    %add3A_22 = arith.constant 384 : i32
    %add3A_23 = arith.addi %mul3A_21, %add3A_22 : i32
    "tpu.region"() ({
      %run_scoped3A = tpu.sem_alloc : memref<!tpu.dma_semaphore, #tpu.memory_space<semaphore_mem>>
      %dma_start3A = arith.constant 0 : i32
      %dma_start3A_37 = tpu.memref_slice %arg5[%add3A_23, %dma_start3A] : memref<10112x128xf32, #tpu.memory_space<vmem_shared>> -> memref<128x128xf32, #tpu.memory_space<vmem_shared>>
      %dma_start3A_38 = arith.constant 0 : i32
      %dma_start3A_39 = tpu.memref_slice %arg5[%add3A_23, %dma_start3A_38] : memref<10112x128xf32, #tpu.memory_space<vmem_shared>> -> memref<128x128xf32, #tpu.memory_space<vmem_shared>>
      tpu.enqueue_dma source(%arg7 : memref<128x128xf32, #tpu.memory_space<vmem>>) target(%dma_start3A_39 : memref<128x128xf32, #tpu.memory_space<vmem_shared>>) target_semaphore(%run_scoped3A : memref<!tpu.dma_semaphore, #tpu.memory_space<semaphore_mem>>)
      %dma_wait3A = arith.constant 0 : i32
      %dma_wait3A_40 = tpu.memref_slice %arg5[%add3A_23, %dma_wait3A] : memref<10112x128xf32, #tpu.memory_space<vmem_shared>> -> memref<128x128xf32, #tpu.memory_space<vmem_shared>>
      %dma_wait3A_41 = arith.constant 0 : i32
      %dma_wait3A_42 = tpu.memref_slice %arg5[%add3A_23, %dma_wait3A_41] : memref<10112x128xf32, #tpu.memory_space<vmem_shared>> -> memref<128x128xf32, #tpu.memory_space<vmem_shared>>
      tpu.wait_dma2 semaphore(%run_scoped3A : memref<!tpu.dma_semaphore, #tpu.memory_space<semaphore_mem>>) src(%arg7 : memref<128x128xf32, #tpu.memory_space<vmem>>) dst(%dma_wait3A_42 : memref<128x128xf32, #tpu.memory_space<vmem_shared>>)
      tpu.yield
    }) : () -> ()
    %mul3A_24 = arith.constant 632 : i32
    %mul3A_25 = arith.muli %arg1, %mul3A_24 : i32
    %add3A_26 = arith.constant 512 : i32
    %add3A_27 = arith.addi %mul3A_25, %add3A_26 : i32
    "tpu.region"() ({
      %run_scoped3A = tpu.sem_alloc : memref<!tpu.dma_semaphore, #tpu.memory_space<semaphore_mem>>
      %dma_start3A = arith.constant 0 : i32
      %dma_start3A_37 = arith.constant 0 : i32
      %dma_start3A_38 = tpu.memref_slice %arg7[%dma_start3A, %dma_start3A_37] : memref<128x128xf32, #tpu.memory_space<vmem>> -> memref<120x128xf32, #tpu.memory_space<vmem>>
      %dma_start3A_39 = arith.constant 0 : i32
      %dma_start3A_40 = tpu.memref_slice %arg5[%add3A_27, %dma_start3A_39] : memref<10112x128xf32, #tpu.memory_space<vmem_shared>> -> memref<120x128xf32, #tpu.memory_space<vmem_shared>>
      %dma_start3A_41 = arith.constant 0 : i32
      %dma_start3A_42 = tpu.memref_slice %arg5[%add3A_27, %dma_start3A_41] : memref<10112x128xf32, #tpu.memory_space<vmem_shared>> -> memref<120x128xf32, #tpu.memory_space<vmem_shared>>
      %dma_start3A_43 = arith.constant 0 : i32
      %dma_start3A_44 = arith.constant 0 : i32
      %dma_start3A_45 = tpu.memref_slice %arg7[%dma_start3A_43, %dma_start3A_44] : memref<128x128xf32, #tpu.memory_space<vmem>> -> memref<120x128xf32, #tpu.memory_space<vmem>>
      tpu.enqueue_dma source(%dma_start3A_45 : memref<120x128xf32, #tpu.memory_space<vmem>>) target(%dma_start3A_42 : memref<120x128xf32, #tpu.memory_space<vmem_shared>>) target_semaphore(%run_scoped3A : memref<!tpu.dma_semaphore, #tpu.memory_space<semaphore_mem>>)
      %dma_wait3A = arith.constant 0 : i32
      %dma_wait3A_46 = arith.constant 0 : i32
      %dma_wait3A_47 = tpu.memref_slice %arg7[%dma_wait3A, %dma_wait3A_46] : memref<128x128xf32, #tpu.memory_space<vmem>> -> memref<120x128xf32, #tpu.memory_space<vmem>>
      %dma_wait3A_48 = arith.constant 0 : i32
      %dma_wait3A_49 = tpu.memref_slice %arg5[%add3A_27, %dma_wait3A_48] : memref<10112x128xf32, #tpu.memory_space<vmem_shared>> -> memref<120x128xf32, #tpu.memory_space<vmem_shared>>
      %dma_wait3A_50 = arith.constant 0 : i32
      %dma_wait3A_51 = tpu.memref_slice %arg5[%add3A_27, %dma_wait3A_50] : memref<10112x128xf32, #tpu.memory_space<vmem_shared>> -> memref<120x128xf32, #tpu.memory_space<vmem_shared>>
      %dma_wait3A_52 = arith.constant 0 : i32
      %dma_wait3A_53 = arith.constant 0 : i32
      %dma_wait3A_54 = tpu.memref_slice %arg7[%dma_wait3A_52, %dma_wait3A_53] : memref<128x128xf32, #tpu.memory_space<vmem>> -> memref<120x128xf32, #tpu.memory_space<vmem>>
      tpu.wait_dma2 semaphore(%run_scoped3A : memref<!tpu.dma_semaphore, #tpu.memory_space<semaphore_mem>>) src(%dma_wait3A_54 : memref<120x128xf32, #tpu.memory_space<vmem>>) dst(%dma_wait3A_51 : memref<120x128xf32, #tpu.memory_space<vmem_shared>>)
      tpu.yield
    }) : () -> ()
    %barrier3A = arith.constant 0 : index
    tpu.barrier barrier_id(%barrier3A)
    "tpu.region"() ({
      %run_scoped3A = tpu.sem_alloc : memref<!tpu.dma_semaphore, #tpu.memory_space<semaphore_mem>>
      %dma_start3A = arith.constant 0 : i32
      %dma_start3A_37 = arith.constant 0 : i32
      %dma_start3A_38 = tpu.memref_slice %arg3[%add3A, %dma_start3A, %dma_start3A_37] : memref<32x80x128xi32, #tpu.memory_space<hbm>> -> memref<1x80x128xi32, #tpu.memory_space<hbm>>
      %dma_start3A_39 = tpu.memref_squeeze %dma_start3A_38 : memref<1x80x128xi32, #tpu.memory_space<hbm>> -> memref<80x128xi32, #tpu.memory_space<hbm>>
      %dma_start3A_40 = arith.constant 0 : i32
      %dma_start3A_41 = arith.constant 0 : i32
      %dma_start3A_42 = tpu.memref_slice %arg3[%add3A, %dma_start3A_40, %dma_start3A_41] : memref<32x80x128xi32, #tpu.memory_space<hbm>> -> memref<1x80x128xi32, #tpu.memory_space<hbm>>
      %dma_start3A_43 = tpu.memref_squeeze %dma_start3A_42 : memref<1x80x128xi32, #tpu.memory_space<hbm>> -> memref<80x128xi32, #tpu.memory_space<hbm>>
      tpu.enqueue_dma source(%dma_start3A_43 : memref<80x128xi32, #tpu.memory_space<hbm>>) target(%arg6 : memref<80x128xi32, #tpu.memory_space<vmem>>) target_semaphore(%run_scoped3A : memref<!tpu.dma_semaphore, #tpu.memory_space<semaphore_mem>>)
      %dma_wait3A = arith.constant 0 : i32
      %dma_wait3A_44 = arith.constant 0 : i32
      %dma_wait3A_45 = tpu.memref_slice %arg3[%add3A, %dma_wait3A, %dma_wait3A_44] : memref<32x80x128xi32, #tpu.memory_space<hbm>> -> memref<1x80x128xi32, #tpu.memory_space<hbm>>
      %dma_wait3A_46 = tpu.memref_squeeze %dma_wait3A_45 : memref<1x80x128xi32, #tpu.memory_space<hbm>> -> memref<80x128xi32, #tpu.memory_space<hbm>>
      %dma_wait3A_47 = arith.constant 0 : i32
      %dma_wait3A_48 = arith.constant 0 : i32
      %dma_wait3A_49 = tpu.memref_slice %arg3[%add3A, %dma_wait3A_47, %dma_wait3A_48] : memref<32x80x128xi32, #tpu.memory_space<hbm>> -> memref<1x80x128xi32, #tpu.memory_space<hbm>>
      %dma_wait3A_50 = tpu.memref_squeeze %dma_wait3A_49 : memref<1x80x128xi32, #tpu.memory_space<hbm>> -> memref<80x128xi32, #tpu.memory_space<hbm>>
      tpu.wait_dma2 semaphore(%run_scoped3A : memref<!tpu.dma_semaphore, #tpu.memory_space<semaphore_mem>>) src(%dma_wait3A_50 : memref<80x128xi32, #tpu.memory_space<hbm>>) dst(%arg6 : memref<80x128xi32, #tpu.memory_space<vmem>>)
      tpu.yield
    }) : () -> ()
    %scan3A_28 = arith.constant 0 : i32
    %scan3A_29 = arith.constant 0 : i32
    %scan3A_30 = arith.constant 79 : i32
    %scan3A_31 = arith.addi %scan3A_29, %scan3A_30 : i32
    %scan3A_32 = arith.constant 1 : i32
    scf.for %scan3A_37 = %scan3A_29 to %scan3A_31 step %scan3A_32  : i32 {
      %mul3A_38 = arith.constant 128 : i32
      %mul3A_39 = arith.muli %scan3A_37, %mul3A_38 : i32
      %add3A_40 = arith.addi %mul3A_2, %mul3A_39 : i32
      "tpu.region"() ({
        %run_scoped3A = tpu.sem_alloc : memref<!tpu.dma_semaphore, #tpu.memory_space<semaphore_mem>>
        %dma_start3A = arith.constant 0 : i32
        %dma_start3A_41 = tpu.memref_slice %arg2[%add3A_40, %dma_start3A] : memref<323584x128xf32, #tpu.memory_space<hbm>> -> memref<128x128xf32, #tpu.memory_space<hbm>>
        %dma_start3A_42 = arith.constant 0 : i32
        %dma_start3A_43 = tpu.memref_slice %arg2[%add3A_40, %dma_start3A_42] : memref<323584x128xf32, #tpu.memory_space<hbm>> -> memref<128x128xf32, #tpu.memory_space<hbm>>
        tpu.enqueue_dma source(%dma_start3A_43 : memref<128x128xf32, #tpu.memory_space<hbm>>) target(%arg7 : memref<128x128xf32, #tpu.memory_space<vmem>>) target_semaphore(%run_scoped3A : memref<!tpu.dma_semaphore, #tpu.memory_space<semaphore_mem>>)
        %dma_wait3A = arith.constant 0 : i32
        %dma_wait3A_44 = tpu.memref_slice %arg2[%add3A_40, %dma_wait3A] : memref<323584x128xf32, #tpu.memory_space<hbm>> -> memref<128x128xf32, #tpu.memory_space<hbm>>
        %dma_wait3A_45 = arith.constant 0 : i32
        %dma_wait3A_46 = tpu.memref_slice %arg2[%add3A_40, %dma_wait3A_45] : memref<323584x128xf32, #tpu.memory_space<hbm>> -> memref<128x128xf32, #tpu.memory_space<hbm>>
        tpu.wait_dma2 semaphore(%run_scoped3A : memref<!tpu.dma_semaphore, #tpu.memory_space<semaphore_mem>>) src(%dma_wait3A_46 : memref<128x128xf32, #tpu.memory_space<hbm>>) dst(%arg7 : memref<128x128xf32, #tpu.memory_space<vmem>>)
        tpu.yield
      }) : () -> ()
      "tpu.region"() ({
        %run_scoped3A = tpu.sem_alloc : memref<!tpu.dma_semaphore, #tpu.memory_space<semaphore_mem>>
        %dma_start3A = arith.constant 0 : i32
        %dma_start3A_41 = tpu.memref_slice %arg6[%scan3A_37, %dma_start3A] : memref<80x128xi32, #tpu.memory_space<vmem>> -> memref<1x128xi32, #tpu.memory_space<vmem>>
        %dma_start3A_42 = tpu.memref_squeeze %dma_start3A_41 : memref<1x128xi32, #tpu.memory_space<vmem>> -> memref<128xi32, #tpu.memory_space<vmem>>
        %dma_start3A_43 = arith.constant 0 : i32
        %dma_start3A_44 = arith.constant 0 : i32
        %dma_start3A_45 = tpu.memref_slice %arg5[%dma_start3A_43, %dma_start3A_44] : memref<10112x128xf32, #tpu.memory_space<vmem_shared>> -> memref<10112x128xf32, #tpu.memory_space<vmem_shared>>
        tpu.enqueue_indirect_dma source(%arg7 : memref<128x128xf32, #tpu.memory_space<vmem>>) target(%dma_start3A_45 : memref<10112x128xf32, #tpu.memory_space<vmem_shared>>) offsets(%dma_start3A_42 : memref<128xi32, #tpu.memory_space<vmem>>) semaphore(%run_scoped3A : memref<!tpu.dma_semaphore, #tpu.memory_space<semaphore_mem>>) {add = true}
        %dma_wait3A = arith.constant 0 : i32
        %dma_wait3A_46 = tpu.memref_slice %arg6[%scan3A_37, %dma_wait3A] : memref<80x128xi32, #tpu.memory_space<vmem>> -> memref<1x128xi32, #tpu.memory_space<vmem>>
        %dma_wait3A_47 = tpu.memref_squeeze %dma_wait3A_46 : memref<1x128xi32, #tpu.memory_space<vmem>> -> memref<128xi32, #tpu.memory_space<vmem>>
        %dma_wait3A_48 = arith.constant 0 : i32
        %dma_wait3A_49 = arith.constant 0 : i32
        %dma_wait3A_50 = tpu.memref_slice %arg5[%dma_wait3A_48, %dma_wait3A_49] : memref<10112x128xf32, #tpu.memory_space<vmem_shared>> -> memref<10112x128xf32, #tpu.memory_space<vmem_shared>>
        tpu.wait_indirect_dma semaphore(%run_scoped3A : memref<!tpu.dma_semaphore, #tpu.memory_space<semaphore_mem>>) src(%arg7 : memref<128x128xf32, #tpu.memory_space<vmem>>) dst(%dma_wait3A_50 : memref<10112x128xf32, #tpu.memory_space<vmem_shared>>)
        tpu.yield
      }) : () -> ()
    }
    %scan3A_33 = arith.constant 79 : i32
    %barrier3A_34 = arith.constant 0 : index
    tpu.barrier barrier_id(%barrier3A_34)
    %lt3A = arith.constant 10 : i32
    %lt3A_35 = arith.cmpi slt, %arg1, %lt3A : i32
    %convert_element_type3A = arith.extui %lt3A_35 : i1 to i32
    %cond3A = arith.constant 0 : i32
    %cond3A_36 = arith.cmpi ne, %convert_element_type3A, %cond3A : i32
    scf.if %cond3A_36 {
      %mul3A_37 = arith.constant 1000 : i32
      %mul3A_38 = arith.muli %arg1, %mul3A_37 : i32
      %mul3A_39 = arith.constant 1000 : i32
      %mul3A_40 = arith.muli %arg1, %mul3A_39 : i32
      "tpu.region"() ({
        %run_scoped3A = tpu.sem_alloc : memref<!tpu.dma_semaphore, #tpu.memory_space<semaphore_mem>>
        %dma_start3A = arith.constant 0 : i32
        %dma_start3A_41 = tpu.memref_slice %arg4[%arg0, %mul3A_40, %dma_start3A] : memref<2x10000x128xf32, #tpu.memory_space<hbm>> -> memref<1x1000x128xf32, #tpu.memory_space<hbm>>
        %dma_start3A_42 = tpu.memref_squeeze %dma_start3A_41 : memref<1x1000x128xf32, #tpu.memory_space<hbm>> -> memref<1000x128xf32, #tpu.memory_space<hbm>>
        %dma_start3A_43 = arith.constant 0 : i32
        %dma_start3A_44 = tpu.memref_slice %arg5[%mul3A_38, %dma_start3A_43] : memref<10112x128xf32, #tpu.memory_space<vmem_shared>> -> memref<1000x128xf32, #tpu.memory_space<vmem_shared>>
        tpu.enqueue_dma source(%dma_start3A_44 : memref<1000x128xf32, #tpu.memory_space<vmem_shared>>) target(%dma_start3A_42 : memref<1000x128xf32, #tpu.memory_space<hbm>>) target_semaphore(%run_scoped3A : memref<!tpu.dma_semaphore, #tpu.memory_space<semaphore_mem>>)
        %dma_wait3A = arith.constant 0 : i32
        %dma_wait3A_45 = tpu.memref_slice %arg4[%arg0, %mul3A_40, %dma_wait3A] : memref<2x10000x128xf32, #tpu.memory_space<hbm>> -> memref<1x1000x128xf32, #tpu.memory_space<hbm>>
        %dma_wait3A_46 = tpu.memref_squeeze %dma_wait3A_45 : memref<1x1000x128xf32, #tpu.memory_space<hbm>> -> memref<1000x128xf32, #tpu.memory_space<hbm>>
        %dma_wait3A_47 = arith.constant 0 : i32
        %dma_wait3A_48 = tpu.memref_slice %arg5[%mul3A_38, %dma_wait3A_47] : memref<10112x128xf32, #tpu.memory_space<vmem_shared>> -> memref<1000x128xf32, #tpu.memory_space<vmem_shared>>
        tpu.wait_dma2 semaphore(%run_scoped3A : memref<!tpu.dma_semaphore, #tpu.memory_space<semaphore_mem>>) src(%dma_wait3A_48 : memref<1000x128xf32, #tpu.memory_space<vmem_shared>>) dst(%dma_wait3A_46 : memref<1000x128xf32, #tpu.memory_space<hbm>>)
        tpu.yield
      }) : () -> ()
    } else {
    }
    return
  }
}

#map = affine_map<(d0, d1) -> (0, 0)>
#map1 = affine_map<(d0, d1) -> (0, 0, 0)>
module attributes {stable_mosaic.version = 14 : i64} {
  func.func @_sc_gather_body(%arg0: i32, %arg1: i32, %arg2: memref<10000x128xf32, #tpu.memory_space<hbm>>, %arg3: memref<10000x128xf32, #tpu.memory_space<hbm>>, %arg4: memref<32x80x128xi32, #tpu.memory_space<hbm>>, %arg5: memref<32x80x128xi32, #tpu.memory_space<hbm>>, %arg6: memref<323584x128xf32, #tpu.memory_space<hbm>>, %arg7: memref<80x128xi32, #tpu.memory_space<vmem>>, %arg8: memref<80x128xi32, #tpu.memory_space<vmem>>, %arg9: memref<128x128xf32, #tpu.memory_space<vmem>>, %arg10: memref<128x128xf32, #tpu.memory_space<vmem>>, %arg11: memref<128x128xf32, #tpu.memory_space<vmem>>, %arg12: memref<128x128xf32, #tpu.memory_space<vmem>>, %arg13: memref<!tpu.dma_semaphore, #tpu.memory_space<semaphore_mem>>, %arg14: memref<!tpu.dma_semaphore, #tpu.memory_space<semaphore_mem>>, %arg15: memref<!tpu.dma_semaphore, #tpu.memory_space<semaphore_mem>>, %arg16: memref<!tpu.dma_semaphore, #tpu.memory_space<semaphore_mem>>) attributes {dimension_semantics = [#tpu.dimension_semantics<core_parallel>, #tpu.dimension_semantics<subcore_parallel>], iteration_bounds = array<i64: 2, 16>, scalar_prefetch = 0 : i64, scratch_operands = 10 : i64, tpu.core_type = #tpu.core_type<sc_vector_subcore>, window_params = [{transform_indices = #map}, {transform_indices = #map}, {transform_indices = #map1}, {transform_indices = #map1}, {transform_indices = #map}]} {
    %mul3A = arith.constant 2 : i32
    %mul3A_0 = arith.muli %arg1, %mul3A : i32
    %add3A = arith.addi %mul3A_0, %arg0 : i32
    %mul3A_1 = arith.constant 10112 : i32
    %mul3A_2 = arith.muli %add3A, %mul3A_1 : i32
    "tpu.region"() ({
      %run_scoped3A = tpu.sem_alloc : memref<!tpu.dma_semaphore, #tpu.memory_space<semaphore_mem>>
      %dma_start3A = arith.constant 0 : i32
      %dma_start3A_8 = arith.constant 0 : i32
      %dma_start3A_9 = tpu.memref_slice %arg4[%add3A, %dma_start3A, %dma_start3A_8] : memref<32x80x128xi32, #tpu.memory_space<hbm>> -> memref<1x80x128xi32, #tpu.memory_space<hbm>>
      %dma_start3A_10 = tpu.memref_squeeze %dma_start3A_9 : memref<1x80x128xi32, #tpu.memory_space<hbm>> -> memref<80x128xi32, #tpu.memory_space<hbm>>
      %dma_start3A_11 = arith.constant 0 : i32
      %dma_start3A_12 = arith.constant 0 : i32
      %dma_start3A_13 = tpu.memref_slice %arg4[%add3A, %dma_start3A_11, %dma_start3A_12] : memref<32x80x128xi32, #tpu.memory_space<hbm>> -> memref<1x80x128xi32, #tpu.memory_space<hbm>>
      %dma_start3A_14 = tpu.memref_squeeze %dma_start3A_13 : memref<1x80x128xi32, #tpu.memory_space<hbm>> -> memref<80x128xi32, #tpu.memory_space<hbm>>
      tpu.enqueue_dma source(%dma_start3A_14 : memref<80x128xi32, #tpu.memory_space<hbm>>) target(%arg7 : memref<80x128xi32, #tpu.memory_space<vmem>>) target_semaphore(%run_scoped3A : memref<!tpu.dma_semaphore, #tpu.memory_space<semaphore_mem>>)
      %dma_wait3A = arith.constant 0 : i32
      %dma_wait3A_15 = arith.constant 0 : i32
      %dma_wait3A_16 = tpu.memref_slice %arg4[%add3A, %dma_wait3A, %dma_wait3A_15] : memref<32x80x128xi32, #tpu.memory_space<hbm>> -> memref<1x80x128xi32, #tpu.memory_space<hbm>>
      %dma_wait3A_17 = tpu.memref_squeeze %dma_wait3A_16 : memref<1x80x128xi32, #tpu.memory_space<hbm>> -> memref<80x128xi32, #tpu.memory_space<hbm>>
      %dma_wait3A_18 = arith.constant 0 : i32
      %dma_wait3A_19 = arith.constant 0 : i32
      %dma_wait3A_20 = tpu.memref_slice %arg4[%add3A, %dma_wait3A_18, %dma_wait3A_19] : memref<32x80x128xi32, #tpu.memory_space<hbm>> -> memref<1x80x128xi32, #tpu.memory_space<hbm>>
      %dma_wait3A_21 = tpu.memref_squeeze %dma_wait3A_20 : memref<1x80x128xi32, #tpu.memory_space<hbm>> -> memref<80x128xi32, #tpu.memory_space<hbm>>
      tpu.wait_dma2 semaphore(%run_scoped3A : memref<!tpu.dma_semaphore, #tpu.memory_space<semaphore_mem>>) src(%dma_wait3A_21 : memref<80x128xi32, #tpu.memory_space<hbm>>) dst(%arg7 : memref<80x128xi32, #tpu.memory_space<vmem>>)
      tpu.yield
    }) : () -> ()
    "tpu.region"() ({
      %run_scoped3A = tpu.sem_alloc : memref<!tpu.dma_semaphore, #tpu.memory_space<semaphore_mem>>
      %dma_start3A = arith.constant 0 : i32
      %dma_start3A_8 = arith.constant 0 : i32
      %dma_start3A_9 = tpu.memref_slice %arg5[%add3A, %dma_start3A, %dma_start3A_8] : memref<32x80x128xi32, #tpu.memory_space<hbm>> -> memref<1x80x128xi32, #tpu.memory_space<hbm>>
      %dma_start3A_10 = tpu.memref_squeeze %dma_start3A_9 : memref<1x80x128xi32, #tpu.memory_space<hbm>> -> memref<80x128xi32, #tpu.memory_space<hbm>>
      %dma_start3A_11 = arith.constant 0 : i32
      %dma_start3A_12 = arith.constant 0 : i32
      %dma_start3A_13 = tpu.memref_slice %arg5[%add3A, %dma_start3A_11, %dma_start3A_12] : memref<32x80x128xi32, #tpu.memory_space<hbm>> -> memref<1x80x128xi32, #tpu.memory_space<hbm>>
      %dma_start3A_14 = tpu.memref_squeeze %dma_start3A_13 : memref<1x80x128xi32, #tpu.memory_space<hbm>> -> memref<80x128xi32, #tpu.memory_space<hbm>>
      tpu.enqueue_dma source(%dma_start3A_14 : memref<80x128xi32, #tpu.memory_space<hbm>>) target(%arg8 : memref<80x128xi32, #tpu.memory_space<vmem>>) target_semaphore(%run_scoped3A : memref<!tpu.dma_semaphore, #tpu.memory_space<semaphore_mem>>)
      %dma_wait3A = arith.constant 0 : i32
      %dma_wait3A_15 = arith.constant 0 : i32
      %dma_wait3A_16 = tpu.memref_slice %arg5[%add3A, %dma_wait3A, %dma_wait3A_15] : memref<32x80x128xi32, #tpu.memory_space<hbm>> -> memref<1x80x128xi32, #tpu.memory_space<hbm>>
      %dma_wait3A_17 = tpu.memref_squeeze %dma_wait3A_16 : memref<1x80x128xi32, #tpu.memory_space<hbm>> -> memref<80x128xi32, #tpu.memory_space<hbm>>
      %dma_wait3A_18 = arith.constant 0 : i32
      %dma_wait3A_19 = arith.constant 0 : i32
      %dma_wait3A_20 = tpu.memref_slice %arg5[%add3A, %dma_wait3A_18, %dma_wait3A_19] : memref<32x80x128xi32, #tpu.memory_space<hbm>> -> memref<1x80x128xi32, #tpu.memory_space<hbm>>
      %dma_wait3A_21 = tpu.memref_squeeze %dma_wait3A_20 : memref<1x80x128xi32, #tpu.memory_space<hbm>> -> memref<80x128xi32, #tpu.memory_space<hbm>>
      tpu.wait_dma2 semaphore(%run_scoped3A : memref<!tpu.dma_semaphore, #tpu.memory_space<semaphore_mem>>) src(%dma_wait3A_21 : memref<80x128xi32, #tpu.memory_space<hbm>>) dst(%arg8 : memref<80x128xi32, #tpu.memory_space<vmem>>)
      tpu.yield
    }) : () -> ()
    %scan3A = arith.constant 0 : i32
    %scan3A_3 = arith.constant 0 : i32
    %scan3A_4 = arith.constant 79 : i32
    %scan3A_5 = arith.addi %scan3A_3, %scan3A_4 : i32
    %scan3A_6 = arith.constant 1 : i32
    scf.for %scan3A_8 = %scan3A_3 to %scan3A_5 step %scan3A_6  : i32 {
      %dma_start3A = arith.constant 0 : i32
      %dma_start3A_9 = tpu.memref_slice %arg7[%scan3A_8, %dma_start3A] : memref<80x128xi32, #tpu.memory_space<vmem>> -> memref<1x128xi32, #tpu.memory_space<vmem>>
      %dma_start3A_10 = tpu.memref_squeeze %dma_start3A_9 : memref<1x128xi32, #tpu.memory_space<vmem>> -> memref<128xi32, #tpu.memory_space<vmem>>
      %dma_start3A_11 = arith.constant 0 : i32
      %dma_start3A_12 = arith.constant 0 : i32
      %dma_start3A_13 = tpu.memref_slice %arg2[%dma_start3A_11, %dma_start3A_12] : memref<10000x128xf32, #tpu.memory_space<hbm>> -> memref<10000x128xf32, #tpu.memory_space<hbm>>
      tpu.enqueue_indirect_dma source(%dma_start3A_13 : memref<10000x128xf32, #tpu.memory_space<hbm>>) target(%arg9 : memref<128x128xf32, #tpu.memory_space<vmem>>) offsets(%dma_start3A_10 : memref<128xi32, #tpu.memory_space<vmem>>) semaphore(%arg13 : memref<!tpu.dma_semaphore, #tpu.memory_space<semaphore_mem>>)
      %dma_start3A_14 = arith.constant 0 : i32
      %dma_start3A_15 = tpu.memref_slice %arg8[%scan3A_8, %dma_start3A_14] : memref<80x128xi32, #tpu.memory_space<vmem>> -> memref<1x128xi32, #tpu.memory_space<vmem>>
      %dma_start3A_16 = tpu.memref_squeeze %dma_start3A_15 : memref<1x128xi32, #tpu.memory_space<vmem>> -> memref<128xi32, #tpu.memory_space<vmem>>
      %dma_start3A_17 = arith.constant 0 : i32
      %dma_start3A_18 = arith.constant 0 : i32
      %dma_start3A_19 = tpu.memref_slice %arg3[%dma_start3A_17, %dma_start3A_18] : memref<10000x128xf32, #tpu.memory_space<hbm>> -> memref<10000x128xf32, #tpu.memory_space<hbm>>
      tpu.enqueue_indirect_dma source(%dma_start3A_19 : memref<10000x128xf32, #tpu.memory_space<hbm>>) target(%arg10 : memref<128x128xf32, #tpu.memory_space<vmem>>) offsets(%dma_start3A_16 : memref<128xi32, #tpu.memory_space<vmem>>) semaphore(%arg14 : memref<!tpu.dma_semaphore, #tpu.memory_space<semaphore_mem>>)
      %dma_wait3A = arith.constant 0 : i32
      %dma_wait3A_20 = tpu.memref_slice %arg7[%scan3A_8, %dma_wait3A] : memref<80x128xi32, #tpu.memory_space<vmem>> -> memref<1x128xi32, #tpu.memory_space<vmem>>
      %dma_wait3A_21 = tpu.memref_squeeze %dma_wait3A_20 : memref<1x128xi32, #tpu.memory_space<vmem>> -> memref<128xi32, #tpu.memory_space<vmem>>
      %dma_wait3A_22 = arith.constant 0 : i32
      %dma_wait3A_23 = arith.constant 0 : i32
      %dma_wait3A_24 = tpu.memref_slice %arg2[%dma_wait3A_22, %dma_wait3A_23] : memref<10000x128xf32, #tpu.memory_space<hbm>> -> memref<10000x128xf32, #tpu.memory_space<hbm>>
      tpu.wait_indirect_dma semaphore(%arg13 : memref<!tpu.dma_semaphore, #tpu.memory_space<semaphore_mem>>) src(%dma_wait3A_24 : memref<10000x128xf32, #tpu.memory_space<hbm>>) dst(%arg9 : memref<128x128xf32, #tpu.memory_space<vmem>>)
      %dma_wait3A_25 = arith.constant 0 : i32
      %dma_wait3A_26 = tpu.memref_slice %arg8[%scan3A_8, %dma_wait3A_25] : memref<80x128xi32, #tpu.memory_space<vmem>> -> memref<1x128xi32, #tpu.memory_space<vmem>>
      %dma_wait3A_27 = tpu.memref_squeeze %dma_wait3A_26 : memref<1x128xi32, #tpu.memory_space<vmem>> -> memref<128xi32, #tpu.memory_space<vmem>>
      %dma_wait3A_28 = arith.constant 0 : i32
      %dma_wait3A_29 = arith.constant 0 : i32
      %dma_wait3A_30 = tpu.memref_slice %arg3[%dma_wait3A_28, %dma_wait3A_29] : memref<10000x128xf32, #tpu.memory_space<hbm>> -> memref<10000x128xf32, #tpu.memory_space<hbm>>
      tpu.wait_indirect_dma semaphore(%arg14 : memref<!tpu.dma_semaphore, #tpu.memory_space<semaphore_mem>>) src(%dma_wait3A_30 : memref<10000x128xf32, #tpu.memory_space<hbm>>) dst(%arg10 : memref<128x128xf32, #tpu.memory_space<vmem>>)
      %scan3A_31 = arith.constant 0 : i32
      %scan3A_32 = arith.constant 0 : i32
      %scan3A_33 = arith.constant 128 : i32
      %scan3A_34 = arith.addi %scan3A_32, %scan3A_33 : i32
      %scan3A_35 = arith.constant 1 : i32
      scf.for %scan3A_40 = %scan3A_32 to %scan3A_34 step %scan3A_35  : i32 {
        %get3A = arith.index_cast %scan3A_40 : i32 to index
        %get3A_41 = arith.constant 0 : index
        %get3A_42 = tpu.vector_load %arg9[%get3A, %get3A_41] {strides = array<i32>} : memref<128x128xf32, #tpu.memory_space<vmem>>, vector<1x16xf32>,
        %get3A_43 = vector.shape_cast %get3A_42 : vector<1x16xf32> to vector<16xf32>
        %get3A_44 = arith.index_cast %scan3A_40 : i32 to index
        %get3A_45 = arith.constant 0 : index
        %get3A_46 = tpu.vector_load %arg10[%get3A_44, %get3A_45] {strides = array<i32>} : memref<128x128xf32, #tpu.memory_space<vmem>>, vector<1x16xf32>,
        %get3A_47 = vector.shape_cast %get3A_46 : vector<1x16xf32> to vector<16xf32>
        %add3A_48 = arith.addf %get3A_43, %get3A_47 : vector<16xf32>
        %swap3A = arith.index_cast %scan3A_40 : i32 to index
        %swap3A_49 = arith.constant 0 : index
        %swap3A_50 = tpu.vector_load %arg9[%swap3A, %swap3A_49] {strides = array<i32>} : memref<128x128xf32, #tpu.memory_space<vmem>>, vector<1x16xf32>,
        %swap3A_51 = vector.shape_cast %swap3A_50 : vector<1x16xf32> to vector<16xf32>
        %swap3A_52 = vector.shape_cast %add3A_48 : vector<16xf32> to vector<1x16xf32>
        tpu.vector_store %arg9[%swap3A, %swap3A_49], %swap3A_52 {strides = array<i32>} : memref<128x128xf32, #tpu.memory_space<vmem>>, vector<1x16xf32>,
        %get3A_53 = arith.index_cast %scan3A_40 : i32 to index
        %get3A_54 = arith.constant 16 : index
        %get3A_55 = tpu.vector_load %arg9[%get3A_53, %get3A_54] {strides = array<i32>} : memref<128x128xf32, #tpu.memory_space<vmem>>, vector<1x16xf32>,
        %get3A_56 = vector.shape_cast %get3A_55 : vector<1x16xf32> to vector<16xf32>
        %get3A_57 = arith.index_cast %scan3A_40 : i32 to index
        %get3A_58 = arith.constant 16 : index
        %get3A_59 = tpu.vector_load %arg10[%get3A_57, %get3A_58] {strides = array<i32>} : memref<128x128xf32, #tpu.memory_space<vmem>>, vector<1x16xf32>,
        %get3A_60 = vector.shape_cast %get3A_59 : vector<1x16xf32> to vector<16xf32>
        %add3A_61 = arith.addf %get3A_56, %get3A_60 : vector<16xf32>
        %swap3A_62 = arith.index_cast %scan3A_40 : i32 to index
        %swap3A_63 = arith.constant 16 : index
        %swap3A_64 = tpu.vector_load %arg9[%swap3A_62, %swap3A_63] {strides = array<i32>} : memref<128x128xf32, #tpu.memory_space<vmem>>, vector<1x16xf32>,
        %swap3A_65 = vector.shape_cast %swap3A_64 : vector<1x16xf32> to vector<16xf32>
        %swap3A_66 = vector.shape_cast %add3A_61 : vector<16xf32> to vector<1x16xf32>
        tpu.vector_store %arg9[%swap3A_62, %swap3A_63], %swap3A_66 {strides = array<i32>} : memref<128x128xf32, #tpu.memory_space<vmem>>, vector<1x16xf32>,
        %get3A_67 = arith.index_cast %scan3A_40 : i32 to index
        %get3A_68 = arith.constant 32 : index
        %get3A_69 = tpu.vector_load %arg9[%get3A_67, %get3A_68] {strides = array<i32>} : memref<128x128xf32, #tpu.memory_space<vmem>>, vector<1x16xf32>,
        %get3A_70 = vector.shape_cast %get3A_69 : vector<1x16xf32> to vector<16xf32>
        %get3A_71 = arith.index_cast %scan3A_40 : i32 to index
        %get3A_72 = arith.constant 32 : index
        %get3A_73 = tpu.vector_load %arg10[%get3A_71, %get3A_72] {strides = array<i32>} : memref<128x128xf32, #tpu.memory_space<vmem>>, vector<1x16xf32>,
        %get3A_74 = vector.shape_cast %get3A_73 : vector<1x16xf32> to vector<16xf32>
        %add3A_75 = arith.addf %get3A_70, %get3A_74 : vector<16xf32>
        %swap3A_76 = arith.index_cast %scan3A_40 : i32 to index
        %swap3A_77 = arith.constant 32 : index
        %swap3A_78 = tpu.vector_load %arg9[%swap3A_76, %swap3A_77] {strides = array<i32>} : memref<128x128xf32, #tpu.memory_space<vmem>>, vector<1x16xf32>,
        %swap3A_79 = vector.shape_cast %swap3A_78 : vector<1x16xf32> to vector<16xf32>
        %swap3A_80 = vector.shape_cast %add3A_75 : vector<16xf32> to vector<1x16xf32>
        tpu.vector_store %arg9[%swap3A_76, %swap3A_77], %swap3A_80 {strides = array<i32>} : memref<128x128xf32, #tpu.memory_space<vmem>>, vector<1x16xf32>,
        %get3A_81 = arith.index_cast %scan3A_40 : i32 to index
        %get3A_82 = arith.constant 48 : index
        %get3A_83 = tpu.vector_load %arg9[%get3A_81, %get3A_82] {strides = array<i32>} : memref<128x128xf32, #tpu.memory_space<vmem>>, vector<1x16xf32>,
        %get3A_84 = vector.shape_cast %get3A_83 : vector<1x16xf32> to vector<16xf32>
        %get3A_85 = arith.index_cast %scan3A_40 : i32 to index
        %get3A_86 = arith.constant 48 : index
        %get3A_87 = tpu.vector_load %arg10[%get3A_85, %get3A_86] {strides = array<i32>} : memref<128x128xf32, #tpu.memory_space<vmem>>, vector<1x16xf32>,
        %get3A_88 = vector.shape_cast %get3A_87 : vector<1x16xf32> to vector<16xf32>
        %add3A_89 = arith.addf %get3A_84, %get3A_88 : vector<16xf32>
        %swap3A_90 = arith.index_cast %scan3A_40 : i32 to index
        %swap3A_91 = arith.constant 48 : index
        %swap3A_92 = tpu.vector_load %arg9[%swap3A_90, %swap3A_91] {strides = array<i32>} : memref<128x128xf32, #tpu.memory_space<vmem>>, vector<1x16xf32>,
        %swap3A_93 = vector.shape_cast %swap3A_92 : vector<1x16xf32> to vector<16xf32>
        %swap3A_94 = vector.shape_cast %add3A_89 : vector<16xf32> to vector<1x16xf32>
        tpu.vector_store %arg9[%swap3A_90, %swap3A_91], %swap3A_94 {strides = array<i32>} : memref<128x128xf32, #tpu.memory_space<vmem>>, vector<1x16xf32>,
        %get3A_95 = arith.index_cast %scan3A_40 : i32 to index
        %get3A_96 = arith.constant 64 : index
        %get3A_97 = tpu.vector_load %arg9[%get3A_95, %get3A_96] {strides = array<i32>} : memref<128x128xf32, #tpu.memory_space<vmem>>, vector<1x16xf32>,
        %get3A_98 = vector.shape_cast %get3A_97 : vector<1x16xf32> to vector<16xf32>
        %get3A_99 = arith.index_cast %scan3A_40 : i32 to index
        %get3A_100 = arith.constant 64 : index
        %get3A_101 = tpu.vector_load %arg10[%get3A_99, %get3A_100] {strides = array<i32>} : memref<128x128xf32, #tpu.memory_space<vmem>>, vector<1x16xf32>,
        %get3A_102 = vector.shape_cast %get3A_101 : vector<1x16xf32> to vector<16xf32>
        %add3A_103 = arith.addf %get3A_98, %get3A_102 : vector<16xf32>
        %swap3A_104 = arith.index_cast %scan3A_40 : i32 to index
        %swap3A_105 = arith.constant 64 : index
        %swap3A_106 = tpu.vector_load %arg9[%swap3A_104, %swap3A_105] {strides = array<i32>} : memref<128x128xf32, #tpu.memory_space<vmem>>, vector<1x16xf32>,
        %swap3A_107 = vector.shape_cast %swap3A_106 : vector<1x16xf32> to vector<16xf32>
        %swap3A_108 = vector.shape_cast %add3A_103 : vector<16xf32> to vector<1x16xf32>
        tpu.vector_store %arg9[%swap3A_104, %swap3A_105], %swap3A_108 {strides = array<i32>} : memref<128x128xf32, #tpu.memory_space<vmem>>, vector<1x16xf32>,
        %get3A_109 = arith.index_cast %scan3A_40 : i32 to index
        %get3A_110 = arith.constant 80 : index
        %get3A_111 = tpu.vector_load %arg9[%get3A_109, %get3A_110] {strides = array<i32>} : memref<128x128xf32, #tpu.memory_space<vmem>>, vector<1x16xf32>,
        %get3A_112 = vector.shape_cast %get3A_111 : vector<1x16xf32> to vector<16xf32>
        %get3A_113 = arith.index_cast %scan3A_40 : i32 to index
        %get3A_114 = arith.constant 80 : index
        %get3A_115 = tpu.vector_load %arg10[%get3A_113, %get3A_114] {strides = array<i32>} : memref<128x128xf32, #tpu.memory_space<vmem>>, vector<1x16xf32>,
        %get3A_116 = vector.shape_cast %get3A_115 : vector<1x16xf32> to vector<16xf32>
        %add3A_117 = arith.addf %get3A_112, %get3A_116 : vector<16xf32>
        %swap3A_118 = arith.index_cast %scan3A_40 : i32 to index
        %swap3A_119 = arith.constant 80 : index
        %swap3A_120 = tpu.vector_load %arg9[%swap3A_118, %swap3A_119] {strides = array<i32>} : memref<128x128xf32, #tpu.memory_space<vmem>>, vector<1x16xf32>,
        %swap3A_121 = vector.shape_cast %swap3A_120 : vector<1x16xf32> to vector<16xf32>
        %swap3A_122 = vector.shape_cast %add3A_117 : vector<16xf32> to vector<1x16xf32>
        tpu.vector_store %arg9[%swap3A_118, %swap3A_119], %swap3A_122 {strides = array<i32>} : memref<128x128xf32, #tpu.memory_space<vmem>>, vector<1x16xf32>,
        %get3A_123 = arith.index_cast %scan3A_40 : i32 to index
        %get3A_124 = arith.constant 96 : index
        %get3A_125 = tpu.vector_load %arg9[%get3A_123, %get3A_124] {strides = array<i32>} : memref<128x128xf32, #tpu.memory_space<vmem>>, vector<1x16xf32>,
        %get3A_126 = vector.shape_cast %get3A_125 : vector<1x16xf32> to vector<16xf32>
        %get3A_127 = arith.index_cast %scan3A_40 : i32 to index
        %get3A_128 = arith.constant 96 : index
        %get3A_129 = tpu.vector_load %arg10[%get3A_127, %get3A_128] {strides = array<i32>} : memref<128x128xf32, #tpu.memory_space<vmem>>, vector<1x16xf32>,
        %get3A_130 = vector.shape_cast %get3A_129 : vector<1x16xf32> to vector<16xf32>
        %add3A_131 = arith.addf %get3A_126, %get3A_130 : vector<16xf32>
        %swap3A_132 = arith.index_cast %scan3A_40 : i32 to index
        %swap3A_133 = arith.constant 96 : index
        %swap3A_134 = tpu.vector_load %arg9[%swap3A_132, %swap3A_133] {strides = array<i32>} : memref<128x128xf32, #tpu.memory_space<vmem>>, vector<1x16xf32>,
        %swap3A_135 = vector.shape_cast %swap3A_134 : vector<1x16xf32> to vector<16xf32>
        %swap3A_136 = vector.shape_cast %add3A_131 : vector<16xf32> to vector<1x16xf32>
        tpu.vector_store %arg9[%swap3A_132, %swap3A_133], %swap3A_136 {strides = array<i32>} : memref<128x128xf32, #tpu.memory_space<vmem>>, vector<1x16xf32>,
        %get3A_137 = arith.index_cast %scan3A_40 : i32 to index
        %get3A_138 = arith.constant 112 : index
        %get3A_139 = tpu.vector_load %arg9[%get3A_137, %get3A_138] {strides = array<i32>} : memref<128x128xf32, #tpu.memory_space<vmem>>, vector<1x16xf32>,
        %get3A_140 = vector.shape_cast %get3A_139 : vector<1x16xf32> to vector<16xf32>
        %get3A_141 = arith.index_cast %scan3A_40 : i32 to index
        %get3A_142 = arith.constant 112 : index
        %get3A_143 = tpu.vector_load %arg10[%get3A_141, %get3A_142] {strides = array<i32>} : memref<128x128xf32, #tpu.memory_space<vmem>>, vector<1x16xf32>,
        %get3A_144 = vector.shape_cast %get3A_143 : vector<1x16xf32> to vector<16xf32>
        %add3A_145 = arith.addf %get3A_140, %get3A_144 : vector<16xf32>
        %swap3A_146 = arith.index_cast %scan3A_40 : i32 to index
        %swap3A_147 = arith.constant 112 : index
        %swap3A_148 = tpu.vector_load %arg9[%swap3A_146, %swap3A_147] {strides = array<i32>} : memref<128x128xf32, #tpu.memory_space<vmem>>, vector<1x16xf32>,
        %swap3A_149 = vector.shape_cast %swap3A_148 : vector<1x16xf32> to vector<16xf32>
        %swap3A_150 = vector.shape_cast %add3A_145 : vector<16xf32> to vector<1x16xf32>
        tpu.vector_store %arg9[%swap3A_146, %swap3A_147], %swap3A_150 {strides = array<i32>} : memref<128x128xf32, #tpu.memory_space<vmem>>, vector<1x16xf32>,
      }
      %scan3A_36 = arith.constant 128 : i32
      %mul3A_37 = arith.constant 128 : i32
      %mul3A_38 = arith.muli %scan3A_8, %mul3A_37 : i32
      %add3A_39 = arith.addi %mul3A_2, %mul3A_38 : i32
      "tpu.region"() ({
        %run_scoped3A = tpu.sem_alloc : memref<!tpu.dma_semaphore, #tpu.memory_space<semaphore_mem>>
        %dma_start3A_40 = arith.constant 0 : i32
        %dma_start3A_41 = tpu.memref_slice %arg6[%add3A_39, %dma_start3A_40] : memref<323584x128xf32, #tpu.memory_space<hbm>> -> memref<128x128xf32, #tpu.memory_space<hbm>>
        %dma_start3A_42 = arith.constant 0 : i32
        %dma_start3A_43 = tpu.memref_slice %arg6[%add3A_39, %dma_start3A_42] : memref<323584x128xf32, #tpu.memory_space<hbm>> -> memref<128x128xf32, #tpu.memory_space<hbm>>
        tpu.enqueue_dma source(%arg9 : memref<128x128xf32, #tpu.memory_space<vmem>>) target(%dma_start3A_43 : memref<128x128xf32, #tpu.memory_space<hbm>>) target_semaphore(%run_scoped3A : memref<!tpu.dma_semaphore, #tpu.memory_space<semaphore_mem>>)
        %dma_wait3A_44 = arith.constant 0 : i32
        %dma_wait3A_45 = tpu.memref_slice %arg6[%add3A_39, %dma_wait3A_44] : memref<323584x128xf32, #tpu.memory_space<hbm>> -> memref<128x128xf32, #tpu.memory_space<hbm>>
        %dma_wait3A_46 = arith.constant 0 : i32
        %dma_wait3A_47 = tpu.memref_slice %arg6[%add3A_39, %dma_wait3A_46] : memref<323584x128xf32, #tpu.memory_space<hbm>> -> memref<128x128xf32, #tpu.memory_space<hbm>>
        tpu.wait_dma2 semaphore(%run_scoped3A : memref<!tpu.dma_semaphore, #tpu.memory_space<semaphore_mem>>) src(%arg9 : memref<128x128xf32, #tpu.memory_space<vmem>>) dst(%dma_wait3A_47 : memref<128x128xf32, #tpu.memory_space<hbm>>)
        tpu.yield
      }) : () -> ()
    }
    %scan3A_7 = arith.constant 79 : i32
    return
  }
}

#map = affine_map<(d0, d1) -> (0, 0)>
#map1 = affine_map<(d0, d1) -> (0, 0, 0)>
module attributes {stable_mosaic.version = 14 : i64} {
  func.func @_sc_scatter_body(%arg0: i32, %arg1: i32, %arg2: memref<323584x128xf32, #tpu.memory_space<hbm>>, %arg3: memref<32x80x128xi32, #tpu.memory_space<hbm>>, %arg4: memref<2x10000x128xf32, #tpu.memory_space<hbm>>, %arg5: memref<10112x128xf32, #tpu.memory_space<vmem_shared>>, %arg6: memref<80x128xi32, #tpu.memory_space<vmem>>, %arg7: memref<128x128xf32, #tpu.memory_space<vmem>>, %arg8: memref<128x128xf32, #tpu.memory_space<vmem>>, %arg9: memref<!tpu.dma_semaphore, #tpu.memory_space<semaphore_mem>>, %arg10: memref<!tpu.dma_semaphore, #tpu.memory_space<semaphore_mem>>) attributes {dimension_semantics = [#tpu.dimension_semantics<core_parallel>, #tpu.dimension_semantics<subcore_parallel>], iteration_bounds = array<i64: 2, 16>, scalar_prefetch = 0 : i64, scratch_operands = 6 : i64, tpu.core_type = #tpu.core_type<sc_vector_subcore>, window_params = [{transform_indices = #map}, {transform_indices = #map1}, {transform_indices = #map1}]} {
    %mul3A = arith.constant 16 : i32
    %mul3A_0 = arith.muli %arg0, %mul3A : i32
    %add3A = arith.addi %mul3A_0, %arg1 : i32
    %mul3A_1 = arith.constant 10112 : i32
    %mul3A_2 = arith.muli %add3A, %mul3A_1 : i32
    %scan3A = arith.constant 0 : i32
    %scan3A_3 = arith.constant 0 : i32
    %scan3A_4 = arith.constant 128 : i32
    %scan3A_5 = arith.addi %scan3A_3, %scan3A_4 : i32
    %scan3A_6 = arith.constant 1 : i32
    scf.for %scan3A_37 = %scan3A_3 to %scan3A_5 step %scan3A_6  : i32 {
      %broadcast_in_dim3A = arith.constant 0.000000e+00 : f32
      %broadcast_in_dim3A_38 = vector.broadcast %broadcast_in_dim3A : f32 to vector<16xf32>
      %swap3A = arith.index_cast %scan3A_37 : i32 to index
      %swap3A_39 = arith.constant 0 : index
      %swap3A_40 = tpu.vector_load %arg7[%swap3A, %swap3A_39] {strides = array<i32>} : memref<128x128xf32, #tpu.memory_space<vmem>>, vector<1x16xf32>,
      %swap3A_41 = vector.shape_cast %swap3A_40 : vector<1x16xf32> to vector<16xf32>
      %swap3A_42 = vector.shape_cast %broadcast_in_dim3A_38 : vector<16xf32> to vector<1x16xf32>
      tpu.vector_store %arg7[%swap3A, %swap3A_39], %swap3A_42 {strides = array<i32>} : memref<128x128xf32, #tpu.memory_space<vmem>>, vector<1x16xf32>,
      %broadcast_in_dim3A_43 = arith.constant 0.000000e+00 : f32
      %broadcast_in_dim3A_44 = vector.broadcast %broadcast_in_dim3A_43 : f32 to vector<16xf32>
      %swap3A_45 = arith.index_cast %scan3A_37 : i32 to index
      %swap3A_46 = arith.constant 16 : index
      %swap3A_47 = tpu.vector_load %arg7[%swap3A_45, %swap3A_46] {strides = array<i32>} : memref<128x128xf32, #tpu.memory_space<vmem>>, vector<1x16xf32>,
      %swap3A_48 = vector.shape_cast %swap3A_47 : vector<1x16xf32> to vector<16xf32>
      %swap3A_49 = vector.shape_cast %broadcast_in_dim3A_44 : vector<16xf32> to vector<1x16xf32>
      tpu.vector_store %arg7[%swap3A_45, %swap3A_46], %swap3A_49 {strides = array<i32>} : memref<128x128xf32, #tpu.memory_space<vmem>>, vector<1x16xf32>,
      %broadcast_in_dim3A_50 = arith.constant 0.000000e+00 : f32
      %broadcast_in_dim3A_51 = vector.broadcast %broadcast_in_dim3A_50 : f32 to vector<16xf32>
      %swap3A_52 = arith.index_cast %scan3A_37 : i32 to index
      %swap3A_53 = arith.constant 32 : index
      %swap3A_54 = tpu.vector_load %arg7[%swap3A_52, %swap3A_53] {strides = array<i32>} : memref<128x128xf32, #tpu.memory_space<vmem>>, vector<1x16xf32>,
      %swap3A_55 = vector.shape_cast %swap3A_54 : vector<1x16xf32> to vector<16xf32>
      %swap3A_56 = vector.shape_cast %broadcast_in_dim3A_51 : vector<16xf32> to vector<1x16xf32>
      tpu.vector_store %arg7[%swap3A_52, %swap3A_53], %swap3A_56 {strides = array<i32>} : memref<128x128xf32, #tpu.memory_space<vmem>>, vector<1x16xf32>,
      %broadcast_in_dim3A_57 = arith.constant 0.000000e+00 : f32
      %broadcast_in_dim3A_58 = vector.broadcast %broadcast_in_dim3A_57 : f32 to vector<16xf32>
      %swap3A_59 = arith.index_cast %scan3A_37 : i32 to index
      %swap3A_60 = arith.constant 48 : index
      %swap3A_61 = tpu.vector_load %arg7[%swap3A_59, %swap3A_60] {strides = array<i32>} : memref<128x128xf32, #tpu.memory_space<vmem>>, vector<1x16xf32>,
      %swap3A_62 = vector.shape_cast %swap3A_61 : vector<1x16xf32> to vector<16xf32>
      %swap3A_63 = vector.shape_cast %broadcast_in_dim3A_58 : vector<16xf32> to vector<1x16xf32>
      tpu.vector_store %arg7[%swap3A_59, %swap3A_60], %swap3A_63 {strides = array<i32>} : memref<128x128xf32, #tpu.memory_space<vmem>>, vector<1x16xf32>,
      %broadcast_in_dim3A_64 = arith.constant 0.000000e+00 : f32
      %broadcast_in_dim3A_65 = vector.broadcast %broadcast_in_dim3A_64 : f32 to vector<16xf32>
      %swap3A_66 = arith.index_cast %scan3A_37 : i32 to index
      %swap3A_67 = arith.constant 64 : index
      %swap3A_68 = tpu.vector_load %arg7[%swap3A_66, %swap3A_67] {strides = array<i32>} : memref<128x128xf32, #tpu.memory_space<vmem>>, vector<1x16xf32>,
      %swap3A_69 = vector.shape_cast %swap3A_68 : vector<1x16xf32> to vector<16xf32>
      %swap3A_70 = vector.shape_cast %broadcast_in_dim3A_65 : vector<16xf32> to vector<1x16xf32>
      tpu.vector_store %arg7[%swap3A_66, %swap3A_67], %swap3A_70 {strides = array<i32>} : memref<128x128xf32, #tpu.memory_space<vmem>>, vector<1x16xf32>,
      %broadcast_in_dim3A_71 = arith.constant 0.000000e+00 : f32
      %broadcast_in_dim3A_72 = vector.broadcast %broadcast_in_dim3A_71 : f32 to vector<16xf32>
      %swap3A_73 = arith.index_cast %scan3A_37 : i32 to index
      %swap3A_74 = arith.constant 80 : index
      %swap3A_75 = tpu.vector_load %arg7[%swap3A_73, %swap3A_74] {strides = array<i32>} : memref<128x128xf32, #tpu.memory_space<vmem>>, vector<1x16xf32>,
      %swap3A_76 = vector.shape_cast %swap3A_75 : vector<1x16xf32> to vector<16xf32>
      %swap3A_77 = vector.shape_cast %broadcast_in_dim3A_72 : vector<16xf32> to vector<1x16xf32>
      tpu.vector_store %arg7[%swap3A_73, %swap3A_74], %swap3A_77 {strides = array<i32>} : memref<128x128xf32, #tpu.memory_space<vmem>>, vector<1x16xf32>,
      %broadcast_in_dim3A_78 = arith.constant 0.000000e+00 : f32
      %broadcast_in_dim3A_79 = vector.broadcast %broadcast_in_dim3A_78 : f32 to vector<16xf32>
      %swap3A_80 = arith.index_cast %scan3A_37 : i32 to index
      %swap3A_81 = arith.constant 96 : index
      %swap3A_82 = tpu.vector_load %arg7[%swap3A_80, %swap3A_81] {strides = array<i32>} : memref<128x128xf32, #tpu.memory_space<vmem>>, vector<1x16xf32>,
      %swap3A_83 = vector.shape_cast %swap3A_82 : vector<1x16xf32> to vector<16xf32>
      %swap3A_84 = vector.shape_cast %broadcast_in_dim3A_79 : vector<16xf32> to vector<1x16xf32>
      tpu.vector_store %arg7[%swap3A_80, %swap3A_81], %swap3A_84 {strides = array<i32>} : memref<128x128xf32, #tpu.memory_space<vmem>>, vector<1x16xf32>,
      %broadcast_in_dim3A_85 = arith.constant 0.000000e+00 : f32
      %broadcast_in_dim3A_86 = vector.broadcast %broadcast_in_dim3A_85 : f32 to vector<16xf32>
      %swap3A_87 = arith.index_cast %scan3A_37 : i32 to index
      %swap3A_88 = arith.constant 112 : index
      %swap3A_89 = tpu.vector_load %arg7[%swap3A_87, %swap3A_88] {strides = array<i32>} : memref<128x128xf32, #tpu.memory_space<vmem>>, vector<1x16xf32>,
      %swap3A_90 = vector.shape_cast %swap3A_89 : vector<1x16xf32> to vector<16xf32>
      %swap3A_91 = vector.shape_cast %broadcast_in_dim3A_86 : vector<16xf32> to vector<1x16xf32>
      tpu.vector_store %arg7[%swap3A_87, %swap3A_88], %swap3A_91 {strides = array<i32>} : memref<128x128xf32, #tpu.memory_space<vmem>>, vector<1x16xf32>,
    }
    %scan3A_7 = arith.constant 128 : i32
    %mul3A_8 = arith.constant 632 : i32
    %mul3A_9 = arith.muli %arg1, %mul3A_8 : i32
    %add3A_10 = arith.constant 0 : i32
    %add3A_11 = arith.addi %mul3A_9, %add3A_10 : i32
    "tpu.region"() ({
      %run_scoped3A = tpu.sem_alloc : memref<!tpu.dma_semaphore, #tpu.memory_space<semaphore_mem>>
      %dma_start3A = arith.constant 0 : i32
      %dma_start3A_37 = tpu.memref_slice %arg5[%add3A_11, %dma_start3A] : memref<10112x128xf32, #tpu.memory_space<vmem_shared>> -> memref<128x128xf32, #tpu.memory_space<vmem_shared>>
      %dma_start3A_38 = arith.constant 0 : i32
      %dma_start3A_39 = tpu.memref_slice %arg5[%add3A_11, %dma_start3A_38] : memref<10112x128xf32, #tpu.memory_space<vmem_shared>> -> memref<128x128xf32, #tpu.memory_space<vmem_shared>>
      tpu.enqueue_dma source(%arg7 : memref<128x128xf32, #tpu.memory_space<vmem>>) target(%dma_start3A_39 : memref<128x128xf32, #tpu.memory_space<vmem_shared>>) target_semaphore(%run_scoped3A : memref<!tpu.dma_semaphore, #tpu.memory_space<semaphore_mem>>)
      %dma_wait3A = arith.constant 0 : i32
      %dma_wait3A_40 = tpu.memref_slice %arg5[%add3A_11, %dma_wait3A] : memref<10112x128xf32, #tpu.memory_space<vmem_shared>> -> memref<128x128xf32, #tpu.memory_space<vmem_shared>>
      %dma_wait3A_41 = arith.constant 0 : i32
      %dma_wait3A_42 = tpu.memref_slice %arg5[%add3A_11, %dma_wait3A_41] : memref<10112x128xf32, #tpu.memory_space<vmem_shared>> -> memref<128x128xf32, #tpu.memory_space<vmem_shared>>
      tpu.wait_dma2 semaphore(%run_scoped3A : memref<!tpu.dma_semaphore, #tpu.memory_space<semaphore_mem>>) src(%arg7 : memref<128x128xf32, #tpu.memory_space<vmem>>) dst(%dma_wait3A_42 : memref<128x128xf32, #tpu.memory_space<vmem_shared>>)
      tpu.yield
    }) : () -> ()
    %mul3A_12 = arith.constant 632 : i32
    %mul3A_13 = arith.muli %arg1, %mul3A_12 : i32
    %add3A_14 = arith.constant 128 : i32
    %add3A_15 = arith.addi %mul3A_13, %add3A_14 : i32
    "tpu.region"() ({
      %run_scoped3A = tpu.sem_alloc : memref<!tpu.dma_semaphore, #tpu.memory_space<semaphore_mem>>
      %dma_start3A = arith.constant 0 : i32
      %dma_start3A_37 = tpu.memref_slice %arg5[%add3A_15, %dma_start3A] : memref<10112x128xf32, #tpu.memory_space<vmem_shared>> -> memref<128x128xf32, #tpu.memory_space<vmem_shared>>
      %dma_start3A_38 = arith.constant 0 : i32
      %dma_start3A_39 = tpu.memref_slice %arg5[%add3A_15, %dma_start3A_38] : memref<10112x128xf32, #tpu.memory_space<vmem_shared>> -> memref<128x128xf32, #tpu.memory_space<vmem_shared>>
      tpu.enqueue_dma source(%arg7 : memref<128x128xf32, #tpu.memory_space<vmem>>) target(%dma_start3A_39 : memref<128x128xf32, #tpu.memory_space<vmem_shared>>) target_semaphore(%run_scoped3A : memref<!tpu.dma_semaphore, #tpu.memory_space<semaphore_mem>>)
      %dma_wait3A = arith.constant 0 : i32
      %dma_wait3A_40 = tpu.memref_slice %arg5[%add3A_15, %dma_wait3A] : memref<10112x128xf32, #tpu.memory_space<vmem_shared>> -> memref<128x128xf32, #tpu.memory_space<vmem_shared>>
      %dma_wait3A_41 = arith.constant 0 : i32
      %dma_wait3A_42 = tpu.memref_slice %arg5[%add3A_15, %dma_wait3A_41] : memref<10112x128xf32, #tpu.memory_space<vmem_shared>> -> memref<128x128xf32, #tpu.memory_space<vmem_shared>>
      tpu.wait_dma2 semaphore(%run_scoped3A : memref<!tpu.dma_semaphore, #tpu.memory_space<semaphore_mem>>) src(%arg7 : memref<128x128xf32, #tpu.memory_space<vmem>>) dst(%dma_wait3A_42 : memref<128x128xf32, #tpu.memory_space<vmem_shared>>)
      tpu.yield
    }) : () -> ()
    %mul3A_16 = arith.constant 632 : i32
    %mul3A_17 = arith.muli %arg1, %mul3A_16 : i32
    %add3A_18 = arith.constant 256 : i32
    %add3A_19 = arith.addi %mul3A_17, %add3A_18 : i32
    "tpu.region"() ({
      %run_scoped3A = tpu.sem_alloc : memref<!tpu.dma_semaphore, #tpu.memory_space<semaphore_mem>>
      %dma_start3A = arith.constant 0 : i32
      %dma_start3A_37 = tpu.memref_slice %arg5[%add3A_19, %dma_start3A] : memref<10112x128xf32, #tpu.memory_space<vmem_shared>> -> memref<128x128xf32, #tpu.memory_space<vmem_shared>>
      %dma_start3A_38 = arith.constant 0 : i32
      %dma_start3A_39 = tpu.memref_slice %arg5[%add3A_19, %dma_start3A_38] : memref<10112x128xf32, #tpu.memory_space<vmem_shared>> -> memref<128x128xf32, #tpu.memory_space<vmem_shared>>
      tpu.enqueue_dma source(%arg7 : memref<128x128xf32, #tpu.memory_space<vmem>>) target(%dma_start3A_39 : memref<128x128xf32, #tpu.memory_space<vmem_shared>>) target_semaphore(%run_scoped3A : memref<!tpu.dma_semaphore, #tpu.memory_space<semaphore_mem>>)
      %dma_wait3A = arith.constant 0 : i32
      %dma_wait3A_40 = tpu.memref_slice %arg5[%add3A_19, %dma_wait3A] : memref<10112x128xf32, #tpu.memory_space<vmem_shared>> -> memref<128x128xf32, #tpu.memory_space<vmem_shared>>
      %dma_wait3A_41 = arith.constant 0 : i32
      %dma_wait3A_42 = tpu.memref_slice %arg5[%add3A_19, %dma_wait3A_41] : memref<10112x128xf32, #tpu.memory_space<vmem_shared>> -> memref<128x128xf32, #tpu.memory_space<vmem_shared>>
      tpu.wait_dma2 semaphore(%run_scoped3A : memref<!tpu.dma_semaphore, #tpu.memory_space<semaphore_mem>>) src(%arg7 : memref<128x128xf32, #tpu.memory_space<vmem>>) dst(%dma_wait3A_42 : memref<128x128xf32, #tpu.memory_space<vmem_shared>>)
      tpu.yield
    }) : () -> ()
    %mul3A_20 = arith.constant 632 : i32
    %mul3A_21 = arith.muli %arg1, %mul3A_20 : i32
    %add3A_22 = arith.constant 384 : i32
    %add3A_23 = arith.addi %mul3A_21, %add3A_22 : i32
    "tpu.region"() ({
      %run_scoped3A = tpu.sem_alloc : memref<!tpu.dma_semaphore, #tpu.memory_space<semaphore_mem>>
      %dma_start3A = arith.constant 0 : i32
      %dma_start3A_37 = tpu.memref_slice %arg5[%add3A_23, %dma_start3A] : memref<10112x128xf32, #tpu.memory_space<vmem_shared>> -> memref<128x128xf32, #tpu.memory_space<vmem_shared>>
      %dma_start3A_38 = arith.constant 0 : i32
      %dma_start3A_39 = tpu.memref_slice %arg5[%add3A_23, %dma_start3A_38] : memref<10112x128xf32, #tpu.memory_space<vmem_shared>> -> memref<128x128xf32, #tpu.memory_space<vmem_shared>>
      tpu.enqueue_dma source(%arg7 : memref<128x128xf32, #tpu.memory_space<vmem>>) target(%dma_start3A_39 : memref<128x128xf32, #tpu.memory_space<vmem_shared>>) target_semaphore(%run_scoped3A : memref<!tpu.dma_semaphore, #tpu.memory_space<semaphore_mem>>)
      %dma_wait3A = arith.constant 0 : i32
      %dma_wait3A_40 = tpu.memref_slice %arg5[%add3A_23, %dma_wait3A] : memref<10112x128xf32, #tpu.memory_space<vmem_shared>> -> memref<128x128xf32, #tpu.memory_space<vmem_shared>>
      %dma_wait3A_41 = arith.constant 0 : i32
      %dma_wait3A_42 = tpu.memref_slice %arg5[%add3A_23, %dma_wait3A_41] : memref<10112x128xf32, #tpu.memory_space<vmem_shared>> -> memref<128x128xf32, #tpu.memory_space<vmem_shared>>
      tpu.wait_dma2 semaphore(%run_scoped3A : memref<!tpu.dma_semaphore, #tpu.memory_space<semaphore_mem>>) src(%arg7 : memref<128x128xf32, #tpu.memory_space<vmem>>) dst(%dma_wait3A_42 : memref<128x128xf32, #tpu.memory_space<vmem_shared>>)
      tpu.yield
    }) : () -> ()
    %mul3A_24 = arith.constant 632 : i32
    %mul3A_25 = arith.muli %arg1, %mul3A_24 : i32
    %add3A_26 = arith.constant 512 : i32
    %add3A_27 = arith.addi %mul3A_25, %add3A_26 : i32
    "tpu.region"() ({
      %run_scoped3A = tpu.sem_alloc : memref<!tpu.dma_semaphore, #tpu.memory_space<semaphore_mem>>
      %dma_start3A = arith.constant 0 : i32
      %dma_start3A_37 = arith.constant 0 : i32
      %dma_start3A_38 = tpu.memref_slice %arg7[%dma_start3A, %dma_start3A_37] : memref<128x128xf32, #tpu.memory_space<vmem>> -> memref<120x128xf32, #tpu.memory_space<vmem>>
      %dma_start3A_39 = arith.constant 0 : i32
      %dma_start3A_40 = tpu.memref_slice %arg5[%add3A_27, %dma_start3A_39] : memref<10112x128xf32, #tpu.memory_space<vmem_shared>> -> memref<120x128xf32, #tpu.memory_space<vmem_shared>>
      %dma_start3A_41 = arith.constant 0 : i32
      %dma_start3A_42 = tpu.memref_slice %arg5[%add3A_27, %dma_start3A_41] : memref<10112x128xf32, #tpu.memory_space<vmem_shared>> -> memref<120x128xf32, #tpu.memory_space<vmem_shared>>
      %dma_start3A_43 = arith.constant 0 : i32
      %dma_start3A_44 = arith.constant 0 : i32
      %dma_start3A_45 = tpu.memref_slice %arg7[%dma_start3A_43, %dma_start3A_44] : memref<128x128xf32, #tpu.memory_space<vmem>> -> memref<120x128xf32, #tpu.memory_space<vmem>>
      tpu.enqueue_dma source(%dma_start3A_45 : memref<120x128xf32, #tpu.memory_space<vmem>>) target(%dma_start3A_42 : memref<120x128xf32, #tpu.memory_space<vmem_shared>>) target_semaphore(%run_scoped3A : memref<!tpu.dma_semaphore, #tpu.memory_space<semaphore_mem>>)
      %dma_wait3A = arith.constant 0 : i32
      %dma_wait3A_46 = arith.constant 0 : i32
      %dma_wait3A_47 = tpu.memref_slice %arg7[%dma_wait3A, %dma_wait3A_46] : memref<128x128xf32, #tpu.memory_space<vmem>> -> memref<120x128xf32, #tpu.memory_space<vmem>>
      %dma_wait3A_48 = arith.constant 0 : i32
      %dma_wait3A_49 = tpu.memref_slice %arg5[%add3A_27, %dma_wait3A_48] : memref<10112x128xf32, #tpu.memory_space<vmem_shared>> -> memref<120x128xf32, #tpu.memory_space<vmem_shared>>
      %dma_wait3A_50 = arith.constant 0 : i32
      %dma_wait3A_51 = tpu.memref_slice %arg5[%add3A_27, %dma_wait3A_50] : memref<10112x128xf32, #tpu.memory_space<vmem_shared>> -> memref<120x128xf32, #tpu.memory_space<vmem_shared>>
      %dma_wait3A_52 = arith.constant 0 : i32
      %dma_wait3A_53 = arith.constant 0 : i32
      %dma_wait3A_54 = tpu.memref_slice %arg7[%dma_wait3A_52, %dma_wait3A_53] : memref<128x128xf32, #tpu.memory_space<vmem>> -> memref<120x128xf32, #tpu.memory_space<vmem>>
      tpu.wait_dma2 semaphore(%run_scoped3A : memref<!tpu.dma_semaphore, #tpu.memory_space<semaphore_mem>>) src(%dma_wait3A_54 : memref<120x128xf32, #tpu.memory_space<vmem>>) dst(%dma_wait3A_51 : memref<120x128xf32, #tpu.memory_space<vmem_shared>>)
      tpu.yield
    }) : () -> ()
    %barrier3A = arith.constant 0 : index
    tpu.barrier barrier_id(%barrier3A)
    "tpu.region"() ({
      %run_scoped3A = tpu.sem_alloc : memref<!tpu.dma_semaphore, #tpu.memory_space<semaphore_mem>>
      %dma_start3A = arith.constant 0 : i32
      %dma_start3A_37 = arith.constant 0 : i32
      %dma_start3A_38 = tpu.memref_slice %arg3[%add3A, %dma_start3A, %dma_start3A_37] : memref<32x80x128xi32, #tpu.memory_space<hbm>> -> memref<1x80x128xi32, #tpu.memory_space<hbm>>
      %dma_start3A_39 = tpu.memref_squeeze %dma_start3A_38 : memref<1x80x128xi32, #tpu.memory_space<hbm>> -> memref<80x128xi32, #tpu.memory_space<hbm>>
      %dma_start3A_40 = arith.constant 0 : i32
      %dma_start3A_41 = arith.constant 0 : i32
      %dma_start3A_42 = tpu.memref_slice %arg3[%add3A, %dma_start3A_40, %dma_start3A_41] : memref<32x80x128xi32, #tpu.memory_space<hbm>> -> memref<1x80x128xi32, #tpu.memory_space<hbm>>
      %dma_start3A_43 = tpu.memref_squeeze %dma_start3A_42 : memref<1x80x128xi32, #tpu.memory_space<hbm>> -> memref<80x128xi32, #tpu.memory_space<hbm>>
      tpu.enqueue_dma source(%dma_start3A_43 : memref<80x128xi32, #tpu.memory_space<hbm>>) target(%arg6 : memref<80x128xi32, #tpu.memory_space<vmem>>) target_semaphore(%run_scoped3A : memref<!tpu.dma_semaphore, #tpu.memory_space<semaphore_mem>>)
      %dma_wait3A = arith.constant 0 : i32
      %dma_wait3A_44 = arith.constant 0 : i32
      %dma_wait3A_45 = tpu.memref_slice %arg3[%add3A, %dma_wait3A, %dma_wait3A_44] : memref<32x80x128xi32, #tpu.memory_space<hbm>> -> memref<1x80x128xi32, #tpu.memory_space<hbm>>
      %dma_wait3A_46 = tpu.memref_squeeze %dma_wait3A_45 : memref<1x80x128xi32, #tpu.memory_space<hbm>> -> memref<80x128xi32, #tpu.memory_space<hbm>>
      %dma_wait3A_47 = arith.constant 0 : i32
      %dma_wait3A_48 = arith.constant 0 : i32
      %dma_wait3A_49 = tpu.memref_slice %arg3[%add3A, %dma_wait3A_47, %dma_wait3A_48] : memref<32x80x128xi32, #tpu.memory_space<hbm>> -> memref<1x80x128xi32, #tpu.memory_space<hbm>>
      %dma_wait3A_50 = tpu.memref_squeeze %dma_wait3A_49 : memref<1x80x128xi32, #tpu.memory_space<hbm>> -> memref<80x128xi32, #tpu.memory_space<hbm>>
      tpu.wait_dma2 semaphore(%run_scoped3A : memref<!tpu.dma_semaphore, #tpu.memory_space<semaphore_mem>>) src(%dma_wait3A_50 : memref<80x128xi32, #tpu.memory_space<hbm>>) dst(%arg6 : memref<80x128xi32, #tpu.memory_space<vmem>>)
      tpu.yield
    }) : () -> ()
    %scan3A_28 = arith.constant 0 : i32
    %scan3A_29 = arith.constant 0 : i32
    %scan3A_30 = arith.constant 79 : i32
    %scan3A_31 = arith.addi %scan3A_29, %scan3A_30 : i32
    %scan3A_32 = arith.constant 1 : i32
    scf.for %scan3A_37 = %scan3A_29 to %scan3A_31 step %scan3A_32  : i32 {
      %mul3A_38 = arith.constant 128 : i32
      %mul3A_39 = arith.muli %scan3A_37, %mul3A_38 : i32
      %add3A_40 = arith.addi %mul3A_2, %mul3A_39 : i32
      "tpu.region"() ({
        %run_scoped3A = tpu.sem_alloc : memref<!tpu.dma_semaphore, #tpu.memory_space<semaphore_mem>>
        %dma_start3A = arith.constant 0 : i32
        %dma_start3A_41 = tpu.memref_slice %arg2[%add3A_40, %dma_start3A] : memref<323584x128xf32, #tpu.memory_space<hbm>> -> memref<128x128xf32, #tpu.memory_space<hbm>>
        %dma_start3A_42 = arith.constant 0 : i32
        %dma_start3A_43 = tpu.memref_slice %arg2[%add3A_40, %dma_start3A_42] : memref<323584x128xf32, #tpu.memory_space<hbm>> -> memref<128x128xf32, #tpu.memory_space<hbm>>
        tpu.enqueue_dma source(%dma_start3A_43 : memref<128x128xf32, #tpu.memory_space<hbm>>) target(%arg7 : memref<128x128xf32, #tpu.memory_space<vmem>>) target_semaphore(%run_scoped3A : memref<!tpu.dma_semaphore, #tpu.memory_space<semaphore_mem>>)
        %dma_wait3A = arith.constant 0 : i32
        %dma_wait3A_44 = tpu.memref_slice %arg2[%add3A_40, %dma_wait3A] : memref<323584x128xf32, #tpu.memory_space<hbm>> -> memref<128x128xf32, #tpu.memory_space<hbm>>
        %dma_wait3A_45 = arith.constant 0 : i32
        %dma_wait3A_46 = tpu.memref_slice %arg2[%add3A_40, %dma_wait3A_45] : memref<323584x128xf32, #tpu.memory_space<hbm>> -> memref<128x128xf32, #tpu.memory_space<hbm>>
        tpu.wait_dma2 semaphore(%run_scoped3A : memref<!tpu.dma_semaphore, #tpu.memory_space<semaphore_mem>>) src(%dma_wait3A_46 : memref<128x128xf32, #tpu.memory_space<hbm>>) dst(%arg7 : memref<128x128xf32, #tpu.memory_space<vmem>>)
        tpu.yield
      }) : () -> ()
      "tpu.region"() ({
        %run_scoped3A = tpu.sem_alloc : memref<!tpu.dma_semaphore, #tpu.memory_space<semaphore_mem>>
        %dma_start3A = arith.constant 0 : i32
        %dma_start3A_41 = tpu.memref_slice %arg6[%scan3A_37, %dma_start3A] : memref<80x128xi32, #tpu.memory_space<vmem>> -> memref<1x128xi32, #tpu.memory_space<vmem>>
        %dma_start3A_42 = tpu.memref_squeeze %dma_start3A_41 : memref<1x128xi32, #tpu.memory_space<vmem>> -> memref<128xi32, #tpu.memory_space<vmem>>
        %dma_start3A_43 = arith.constant 0 : i32
        %dma_start3A_44 = arith.constant 0 : i32
        %dma_start3A_45 = tpu.memref_slice %arg5[%dma_start3A_43, %dma_start3A_44] : memref<10112x128xf32, #tpu.memory_space<vmem_shared>> -> memref<10112x128xf32, #tpu.memory_space<vmem_shared>>
        tpu.enqueue_indirect_dma source(%arg7 : memref<128x128xf32, #tpu.memory_space<vmem>>) target(%dma_start3A_45 : memref<10112x128xf32, #tpu.memory_space<vmem_shared>>) offsets(%dma_start3A_42 : memref<128xi32, #tpu.memory_space<vmem>>) semaphore(%run_scoped3A : memref<!tpu.dma_semaphore, #tpu.memory_space<semaphore_mem>>) {add = true}
        %dma_wait3A = arith.constant 0 : i32
        %dma_wait3A_46 = tpu.memref_slice %arg6[%scan3A_37, %dma_wait3A] : memref<80x128xi32, #tpu.memory_space<vmem>> -> memref<1x128xi32, #tpu.memory_space<vmem>>
        %dma_wait3A_47 = tpu.memref_squeeze %dma_wait3A_46 : memref<1x128xi32, #tpu.memory_space<vmem>> -> memref<128xi32, #tpu.memory_space<vmem>>
        %dma_wait3A_48 = arith.constant 0 : i32
        %dma_wait3A_49 = arith.constant 0 : i32
        %dma_wait3A_50 = tpu.memref_slice %arg5[%dma_wait3A_48, %dma_wait3A_49] : memref<10112x128xf32, #tpu.memory_space<vmem_shared>> -> memref<10112x128xf32, #tpu.memory_space<vmem_shared>>
        tpu.wait_indirect_dma semaphore(%run_scoped3A : memref<!tpu.dma_semaphore, #tpu.memory_space<semaphore_mem>>) src(%arg7 : memref<128x128xf32, #tpu.memory_space<vmem>>) dst(%dma_wait3A_50 : memref<10112x128xf32, #tpu.memory_space<vmem_shared>>)
        tpu.yield
      }) : () -> ()
    }
    %scan3A_33 = arith.constant 79 : i32
    %barrier3A_34 = arith.constant 0 : index
    tpu.barrier barrier_id(%barrier3A_34)
    %lt3A = arith.constant 10 : i32
    %lt3A_35 = arith.cmpi slt, %arg1, %lt3A : i32
    %convert_element_type3A = arith.extui %lt3A_35 : i1 to i32
    %cond3A = arith.constant 0 : i32
    %cond3A_36 = arith.cmpi ne, %convert_element_type3A, %cond3A : i32
    scf.if %cond3A_36 {
      %mul3A_37 = arith.constant 1000 : i32
      %mul3A_38 = arith.muli %arg1, %mul3A_37 : i32
      %mul3A_39 = arith.constant 1000 : i32
      %mul3A_40 = arith.muli %arg1, %mul3A_39 : i32
      "tpu.region"() ({
        %run_scoped3A = tpu.sem_alloc : memref<!tpu.dma_semaphore, #tpu.memory_space<semaphore_mem>>
        %dma_start3A = arith.constant 0 : i32
        %dma_start3A_41 = tpu.memref_slice %arg4[%arg0, %mul3A_40, %dma_start3A] : memref<2x10000x128xf32, #tpu.memory_space<hbm>> -> memref<1x1000x128xf32, #tpu.memory_space<hbm>>
        %dma_start3A_42 = tpu.memref_squeeze %dma_start3A_41 : memref<1x1000x128xf32, #tpu.memory_space<hbm>> -> memref<1000x128xf32, #tpu.memory_space<hbm>>
        %dma_start3A_43 = arith.constant 0 : i32
        %dma_start3A_44 = tpu.memref_slice %arg5[%mul3A_38, %dma_start3A_43] : memref<10112x128xf32, #tpu.memory_space<vmem_shared>> -> memref<1000x128xf32, #tpu.memory_space<vmem_shared>>
        tpu.enqueue_dma source(%dma_start3A_44 : memref<1000x128xf32, #tpu.memory_space<vmem_shared>>) target(%dma_start3A_42 : memref<1000x128xf32, #tpu.memory_space<hbm>>) target_semaphore(%run_scoped3A : memref<!tpu.dma_semaphore, #tpu.memory_space<semaphore_mem>>)
        %dma_wait3A = arith.constant 0 : i32
        %dma_wait3A_45 = tpu.memref_slice %arg4[%arg0, %mul3A_40, %dma_wait3A] : memref<2x10000x128xf32, #tpu.memory_space<hbm>> -> memref<1x1000x128xf32, #tpu.memory_space<hbm>>
        %dma_wait3A_46 = tpu.memref_squeeze %dma_wait3A_45 : memref<1x1000x128xf32, #tpu.memory_space<hbm>> -> memref<1000x128xf32, #tpu.memory_space<hbm>>
        %dma_wait3A_47 = arith.constant 0 : i32
        %dma_wait3A_48 = tpu.memref_slice %arg5[%mul3A_38, %dma_wait3A_47] : memref<10112x128xf32, #tpu.memory_space<vmem_shared>> -> memref<1000x128xf32, #tpu.memory_space<vmem_shared>>
        tpu.wait_dma2 semaphore(%run_scoped3A : memref<!tpu.dma_semaphore, #tpu.memory_space<semaphore_mem>>) src(%dma_wait3A_48 : memref<1000x128xf32, #tpu.memory_space<vmem_shared>>) dst(%dma_wait3A_46 : memref<1000x128xf32, #tpu.memory_space<hbm>>)
        tpu.yield
      }) : () -> ()
    } else {
    }
    return
  }
}

module attributes {stable_mosaic.version = 14 : i64} {
  func.func @_t0_body(%arg0: i32, %arg1: memref<2000x128xf32, #tpu.memory_space<vmem>>, %arg2: memref<128x64xf32, #tpu.memory_space<vmem>>, %arg3: memref<1x64xf32, #tpu.memory_space<vmem>>, %arg4: memref<64x128xf32, #tpu.memory_space<vmem>>, %arg5: memref<64x128xf32, #tpu.memory_space<vmem>>, %arg6: memref<2000x64xf32, #tpu.memory_space<vmem>>, %arg7: memref<2000x128xf32, #tpu.memory_space<vmem>>, %arg8: memref<2000x128xf32, #tpu.memory_space<vmem>>) attributes {dimension_semantics = [#tpu.dimension_semantics<arbitrary>], iteration_bounds = array<i64: 5>, scalar_prefetch = 0 : i64, scratch_operands = 0 : i64, tpu.core_type = #tpu.core_type<tc>, window_params = [{transform_indices = @transform_0, window_bounds = array<i64: 2000, 128>}, {pipeline_mode = #tpu.pipeline_mode<synchronous>, transform_indices = @transform_1, window_bounds = array<i64: 128, 64>}, {pipeline_mode = #tpu.pipeline_mode<synchronous>, transform_indices = @transform_2, window_bounds = array<i64: 1, 64>}, {pipeline_mode = #tpu.pipeline_mode<synchronous>, transform_indices = @transform_3, window_bounds = array<i64: 64, 128>}, {pipeline_mode = #tpu.pipeline_mode<synchronous>, transform_indices = @transform_4, window_bounds = array<i64: 64, 128>}, {transform_indices = @transform_5, window_bounds = array<i64: 2000, 64>}, {transform_indices = @transform_6, window_bounds = array<i64: 2000, 128>}, {transform_indices = @transform_7, window_bounds = array<i64: 2000, 128>}]} {
    %get3A = arith.constant 0 : index
    %get3A_0 = arith.constant 0 : index
    %get3A_1 = vector.load %arg1[%get3A, %get3A_0] : memref<2000x128xf32, #tpu.memory_space<vmem>>, vector<2000x128xf32>
    %get3A_2 = arith.constant 0 : index
    %get3A_3 = arith.constant 0 : index
    %get3A_4 = vector.load %arg2[%get3A_2, %get3A_3] : memref<128x64xf32, #tpu.memory_space<vmem>>, vector<128x64xf32>
    %dot_general3A = arith.constant dense<0.000000e+00> : vector<2000x64xf32>
    %dot_general3A_5 = tpu.matmul %get3A_1, %get3A_4, %dot_general3A {dimension_numbers = #tpu.dot_dimension_numbers<[1], [0], [0], [1], [0, 0, 1, 1], [], []>, precision = #tpu.contract_precision<fp32>, transpose_lhs_hint = false} : vector<2000x128xf32>, vector<128x64xf32>, vector<2000x64xf32> -> vector<2000x64xf32>
    %get3A_6 = arith.constant 0 : index
    %get3A_7 = arith.constant 0 : index
    %get3A_8 = vector.load %arg3[%get3A_6, %get3A_7] : memref<1x64xf32, #tpu.memory_space<vmem>>, vector<1x64xf32>
    %add3A = vector.broadcast %get3A_8 : vector<1x64xf32> to vector<2000x64xf32>
    %add3A_9 = arith.addf %dot_general3A_5, %add3A : vector<2000x64xf32>
    %logistic3A = arith.negf %add3A_9 : vector<2000x64xf32>
    %logistic3A_10 = math.exp %logistic3A : vector<2000x64xf32>
    %logistic3A_11 = arith.constant 1.000000e+00 : f32
    %logistic3A_12 = vector.broadcast %logistic3A_11 : f32 to vector<2000x64xf32>
    %logistic3A_13 = arith.addf %logistic3A_12, %logistic3A_10 : vector<2000x64xf32>
    %logistic3A_14 = arith.divf %logistic3A_12, %logistic3A_13 : vector<2000x64xf32>
    %mul3A = arith.mulf %add3A_9, %logistic3A_14 : vector<2000x64xf32>
    %swap3A = arith.constant 0 : index
    %swap3A_15 = arith.constant 0 : index
    %swap3A_16 = vector.load %arg6[%swap3A, %swap3A_15] : memref<2000x64xf32, #tpu.memory_space<vmem>>, vector<2000x64xf32>
    tpu.vector_store %arg6[%swap3A, %swap3A_15], %mul3A {strides = array<i32>} : memref<2000x64xf32, #tpu.memory_space<vmem>>, vector<2000x64xf32>,
    %get3A_17 = arith.constant 0 : index
    %get3A_18 = arith.constant 0 : index
    %get3A_19 = vector.load %arg4[%get3A_17, %get3A_18] : memref<64x128xf32, #tpu.memory_space<vmem>>, vector<64x128xf32>
    %dot_general3A_20 = arith.constant dense<0.000000e+00> : vector<2000x128xf32>
    %dot_general3A_21 = tpu.matmul %mul3A, %get3A_19, %dot_general3A_20 {dimension_numbers = #tpu.dot_dimension_numbers<[1], [0], [0], [1], [0, 0, 1, 1], [], []>, precision = #tpu.contract_precision<fp32>, transpose_lhs_hint = false} : vector<2000x64xf32>, vector<64x128xf32>, vector<2000x128xf32> -> vector<2000x128xf32>
    %swap3A_22 = arith.constant 0 : index
    %swap3A_23 = arith.constant 0 : index
    %swap3A_24 = vector.load %arg7[%swap3A_22, %swap3A_23] : memref<2000x128xf32, #tpu.memory_space<vmem>>, vector<2000x128xf32>
    tpu.vector_store %arg7[%swap3A_22, %swap3A_23], %dot_general3A_21 {strides = array<i32>} : memref<2000x128xf32, #tpu.memory_space<vmem>>, vector<2000x128xf32>,
    %get3A_25 = arith.constant 0 : index
    %get3A_26 = arith.constant 0 : index
    %get3A_27 = vector.load %arg5[%get3A_25, %get3A_26] : memref<64x128xf32, #tpu.memory_space<vmem>>, vector<64x128xf32>
    %dot_general3A_28 = arith.constant dense<0.000000e+00> : vector<2000x128xf32>
    %dot_general3A_29 = tpu.matmul %mul3A, %get3A_27, %dot_general3A_28 {dimension_numbers = #tpu.dot_dimension_numbers<[1], [0], [0], [1], [0, 0, 1, 1], [], []>, precision = #tpu.contract_precision<fp32>, transpose_lhs_hint = false} : vector<2000x64xf32>, vector<64x128xf32>, vector<2000x128xf32> -> vector<2000x128xf32>
    %swap3A_30 = arith.constant 0 : index
    %swap3A_31 = arith.constant 0 : index
    %swap3A_32 = vector.load %arg8[%swap3A_30, %swap3A_31] : memref<2000x128xf32, #tpu.memory_space<vmem>>, vector<2000x128xf32>
    tpu.vector_store %arg8[%swap3A_30, %swap3A_31], %dot_general3A_29 {strides = array<i32>} : memref<2000x128xf32, #tpu.memory_space<vmem>>, vector<2000x128xf32>,
    return
  }
  func.func @transform_0(%arg0: i32) -> (i32, i32) {
    %c0_i32 = arith.constant 0 : i32
    %c0_i32_0 = arith.constant 0 : i32
    return %arg0, %c0_i32 : i32, i32
  }
  func.func @transform_1(%arg0: i32) -> (i32, i32) {
    %c0_i32 = arith.constant 0 : i32
    %c0_i32_0 = arith.constant 0 : i32
    %c0_i32_1 = arith.constant 0 : i32
    return %c0_i32, %c0_i32_0 : i32, i32
  }
  func.func @transform_2(%arg0: i32) -> (i32, i32) {
    %c0_i32 = arith.constant 0 : i32
    %c0_i32_0 = arith.constant 0 : i32
    %c0_i32_1 = arith.constant 0 : i32
    return %c0_i32, %c0_i32_0 : i32, i32
  }
  func.func @transform_3(%arg0: i32) -> (i32, i32) {
    %c0_i32 = arith.constant 0 : i32
    %c0_i32_0 = arith.constant 0 : i32
    %c0_i32_1 = arith.constant 0 : i32
    return %c0_i32, %c0_i32_0 : i32, i32
  }
  func.func @transform_4(%arg0: i32) -> (i32, i32) {
    %c0_i32 = arith.constant 0 : i32
    %c0_i32_0 = arith.constant 0 : i32
    %c0_i32_1 = arith.constant 0 : i32
    return %c0_i32, %c0_i32_0 : i32, i32
  }
  func.func @transform_5(%arg0: i32) -> (i32, i32) {
    %c0_i32 = arith.constant 0 : i32
    %c0_i32_0 = arith.constant 0 : i32
    return %arg0, %c0_i32 : i32, i32
  }
  func.func @transform_6(%arg0: i32) -> (i32, i32) {
    %c0_i32 = arith.constant 0 : i32
    %c0_i32_0 = arith.constant 0 : i32
    return %arg0, %c0_i32 : i32, i32
  }
  func.func @transform_7(%arg0: i32) -> (i32, i32) {
    %c0_i32 = arith.constant 0 : i32
    %c0_i32_0 = arith.constant 0 : i32
    return %arg0, %c0_i32 : i32, i32
  }
}

module attributes {stable_mosaic.version = 14 : i64} {
  func.func @_t1_body(%arg0: i32, %arg1: memref<4096x128xf32, #tpu.memory_space<vmem>>, %arg2: memref<4096x16xf32, #tpu.memory_space<vmem>>, %arg3: memref<16x128xf32, #tpu.memory_space<vmem>>, %arg4: memref<1x128xf32, #tpu.memory_space<vmem>>, %arg5: memref<4096x128xf32, #tpu.memory_space<vmem>>) attributes {dimension_semantics = [#tpu.dimension_semantics<arbitrary>], iteration_bounds = array<i64: 79>, scalar_prefetch = 0 : i64, scratch_operands = 0 : i64, tpu.core_type = #tpu.core_type<tc>, window_params = [{transform_indices = @transform_0, window_bounds = array<i64: 4096, 128>}, {transform_indices = @transform_1, window_bounds = array<i64: 4096, 16>}, {pipeline_mode = #tpu.pipeline_mode<synchronous>, transform_indices = @transform_2, window_bounds = array<i64: 16, 128>}, {pipeline_mode = #tpu.pipeline_mode<synchronous>, transform_indices = @transform_3, window_bounds = array<i64: 1, 128>}, {transform_indices = @transform_4, window_bounds = array<i64: 4096, 128>}]} {
    %get3A = arith.constant 0 : index
    %get3A_0 = arith.constant 0 : index
    %get3A_1 = vector.load %arg1[%get3A, %get3A_0] : memref<4096x128xf32, #tpu.memory_space<vmem>>, vector<4096x128xf32>
    %get3A_2 = arith.constant 0 : index
    %get3A_3 = arith.constant 0 : index
    %get3A_4 = vector.load %arg2[%get3A_2, %get3A_3] : memref<4096x16xf32, #tpu.memory_space<vmem>>, vector<4096x16xf32>
    %get3A_5 = arith.constant 0 : index
    %get3A_6 = arith.constant 0 : index
    %get3A_7 = vector.load %arg3[%get3A_5, %get3A_6] : memref<16x128xf32, #tpu.memory_space<vmem>>, vector<16x128xf32>
    %dot_general3A = arith.constant dense<0.000000e+00> : vector<4096x128xf32>
    %dot_general3A_8 = tpu.matmul %get3A_4, %get3A_7, %dot_general3A {dimension_numbers = #tpu.dot_dimension_numbers<[1], [0], [0], [1], [0, 0, 1, 1], [], []>, transpose_lhs_hint = false} : vector<4096x16xf32>, vector<16x128xf32>, vector<4096x128xf32> -> vector<4096x128xf32>
    %add3A = arith.addf %get3A_1, %dot_general3A_8 : vector<4096x128xf32>
    %get3A_9 = arith.constant 0 : index
    %get3A_10 = arith.constant 0 : index
    %get3A_11 = vector.load %arg4[%get3A_9, %get3A_10] : memref<1x128xf32, #tpu.memory_space<vmem>>, vector<1x128xf32>
    %add3A_12 = vector.broadcast %get3A_11 : vector<1x128xf32> to vector<4096x128xf32>
    %add3A_13 = arith.addf %add3A, %add3A_12 : vector<4096x128xf32>
    %slice3A = vector.extract_strided_slice %add3A_13 {offsets = [0, 0], sizes = [4096, 64], strides = [1, 1]} : vector<4096x128xf32> to vector<4096x64xf32>
    %logistic3A = arith.negf %slice3A : vector<4096x64xf32>
    %logistic3A_14 = math.exp %logistic3A : vector<4096x64xf32>
    %logistic3A_15 = arith.constant 1.000000e+00 : f32
    %logistic3A_16 = vector.broadcast %logistic3A_15 : f32 to vector<4096x64xf32>
    %logistic3A_17 = arith.addf %logistic3A_16, %logistic3A_14 : vector<4096x64xf32>
    %logistic3A_18 = arith.divf %logistic3A_16, %logistic3A_17 : vector<4096x64xf32>
    %slice3A_19 = vector.extract_strided_slice %add3A_13 {offsets = [0, 64], sizes = [4096, 64], strides = [1, 1]} : vector<4096x128xf32> to vector<4096x64xf32>
    %custom_jvp_call3A = arith.constant 0.000000e+00 : f32
    %max3A = vector.broadcast %custom_jvp_call3A : f32 to vector<4096x64xf32>
    %max3A_20 = arith.maximumf %slice3A_19, %max3A : vector<4096x64xf32>
    %sub3A = vector.broadcast %custom_jvp_call3A : f32 to vector<4096x64xf32>
    %sub3A_21 = arith.subf %slice3A_19, %sub3A : vector<4096x64xf32>
    %ne3A = arith.cmpf one, %sub3A_21, %sub3A_21 : vector<4096x64xf32>
    %add3A_22 = vector.broadcast %custom_jvp_call3A : f32 to vector<4096x64xf32>
    %add3A_23 = arith.addf %slice3A_19, %add3A_22 : vector<4096x64xf32>
    %abs3A = math.absf %sub3A_21 : vector<4096x64xf32>
    %neg3A = arith.constant 0.000000e+00 : f32
    %neg3A_24 = vector.broadcast %neg3A : f32 to vector<4096x64xf32>
    %neg3A_25 = arith.subf %neg3A_24, %abs3A : vector<4096x64xf32>
    %exp3A = math.exp %neg3A_25 : vector<4096x64xf32>
    %log1p3A = math.log1p %exp3A : vector<4096x64xf32>
    %add3A_26 = arith.addf %max3A_20, %log1p3A : vector<4096x64xf32>
    %select_n3A = arith.select %ne3A, %add3A_23, %add3A_26 : vector<4096x64xi1>, vector<4096x64xf32>
    %mul3A = arith.mulf %logistic3A_18, %select_n3A : vector<4096x64xf32>
    %mul3A_27 = arith.constant 4096 : i32
    %mul3A_28 = arith.muli %arg0, %mul3A_27 : i32
    %iota3A = tpu.iota {dimensions = array<i32: 0>} : vector<4096x1xi32>
    %add3A_29 = vector.broadcast %mul3A_28 : i32 to vector<4096x1xi32>
    %add3A_30 = arith.addi %add3A_29, %iota3A : vector<4096x1xi32>
    %lt3A = arith.constant 320000 : i32
    %lt3A_31 = vector.broadcast %lt3A : i32 to vector<4096x1xi32>
    %lt3A_32 = arith.cmpi slt, %add3A_30, %lt3A_31 : vector<4096x1xi32>
    %jit3A = arith.constant 0.000000e+00 : f32
    %broadcast_in_dim3A = vector.shape_cast %lt3A_32 : vector<4096x1xi1> to vector<4096x1xi1>
    %broadcast_in_dim3A_33 = vector.broadcast %broadcast_in_dim3A : vector<4096x1xi1> to vector<4096x64xi1>
    %broadcast_in_dim3A_34 = vector.broadcast %jit3A : f32 to vector<4096x64xf32>
    %select_n3A_35 = arith.select %broadcast_in_dim3A_33, %mul3A, %broadcast_in_dim3A_34 : vector<4096x64xi1>, vector<4096x64xf32>
    %broadcast_in_dim3A_36 = arith.constant 0.000000e+00 : f32
    %broadcast_in_dim3A_37 = vector.broadcast %broadcast_in_dim3A_36 : f32 to vector<4096x64xf32>
    %concatenate3A = tpu.concatenate %select_n3A_35, %broadcast_in_dim3A_37 in 1 : vector<4096x64xf32>, vector<4096x64xf32> -> vector<4096x128xf32>
    %swap3A = arith.constant 0 : index
    %swap3A_38 = arith.constant 0 : index
    %swap3A_39 = vector.load %arg5[%swap3A, %swap3A_38] : memref<4096x128xf32, #tpu.memory_space<vmem>>, vector<4096x128xf32>
    tpu.vector_store %arg5[%swap3A, %swap3A_38], %concatenate3A {strides = array<i32>} : memref<4096x128xf32, #tpu.memory_space<vmem>>, vector<4096x128xf32>,
    return
  }
  func.func @transform_0(%arg0: i32) -> (i32, i32) {
    %c0_i32 = arith.constant 0 : i32
    %c0_i32_0 = arith.constant 0 : i32
    return %arg0, %c0_i32 : i32, i32
  }
  func.func @transform_1(%arg0: i32) -> (i32, i32) {
    %c0_i32 = arith.constant 0 : i32
    %c0_i32_0 = arith.constant 0 : i32
    return %arg0, %c0_i32 : i32, i32
  }
  func.func @transform_2(%arg0: i32) -> (i32, i32) {
    %c0_i32 = arith.constant 0 : i32
    %c0_i32_0 = arith.constant 0 : i32
    %c0_i32_1 = arith.constant 0 : i32
    return %c0_i32, %c0_i32_0 : i32, i32
  }
  func.func @transform_3(%arg0: i32) -> (i32, i32) {
    %c0_i32 = arith.constant 0 : i32
    %c0_i32_0 = arith.constant 0 : i32
    %c0_i32_1 = arith.constant 0 : i32
    return %c0_i32, %c0_i32_0 : i32, i32
  }
  func.func @transform_4(%arg0: i32) -> (i32, i32) {
    %c0_i32 = arith.constant 0 : i32
    %c0_i32_0 = arith.constant 0 : i32
    return %arg0, %c0_i32 : i32, i32
  }
}

module attributes {stable_mosaic.version = 14 : i64} {
  func.func @_t2_body(%arg0: i32, %arg1: memref<2x2000x128xf32, #tpu.memory_space<vmem>>, %arg2: memref<2000x64xf32, #tpu.memory_space<vmem>>, %arg3: memref<1x64xf32, #tpu.memory_space<vmem>>, %arg4: memref<1x64xf32, #tpu.memory_space<vmem>>, %arg5: memref<64x128xf32, #tpu.memory_space<vmem>>, %arg6: memref<64x128xf32, #tpu.memory_space<vmem>>, %arg7: memref<2000x64xf32, #tpu.memory_space<vmem>>, %arg8: memref<2000x128xf32, #tpu.memory_space<vmem>>, %arg9: memref<2000x128xf32, #tpu.memory_space<vmem>>) attributes {dimension_semantics = [#tpu.dimension_semantics<arbitrary>], iteration_bounds = array<i64: 5>, scalar_prefetch = 0 : i64, scratch_operands = 0 : i64, tpu.core_type = #tpu.core_type<tc>, window_params = [{transform_indices = @transform_0, window_bounds = array<i64: 2, 2000, 128>}, {transform_indices = @transform_1, window_bounds = array<i64: 2000, 64>}, {pipeline_mode = #tpu.pipeline_mode<synchronous>, transform_indices = @transform_2, window_bounds = array<i64: 1, 64>}, {pipeline_mode = #tpu.pipeline_mode<synchronous>, transform_indices = @transform_3, window_bounds = array<i64: 1, 64>}, {pipeline_mode = #tpu.pipeline_mode<synchronous>, transform_indices = @transform_4, window_bounds = array<i64: 64, 128>}, {pipeline_mode = #tpu.pipeline_mode<synchronous>, transform_indices = @transform_5, window_bounds = array<i64: 64, 128>}, {transform_indices = @transform_6, window_bounds = array<i64: 2000, 64>}, {transform_indices = @transform_7, window_bounds = array<i64: 2000, 128>}, {transform_indices = @transform_8, window_bounds = array<i64: 2000, 128>}]} {
    %get3A = arith.constant 0 : index
    %get3A_0 = arith.constant 0 : index
    %get3A_1 = arith.constant 0 : index
    %get3A_2 = vector.load %arg1[%get3A, %get3A_0, %get3A_1] : memref<2x2000x128xf32, #tpu.memory_space<vmem>>, vector<1x2000x64xf32>
    %get3A_3 = vector.shape_cast %get3A_2 : vector<1x2000x64xf32> to vector<2000x64xf32>
    %get3A_4 = arith.constant 1 : index
    %get3A_5 = arith.constant 0 : index
    %get3A_6 = arith.constant 0 : index
    %get3A_7 = vector.load %arg1[%get3A_4, %get3A_5, %get3A_6] : memref<2x2000x128xf32, #tpu.memory_space<vmem>>, vector<1x2000x64xf32>
    %get3A_8 = vector.shape_cast %get3A_7 : vector<1x2000x64xf32> to vector<2000x64xf32>
    %add3A = arith.addf %get3A_3, %get3A_8 : vector<2000x64xf32>
    %get3A_9 = arith.constant 0 : index
    %get3A_10 = arith.constant 0 : index
    %get3A_11 = vector.load %arg3[%get3A_9, %get3A_10] : memref<1x64xf32, #tpu.memory_space<vmem>>, vector<1x64xf32>
    %mul3A = vector.broadcast %get3A_11 : vector<1x64xf32> to vector<2000x64xf32>
    %mul3A_12 = arith.mulf %add3A, %mul3A : vector<2000x64xf32>
    %get3A_13 = arith.constant 0 : index
    %get3A_14 = arith.constant 0 : index
    %get3A_15 = vector.load %arg4[%get3A_13, %get3A_14] : memref<1x64xf32, #tpu.memory_space<vmem>>, vector<1x64xf32>
    %add3A_16 = vector.broadcast %get3A_15 : vector<1x64xf32> to vector<2000x64xf32>
    %add3A_17 = arith.addf %mul3A_12, %add3A_16 : vector<2000x64xf32>
    %get3A_18 = arith.constant 0 : index
    %get3A_19 = arith.constant 0 : index
    %get3A_20 = vector.load %arg2[%get3A_18, %get3A_19] : memref<2000x64xf32, #tpu.memory_space<vmem>>, vector<2000x64xf32>
    %add3A_21 = arith.addf %add3A_17, %get3A_20 : vector<2000x64xf32>
    %custom_jvp_call3A = arith.constant 0.000000e+00 : f32
    %max3A = vector.broadcast %custom_jvp_call3A : f32 to vector<2000x64xf32>
    %max3A_22 = arith.maximumf %add3A_21, %max3A : vector<2000x64xf32>
    %sub3A = vector.broadcast %custom_jvp_call3A : f32 to vector<2000x64xf32>
    %sub3A_23 = arith.subf %add3A_21, %sub3A : vector<2000x64xf32>
    %ne3A = arith.cmpf one, %sub3A_23, %sub3A_23 : vector<2000x64xf32>
    %add3A_24 = vector.broadcast %custom_jvp_call3A : f32 to vector<2000x64xf32>
    %add3A_25 = arith.addf %add3A_21, %add3A_24 : vector<2000x64xf32>
    %abs3A = math.absf %sub3A_23 : vector<2000x64xf32>
    %neg3A = arith.constant 0.000000e+00 : f32
    %neg3A_26 = vector.broadcast %neg3A : f32 to vector<2000x64xf32>
    %neg3A_27 = arith.subf %neg3A_26, %abs3A : vector<2000x64xf32>
    %exp3A = math.exp %neg3A_27 : vector<2000x64xf32>
    %log1p3A = math.log1p %exp3A : vector<2000x64xf32>
    %add3A_28 = arith.addf %max3A_22, %log1p3A : vector<2000x64xf32>
    %select_n3A = arith.select %ne3A, %add3A_25, %add3A_28 : vector<2000x64xi1>, vector<2000x64xf32>
    %swap3A = arith.constant 0 : index
    %swap3A_29 = arith.constant 0 : index
    %swap3A_30 = vector.load %arg7[%swap3A, %swap3A_29] : memref<2000x64xf32, #tpu.memory_space<vmem>>, vector<2000x64xf32>
    tpu.vector_store %arg7[%swap3A, %swap3A_29], %select_n3A {strides = array<i32>} : memref<2000x64xf32, #tpu.memory_space<vmem>>, vector<2000x64xf32>,
    %get3A_31 = arith.constant 0 : index
    %get3A_32 = arith.constant 0 : index
    %get3A_33 = vector.load %arg5[%get3A_31, %get3A_32] : memref<64x128xf32, #tpu.memory_space<vmem>>, vector<64x128xf32>
    %dot_general3A = arith.constant dense<0.000000e+00> : vector<2000x128xf32>
    %dot_general3A_34 = tpu.matmul %select_n3A, %get3A_33, %dot_general3A {dimension_numbers = #tpu.dot_dimension_numbers<[1], [0], [0], [1], [0, 0, 1, 1], [], []>, precision = #tpu.contract_precision<fp32>, transpose_lhs_hint = false} : vector<2000x64xf32>, vector<64x128xf32>, vector<2000x128xf32> -> vector<2000x128xf32>
    %swap3A_35 = arith.constant 0 : index
    %swap3A_36 = arith.constant 0 : index
    %swap3A_37 = vector.load %arg8[%swap3A_35, %swap3A_36] : memref<2000x128xf32, #tpu.memory_space<vmem>>, vector<2000x128xf32>
    tpu.vector_store %arg8[%swap3A_35, %swap3A_36], %dot_general3A_34 {strides = array<i32>} : memref<2000x128xf32, #tpu.memory_space<vmem>>, vector<2000x128xf32>,
    %get3A_38 = arith.constant 0 : index
    %get3A_39 = arith.constant 0 : index
    %get3A_40 = vector.load %arg6[%get3A_38, %get3A_39] : memref<64x128xf32, #tpu.memory_space<vmem>>, vector<64x128xf32>
    %dot_general3A_41 = arith.constant dense<0.000000e+00> : vector<2000x128xf32>
    %dot_general3A_42 = tpu.matmul %select_n3A, %get3A_40, %dot_general3A_41 {dimension_numbers = #tpu.dot_dimension_numbers<[1], [0], [0], [1], [0, 0, 1, 1], [], []>, precision = #tpu.contract_precision<fp32>, transpose_lhs_hint = false} : vector<2000x64xf32>, vector<64x128xf32>, vector<2000x128xf32> -> vector<2000x128xf32>
    %swap3A_43 = arith.constant 0 : index
    %swap3A_44 = arith.constant 0 : index
    %swap3A_45 = vector.load %arg9[%swap3A_43, %swap3A_44] : memref<2000x128xf32, #tpu.memory_space<vmem>>, vector<2000x128xf32>
    tpu.vector_store %arg9[%swap3A_43, %swap3A_44], %dot_general3A_42 {strides = array<i32>} : memref<2000x128xf32, #tpu.memory_space<vmem>>, vector<2000x128xf32>,
    return
  }
  func.func @transform_0(%arg0: i32) -> (i32, i32, i32) {
    %c0_i32 = arith.constant 0 : i32
    %c0_i32_0 = arith.constant 0 : i32
    %c0_i32_1 = arith.constant 0 : i32
    return %c0_i32, %arg0, %c0_i32_0 : i32, i32, i32
  }
  func.func @transform_1(%arg0: i32) -> (i32, i32) {
    %c0_i32 = arith.constant 0 : i32
    %c0_i32_0 = arith.constant 0 : i32
    return %arg0, %c0_i32 : i32, i32
  }
  func.func @transform_2(%arg0: i32) -> (i32, i32) {
    %c0_i32 = arith.constant 0 : i32
    %c0_i32_0 = arith.constant 0 : i32
    %c0_i32_1 = arith.constant 0 : i32
    return %c0_i32, %c0_i32_0 : i32, i32
  }
  func.func @transform_3(%arg0: i32) -> (i32, i32) {
    %c0_i32 = arith.constant 0 : i32
    %c0_i32_0 = arith.constant 0 : i32
    %c0_i32_1 = arith.constant 0 : i32
    return %c0_i32, %c0_i32_0 : i32, i32
  }
  func.func @transform_4(%arg0: i32) -> (i32, i32) {
    %c0_i32 = arith.constant 0 : i32
    %c0_i32_0 = arith.constant 0 : i32
    %c0_i32_1 = arith.constant 0 : i32
    return %c0_i32, %c0_i32_0 : i32, i32
  }
  func.func @transform_5(%arg0: i32) -> (i32, i32) {
    %c0_i32 = arith.constant 0 : i32
    %c0_i32_0 = arith.constant 0 : i32
    %c0_i32_1 = arith.constant 0 : i32
    return %c0_i32, %c0_i32_0 : i32, i32
  }
  func.func @transform_6(%arg0: i32) -> (i32, i32) {
    %c0_i32 = arith.constant 0 : i32
    %c0_i32_0 = arith.constant 0 : i32
    return %arg0, %c0_i32 : i32, i32
  }
  func.func @transform_7(%arg0: i32) -> (i32, i32) {
    %c0_i32 = arith.constant 0 : i32
    %c0_i32_0 = arith.constant 0 : i32
    return %arg0, %c0_i32 : i32, i32
  }
  func.func @transform_8(%arg0: i32) -> (i32, i32) {
    %c0_i32 = arith.constant 0 : i32
    %c0_i32_0 = arith.constant 0 : i32
    return %arg0, %c0_i32 : i32, i32
  }
}

module attributes {stable_mosaic.version = 14 : i64} {
  func.func @_t2f_body(%arg0: i32, %arg1: memref<2x2000x128xf32, #tpu.memory_space<vmem>>, %arg2: memref<2000x64xf32, #tpu.memory_space<vmem>>, %arg3: memref<1x64xf32, #tpu.memory_space<vmem>>, %arg4: memref<1x64xf32, #tpu.memory_space<vmem>>, %arg5: memref<1x64xf32, #tpu.memory_space<vmem>>) attributes {dimension_semantics = [#tpu.dimension_semantics<arbitrary>], iteration_bounds = array<i64: 5>, scalar_prefetch = 0 : i64, scratch_operands = 0 : i64, tpu.core_type = #tpu.core_type<tc>, window_params = [{transform_indices = @transform_0, window_bounds = array<i64: 2, 2000, 128>}, {transform_indices = @transform_1, window_bounds = array<i64: 2000, 64>}, {pipeline_mode = #tpu.pipeline_mode<synchronous>, transform_indices = @transform_2, window_bounds = array<i64: 1, 64>}, {pipeline_mode = #tpu.pipeline_mode<synchronous>, transform_indices = @transform_3, window_bounds = array<i64: 1, 64>}, {pipeline_mode = #tpu.pipeline_mode<synchronous>, transform_indices = @transform_4, window_bounds = array<i64: 1, 64>}]} {
    %get3A = arith.constant 0 : index
    %get3A_0 = arith.constant 0 : index
    %get3A_1 = arith.constant 0 : index
    %get3A_2 = vector.load %arg1[%get3A, %get3A_0, %get3A_1] : memref<2x2000x128xf32, #tpu.memory_space<vmem>>, vector<1x2000x64xf32>
    %get3A_3 = vector.shape_cast %get3A_2 : vector<1x2000x64xf32> to vector<2000x64xf32>
    %get3A_4 = arith.constant 1 : index
    %get3A_5 = arith.constant 0 : index
    %get3A_6 = arith.constant 0 : index
    %get3A_7 = vector.load %arg1[%get3A_4, %get3A_5, %get3A_6] : memref<2x2000x128xf32, #tpu.memory_space<vmem>>, vector<1x2000x64xf32>
    %get3A_8 = vector.shape_cast %get3A_7 : vector<1x2000x64xf32> to vector<2000x64xf32>
    %add3A = arith.addf %get3A_3, %get3A_8 : vector<2000x64xf32>
    %get3A_9 = arith.constant 0 : index
    %get3A_10 = arith.constant 0 : index
    %get3A_11 = vector.load %arg3[%get3A_9, %get3A_10] : memref<1x64xf32, #tpu.memory_space<vmem>>, vector<1x64xf32>
    %mul3A = vector.broadcast %get3A_11 : vector<1x64xf32> to vector<2000x64xf32>
    %mul3A_12 = arith.mulf %add3A, %mul3A : vector<2000x64xf32>
    %get3A_13 = arith.constant 0 : index
    %get3A_14 = arith.constant 0 : index
    %get3A_15 = vector.load %arg4[%get3A_13, %get3A_14] : memref<1x64xf32, #tpu.memory_space<vmem>>, vector<1x64xf32>
    %add3A_16 = vector.broadcast %get3A_15 : vector<1x64xf32> to vector<2000x64xf32>
    %add3A_17 = arith.addf %mul3A_12, %add3A_16 : vector<2000x64xf32>
    %get3A_18 = arith.constant 0 : index
    %get3A_19 = arith.constant 0 : index
    %get3A_20 = vector.load %arg2[%get3A_18, %get3A_19] : memref<2000x64xf32, #tpu.memory_space<vmem>>, vector<2000x64xf32>
    %add3A_21 = arith.addf %add3A_17, %get3A_20 : vector<2000x64xf32>
    %custom_jvp_call3A = arith.constant 0.000000e+00 : f32
    %max3A = vector.broadcast %custom_jvp_call3A : f32 to vector<2000x64xf32>
    %max3A_22 = arith.maximumf %add3A_21, %max3A : vector<2000x64xf32>
    %sub3A = vector.broadcast %custom_jvp_call3A : f32 to vector<2000x64xf32>
    %sub3A_23 = arith.subf %add3A_21, %sub3A : vector<2000x64xf32>
    %ne3A = arith.cmpf one, %sub3A_23, %sub3A_23 : vector<2000x64xf32>
    %add3A_24 = vector.broadcast %custom_jvp_call3A : f32 to vector<2000x64xf32>
    %add3A_25 = arith.addf %add3A_21, %add3A_24 : vector<2000x64xf32>
    %abs3A = math.absf %sub3A_23 : vector<2000x64xf32>
    %neg3A = arith.constant 0.000000e+00 : f32
    %neg3A_26 = vector.broadcast %neg3A : f32 to vector<2000x64xf32>
    %neg3A_27 = arith.subf %neg3A_26, %abs3A : vector<2000x64xf32>
    %exp3A = math.exp %neg3A_27 : vector<2000x64xf32>
    %log1p3A = math.log1p %exp3A : vector<2000x64xf32>
    %add3A_28 = arith.addf %max3A_22, %log1p3A : vector<2000x64xf32>
    %select_n3A = arith.select %ne3A, %add3A_25, %add3A_28 : vector<2000x64xi1>, vector<2000x64xf32>
    %reduce_sum3A = arith.constant dense<0.000000e+00> : vector<64xf32>
    %reduce_sum3A_29 = vector.multi_reduction <add>, %select_n3A, %reduce_sum3A [0] : vector<2000x64xf32> to vector<64xf32>
    %broadcast_in_dim3A = vector.shape_cast %reduce_sum3A_29 : vector<64xf32> to vector<1x64xf32>
    %eq3A = arith.constant 0 : i32
    %eq3A_30 = arith.cmpi eq, %arg0, %eq3A : i32
    %convert_element_type3A = arith.extui %eq3A_30 : i1 to i32
    %cond3A = arith.constant 0 : i32
    %cond3A_31 = arith.cmpi ne, %convert_element_type3A, %cond3A : i32
    scf.if %cond3A_31 {
      %broadcast_in_dim3A_38 = arith.constant 0.000000e+00 : f32
      %broadcast_in_dim3A_39 = vector.broadcast %broadcast_in_dim3A_38 : f32 to vector<1x64xf32>
      %swap3A_40 = arith.constant 0 : index
      %swap3A_41 = arith.constant 0 : index
      %swap3A_42 = vector.load %arg5[%swap3A_40, %swap3A_41] : memref<1x64xf32, #tpu.memory_space<vmem>>, vector<1x64xf32>
      tpu.vector_store %arg5[%swap3A_40, %swap3A_41], %broadcast_in_dim3A_39 {strides = array<i32>} : memref<1x64xf32, #tpu.memory_space<vmem>>, vector<1x64xf32>,
    } else {
    }
    %get3A_32 = arith.constant 0 : index
    %get3A_33 = arith.constant 0 : index
    %get3A_34 = vector.load %arg5[%get3A_32, %get3A_33] : memref<1x64xf32, #tpu.memory_space<vmem>>, vector<1x64xf32>
    %add3A_35 = arith.addf %get3A_34, %broadcast_in_dim3A : vector<1x64xf32>
    %swap3A = arith.constant 0 : index
    %swap3A_36 = arith.constant 0 : index
    %swap3A_37 = vector.load %arg5[%swap3A, %swap3A_36] : memref<1x64xf32, #tpu.memory_space<vmem>>, vector<1x64xf32>
    tpu.vector_store %arg5[%swap3A, %swap3A_36], %add3A_35 {strides = array<i32>} : memref<1x64xf32, #tpu.memory_space<vmem>>, vector<1x64xf32>,
    return
  }
  func.func @transform_0(%arg0: i32) -> (i32, i32, i32) {
    %c0_i32 = arith.constant 0 : i32
    %c0_i32_0 = arith.constant 0 : i32
    %c0_i32_1 = arith.constant 0 : i32
    return %c0_i32, %arg0, %c0_i32_0 : i32, i32, i32
  }
  func.func @transform_1(%arg0: i32) -> (i32, i32) {
    %c0_i32 = arith.constant 0 : i32
    %c0_i32_0 = arith.constant 0 : i32
    return %arg0, %c0_i32 : i32, i32
  }
  func.func @transform_2(%arg0: i32) -> (i32, i32) {
    %c0_i32 = arith.constant 0 : i32
    %c0_i32_0 = arith.constant 0 : i32
    %c0_i32_1 = arith.constant 0 : i32
    return %c0_i32, %c0_i32_0 : i32, i32
  }
  func.func @transform_3(%arg0: i32) -> (i32, i32) {
    %c0_i32 = arith.constant 0 : i32
    %c0_i32_0 = arith.constant 0 : i32
    %c0_i32_1 = arith.constant 0 : i32
    return %c0_i32, %c0_i32_0 : i32, i32
  }
  func.func @transform_4(%arg0: i32) -> (i32, i32) {
    %c0_i32 = arith.constant 0 : i32
    %c0_i32_0 = arith.constant 0 : i32
    %c0_i32_1 = arith.constant 0 : i32
    return %c0_i32, %c0_i32_0 : i32, i32
  }
}

module attributes {stable_mosaic.version = 14 : i64} {
  func.func @_t3_body(%arg0: memref<1x64xf32, #tpu.memory_space<vmem>>, %arg1: memref<64x32xf32, #tpu.memory_space<vmem>>, %arg2: memref<1x32xf32, #tpu.memory_space<vmem>>, %arg3: memref<32x1xf32, #tpu.memory_space<vmem>>, %arg4: memref<1x1xf32, #tpu.memory_space<vmem>>, %arg5: memref<1x1xf32, #tpu.memory_space<vmem>>) attributes {dimension_semantics = [], scalar_prefetch = 0 : i64, scratch_operands = 0 : i64, tpu.core_type = #tpu.core_type<tc>} {
    %get3A = arith.constant 0 : index
    %get3A_0 = arith.constant 0 : index
    %get3A_1 = vector.load %arg0[%get3A, %get3A_0] : memref<1x64xf32, #tpu.memory_space<vmem>>, vector<1x64xf32>
    %mul3A = arith.constant 9.99999974E-5 : f32
    %mul3A_2 = vector.broadcast %mul3A : f32 to vector<1x64xf32>
    %mul3A_3 = arith.mulf %get3A_1, %mul3A_2 : vector<1x64xf32>
    %get3A_4 = arith.constant 0 : index
    %get3A_5 = arith.constant 0 : index
    %get3A_6 = vector.load %arg1[%get3A_4, %get3A_5] : memref<64x32xf32, #tpu.memory_space<vmem>>, vector<64x32xf32>
    %dot_general3A = arith.constant dense<0.000000e+00> : vector<1x32xf32>
    %dot_general3A_7 = tpu.matmul %mul3A_3, %get3A_6, %dot_general3A {dimension_numbers = #tpu.dot_dimension_numbers<[1], [0], [0], [1], [0, 0, 1, 1], [], []>, precision = #tpu.contract_precision<fp32>, transpose_lhs_hint = false} : vector<1x64xf32>, vector<64x32xf32>, vector<1x32xf32> -> vector<1x32xf32>
    %get3A_8 = arith.constant 0 : index
    %get3A_9 = arith.constant 0 : index
    %get3A_10 = vector.load %arg2[%get3A_8, %get3A_9] : memref<1x32xf32, #tpu.memory_space<vmem>>, vector<1x32xf32>
    %add3A = arith.addf %dot_general3A_7, %get3A_10 : vector<1x32xf32>
    %logistic3A = arith.negf %add3A : vector<1x32xf32>
    %logistic3A_11 = math.exp %logistic3A : vector<1x32xf32>
    %logistic3A_12 = arith.constant 1.000000e+00 : f32
    %logistic3A_13 = vector.broadcast %logistic3A_12 : f32 to vector<1x32xf32>
    %logistic3A_14 = arith.addf %logistic3A_13, %logistic3A_11 : vector<1x32xf32>
    %logistic3A_15 = arith.divf %logistic3A_13, %logistic3A_14 : vector<1x32xf32>
    %mul3A_16 = arith.mulf %add3A, %logistic3A_15 : vector<1x32xf32>
    %get3A_17 = arith.constant 0 : index
    %get3A_18 = arith.constant 0 : index
    %get3A_19 = vector.load %arg3[%get3A_17, %get3A_18] : memref<32x1xf32, #tpu.memory_space<vmem>>, vector<32x1xf32>
    %dot_general3A_20 = arith.constant dense<0.000000e+00> : vector<1x1xf32>
    %dot_general3A_21 = tpu.matmul %mul3A_16, %get3A_19, %dot_general3A_20 {dimension_numbers = #tpu.dot_dimension_numbers<[1], [0], [0], [1], [0, 0, 1, 1], [], []>, precision = #tpu.contract_precision<fp32>, transpose_lhs_hint = false} : vector<1x32xf32>, vector<32x1xf32>, vector<1x1xf32> -> vector<1x1xf32>
    %get3A_22 = arith.constant 0 : index
    %get3A_23 = arith.constant 0 : index
    %get3A_24 = vector.load %arg4[%get3A_22, %get3A_23] : memref<1x1xf32, #tpu.memory_space<vmem>>, vector<1x1xf32>
    %add3A_25 = arith.addf %dot_general3A_21, %get3A_24 : vector<1x1xf32>
    %swap3A = arith.constant 0 : index
    %swap3A_26 = arith.constant 0 : index
    %swap3A_27 = vector.load %arg5[%swap3A, %swap3A_26] : memref<1x1xf32, #tpu.memory_space<vmem>>, vector<1x1xf32>
    tpu.vector_store %arg5[%swap3A, %swap3A_26], %add3A_25 {strides = array<i32>} : memref<1x1xf32, #tpu.memory_space<vmem>>, vector<1x1xf32>,
    return
  }
}

</mosaic_0001>

<sc_bundles>
// kernel: kernel.16.cloned.1.call-start
scs
__scs_entry_jumppad:
0x0: {  	(pc) =	sbr.rel $0x88, $3  }
0x1: {  	(tag) =	ssettag $0x0;
	lr =	simm.s32 $0x1  }
0x2: {  	[smem:$0x3F8A] =	sst lr;
	_ =	strace $0xD0000000  }
0x3: {  	_ = 	snop  }
0x4: {  	_ = 	snop  }
0x5: {  	_ = 	snop  }
0x6: {  	_ = 	snop  }
0x7: {  	_ = 	snop  }
__scs_overlays_trampoline_lowered:
0x8: {  	[smem:$0x3F99] =	sst s0  }
0x9: {  	[smem:$0x3F9A] =	sst s1  }
0xa: {  	[smem:$0x3F9B] =	sst s2  }
0xb: {  	[smem:$0x3F9C] =	sst s3  }
0xc: {  	[smem:$0x3F9D] =	sst s4  }
0xd: {  	[smem:$0x3F9E] =	sst s5  }
0xe: {  	[smem:$0x3F9F] =	sst s6  }
0xf: {  	[smem:$0x3FA0] =	sst s7  }
0x10: {  	[smem:$0x3FA1] =	sst s8  }
0x11: {  	[smem:$0x3FA2] =	sst s9;
	s0 =	simm.s32 @!p0 $0x0  }
0x12: {  	s1 =	sld [smem:$0x3F88];
	s0 =	simm.s32 @p0 $0x1  }
0x13: {  	[smem:$0x3FA3] =	sst s0;
	s0 =	simm.s32 @!p1 $0x0  }
0x14: {  	s2 =	sld [smem:$0x3F87];
	s0 =	simm.s32 @p1 $0x1  }
0x15: {  	[smem:$0x3FA4] =	sst s0;
	s0 =	simm.s32 @!p2 $0x0  }
0x16: {  	s3 =	sld [smem:$0x3FDB];
	s0 =	simm.s32 @p2 $0x1  }
0x17: {  	s4 =	simm.s32 $0x1BF5;
	[smem:$0x3FA6] =	sst s0  }
0x18: {  	s0 =	sld [smem:$0x3F89];
	_ =	swait.ge [sflag:s4], $0x0  }
0x19: {  	s7 =	sld [smem:$0x3F8A]  }
0x1a: {  	s8 =	sadd.s32 $0xFFFFE003, lr  }
0x1b: {  	s9 =	sadd.s32 $0xFFFFFEF7, lr;
	s5 =	simm.s32 $0xFFFFFFFF;
	p2 =	slt.u32 s8, $0xFFFFF086  }
0x1c: {  	p1 =	slt.u32 s9, $0xF7A;
	s5 =	simm.s32 @!p2 $0x0  }
0x1d: {  	s5 =	simm.s32 @p1 $0x1;
	p0 =	seq.s32 s7, s2  }
0x1e: {  	s7 =	smul.u32 @!p0 $0xF7A, s2;
	p2 =	seq.s32 @!p0 s5, $0x0  }
0x1f: {  	s9 =	smul.u32 $0xF7A, s1;
	s8 =	simm.s32 @!p0 $0x1BF5;
	p2 =	por !p2, p0  }
0x20: {  	[sflag:s8] =	ssyncset.s32 @!p0 $0xFFFFF086;
	s6 =	sadd.s32 @!p0 s3, s7;
	s7 =	simm.s32 @!p0 $0x108  }
0x21: {  	s3 =	sadd.s32 s3, s9;
	s6 =	sadd.s32 @!p0 $0x88, s6;
	s7 =	simm.s32 @p2 $0x1082  }
0x22: {  	[simem:s7], [sflag:s8] =	dma.local @!p0 [hbm:s6], $0xF7A  }
0x23: {  	s9 =	sor.u32 $0xD0000000, s2;
	s6 =	simm.s32 $0x108;
	_ =	swait.ge @!p0 [sflag:s8], $0x0  }
0x24: {  	s3 =	sadd.s32 $0x88, s3;
	s6 =	simm.s32 @!p1 $0x1082;
	[sflag:s4] =	ssyncset.s32 $0xFFFFF086  }
0x25: {  	[simem:s6], [sflag:s4] =	dma.local [hbm:s3], $0xF7A  }
0x26: {  	[smem:$0x3F8A] =	sst s1;
	(tag) =	ssettag s2;
	_ =	strace s9  }
0x27: {  	s1 =	sld [smem:$0x3F9A]  }
0x28: {  	s2 =	sld [smem:$0x3F9B]  }
0x29: {  	s4 =	sld [smem:$0x3F9D]  }
0x2a: {  	p0 =	seq.s32 s5, $0x0;
	s5 =	sld [smem:$0x3F9E]  }
0x2b: {  	s6 =	sld [smem:$0x3F9F]  }
0x2c: {  	s7 =	sld [smem:$0x3FA0]  }
0x2d: {  	s3 =	simm.s32 $0x108;
	s8 =	sld [smem:$0x3FA1]  }
0x2e: {  	s3 =	simm.s32 @!p0 $0x1082;
	s9 =	sld [smem:$0x3FA2]  }
0x2f: {  	lr =	sadd.s32 s0, s3;
	s0 =	sld [smem:$0x3F99]  }
0x30: {  	s3 =	sld [smem:$0x3F9C]  }
0x31: {  	[smem:$0x3FA5] =	sst s10  }
0x32: {  	s10 =	sld [smem:$0x3FA3];
	_ =	sdelay $0x3  }
0x33: {  	p0 =	seq.s32 s10, $0x1;
	s10 =	sld [smem:$0x3FA5];
	_ =	sdelay $0x3  }
0x34: {  	[smem:$0x3FA5] =	sst s10  }
0x35: {  	s10 =	sld [smem:$0x3FA4];
	_ =	sdelay $0x3  }
0x36: {  	p1 =	seq.s32 s10, $0x1;
	s10 =	sld [smem:$0x3FA5];
	_ =	sdelay $0x3  }
0x37: {  	[smem:$0x3FA5] =	sst s10  }
0x38: {  	s10 =	sld [smem:$0x3FA6]  }
0x39: {  	_ = 	snop;
	(pc) =	sbr.ind lr, $3  }
0x3a: {  	_ = 	snop  }
0x3b: {  	_ = 	snop  }
0x3c: {  	p2 =	seq.s32 s10, $0x1;
	s10 =	sld [smem:$0x3FA5]  }
0x3d: {  	_ =	shalt  }
0x3e: {  	_ =	shalt  }
0x3f: {  	_ =	shalt  }
0x40: {  	_ =	shalt  }
0x41: {  	_ =	shalt  }
0x42: {  	_ =	shalt  }
0x43: {  	_ =	shalt  }
0x44: {  	_ =	shalt  }
0x45: {  	_ =	shalt  }
0x46: {  	_ =	shalt  }
0x47: {  	_ =	shalt  }
0x48: {  	_ =	shalt  }
0x49: {  	_ =	shalt  }
0x4a: {  	_ =	shalt  }
0x4b: {  	_ =	shalt  }
0x4c: {  	_ =	shalt  }
0x4d: {  	_ =	shalt  }
0x4e: {  	_ =	shalt  }
0x4f: {  	_ =	shalt  }
0x50: {  	_ =	shalt  }
0x51: {  	_ =	shalt  }
0x52: {  	_ =	shalt  }
0x53: {  	_ =	shalt  }
0x54: {  	_ =	shalt  }
0x55: {  	_ =	shalt  }
0x56: {  	_ =	shalt  }
0x57: {  	_ =	shalt  }
0x58: {  	_ =	shalt  }
0x59: {  	_ =	shalt  }
0x5a: {  	_ =	shalt  }
0x5b: {  	_ =	shalt  }
0x5c: {  	_ =	shalt  }
0x5d: {  	_ =	shalt  }
0x5e: {  	_ =	shalt  }
0x5f: {  	_ =	shalt  }
0x60: {  	_ =	shalt  }
0x61: {  	_ =	shalt  }
0x62: {  	_ =	shalt  }
0x63: {  	_ =	shalt  }
0x64: {  	_ =	shalt  }
0x65: {  	_ =	shalt  }
0x66: {  	_ =	shalt  }
0x67: {  	_ =	shalt  }
0x68: {  	_ =	shalt  }
0x69: {  	_ =	shalt  }
0x6a: {  	_ =	shalt  }
0x6b: {  	_ =	shalt  }
0x6c: {  	_ =	shalt  }
0x6d: {  	_ =	shalt  }
0x6e: {  	_ =	shalt  }
0x6f: {  	_ =	shalt  }
0x70: {  	_ =	shalt  }
0x71: {  	_ =	shalt  }
0x72: {  	_ =	shalt  }
0x73: {  	_ =	shalt  }
0x74: {  	_ =	shalt  }
0x75: {  	_ =	shalt  }
0x76: {  	_ =	shalt  }
0x77: {  	_ =	shalt  }
0x78: {  	_ =	shalt  }
0x79: {  	_ =	shalt  }
0x7a: {  	_ =	shalt  }
0x7b: {  	_ =	shalt  }
0x7c: {  	_ =	shalt  }
0x7d: {  	_ =	shalt  }
0x7e: {  	_ =	shalt  }
0x7f: {  	_ =	shalt  }
0x80: {  	_ =	shalt  }
0x81: {  	_ =	shalt  }
0x82: {  	_ =	shalt  }
0x83: {  	_ =	shalt  }
0x84: {  	_ =	shalt  }
0x85: {  	_ =	shalt  }
0x86: {  	_ =	shalt  }
0x87: {  	_ =	shalt  }
.Lfunc_end0:
.L_simem_size_0:
called_computation_lowered:
.L_overlay_start_0:
0x88: {  	s2 =	sld [smem:$0x3FD9]  }
0x89: {  	s3 =	sld [smem:$0x3FFE];
	_ =	sdelay $0x1  }
0x8a: {  	s1 =	srdreg.scid  }
0x8b: {  	s0 =	sand.u32 $0x1, s1  }
0x8c: {  	s16 =	sshll.u32 s0, $0xA;
	s2 =	sadd.s32 s3, s2  }
0x8d: {  	s2 =	sadd.s32 s2, s16  }
0x8e: {  	[smem:$0x3FB1] =	sst s2  }
0x8f: {  	_ = 	snop  }
0x90: {  	(tm) =	ssettm $0x1  }
0x91: {  	s17 =	sld [smem:$0x3FFB];
	_ =	sdelay $0x3  }
0x92: {  	_ =	strace s17  }
0x93: {  	s2 =	sld [smem:$0x3FFC];
	_ =	sdelay $0x3  }
0x94: {  	_ =	strace s2  }
0x95: {  	s2 =	sld [smem:$0x3FFD];
	_ =	sdelay $0x3  }
0x96: {  	_ =	strace s2  }
0x97: {  	_ =	strace $0x8FFFFFFF  }
0x98: {  	s18 =	sld [smem:$0x3FDB];
	_ =	sdelay $0x1  }
0x99: {  	s19 =	simm.s32 $_scs_section_size  }
0x9a: {  	s4 =	simm.s32 $_size__tile_overlayer_lowered;
	s5 =	simm.s32 $_tile_overlayer_lowered  }
0x9b: {  	s22 =	simm.s32 $0x1BFF;
	s21 =	sshll.u32 s5, $0x1;
	s2 =	sadd.s32 s19, s18  }
0x9c: {  	s6 =	simm.s32 $0x0;
	s20 =	sshll.u32 s4, $0x1;
	s4 =	sadd.s32 s21, s2  }
0x9d: {  	[timem:s6], [sflag:s22] =	dma.local [hbm:s4], s20  }
0x9e: {  	_ =	swait.ge [sflag:s22], s20  }
0x9f: {  	s3 =	ssub.s32 $0x0, s20;
	[sflag:s22] =	ssyncset.done $0x0  }
0xa0: {  	[sflag:s22] =	ssyncadd.s32 s3;
	_ =	sdelay $0x1  }
0xa1: {  	s23 =	simm.s32 $0x1B8B  }
0xa2: {  	_ =	swait.ge [sflag:s23], $0x1  }
0xa3: {  	[sflag:s23] =	ssyncset.done $0x0  }
0xa4: {  	s25 =	simm.s32 $0x1B8E;
	s24 =	sld [smem:$0x3FFE];
	[sflag:s23] =	ssyncadd.s32 $0xFFFFFFFF  }
0xa5: {  	s26 =	simm.s32 $execute0_lowered;
	[smem:$0x3FD2] =	sst s25  }
0xa6: {  	s4 =	sshll.u32 s26, $0x1;
	_ =	strace $0x80000046;
	[dreg:$0x1] =	wrdreg $0xFFFFFFFF  }
0xa7: {  	s28 =	simm.s32 $_size_execute0_lowered;
	s2 =	sadd.s32 s2, s4;
	[dreg:$0x0] =	wrdreg $0x0  }
0xa8: {  	s4 =	sshll.u32 s28, $0x1;
	[dreg:$0x2] =	wrdreg s2  }
0xa9: {  	[dreg:$0x3] =	wrdreg s4  }
0xaa: {  	[dreg:$0x4] =	wrdreg $0xC0  }
0xab: {  	_ =	task [dreg:s6], $0x5FFFF  }
0xac: {  	[dreg:$0x1] =	wrdreg $0xFFFFFFFF  }
0xad: {  	[dreg:$0x0] =	wrdreg $0x60  }
0xae: {  	[dreg:$0x2] =	wrdreg s24  }
0xaf: {  	[dreg:$0x3] =	wrdreg $0x9  }
0xb0: {  	_ =	task.clear_ibuf [dreg:s6], $0x4FFFF;
	_ =	strace $0x90000046  }
0xb1: {  	s29 =	simm.s32 $0x9;
	_ =	strace $0x80000048  }
0xb2: {  	_ =	swait.ge [sflag:s29], $0x1  }
0xb3: {  	[sflag:s29] =	ssyncadd.s32 $0xFFFFFFFF  }
0xb4: {  	_ =	strace $0x90000048  }
0xb5: {  	_ =	sfence  }
0xb6: {  	s30 =	sld [smem:$0x0];
	_ =	sdelay $0x2  }
0xb7: {  	s31 =	sshll.u32 s1, $0xD;
	s1 =	sshrl.u32 s1, $0x2  }
0xb8: {  	s3 =	sand.u32 $0x4000, s31;
	s1 =	sadd.s32 s1, s30  }
0xb9: {  	s0 =	sor.u32 s3, s0;
	s1 =	sshll.u32 s1, $0x11  }
0xba: {  	s0 =	sor.u32 s1, s0  }
0xbb: {  	s0 =	sadd.s32 $0x8F2B, s0  }
0xbc: {  	[sflag:s0] =	ssyncadd.remote.s32 $0x1  }
0xbd: {  	_ =	sfence.sel $0xFFFF  }
0xbe: {  	[dreg:$0x0] =	wrdreg $0xFFFFFFFF;
	(pc) =	sbr.abs _section_cstart, $3  }
0xbf: {  	[dreg:$0x1] =	wrdreg $0xFFFFFFFF  }
0xc0: {  	_ =	task.clear_ibuf [dreg:s6], $0x2FFFF;
	_ =	strace $0x9FFFFFFF  }
0xc1: {  	(tm) =	ssettm $0x7FFFFFFF  }
tec
execute0_lowered:
.L_overlay_start_1:
0x0: {  	(tag) =	ssettag $0x1  }
0x1: {  	s5 =	rddreg [dreg:$0x0]  }
0x2: {  	s0 =	rddreg [dreg:$0x1];
	s3 =	srdreg.scid  }
0x3: {  	s1 =	stileid.u32;
	s2 =	simm.s32 $0x0;
	s11 =	simm.s32 $0x2800  }
0x4: {  	s12 =	simm.s32 $0x80;
	s13 =	simm.s32 $0x5000;
	s14 =	simm.s32 $0x9000  }
0x5: {  	s15 =	simm.s32 $0x1;
	s16 =	simm.s32 $0x2;
	s17 =	simm.s32 $0x0  }
0x6: {  	s3 =	sand.u32 $0x1, s3;
	s4 =	sshll.u32 s1, $0x1;
	[smem:$0x7FF] =	sst s2  }
0x7: {  	s6 =	sor.u32 s3, s4;
	_ =	strace $0x80000047;
	s8 =	ssub.s32 $0x2, s3  }
0x8: {  	s3 =	sadd.s32 $0x21600, s5;
	s7 =	smul.u32 $0x500, s6;
	s9 =	sshrl.u32 s8, $0x1  }
0x9: {  	s4 =	sadd.s32 $0x48800, s5;
	s6 =	smul.u32 $0x2780, s6;
	s9 =	ssub.s32 s8, s9  }
0xa: {  	s10 =	sadd.s32 s7, s5;
	s5 =	sadd.s32 $0x96C00, s5;
	s9 =	smax.u32 s9, $0x1  }
0xb: {  	s7 =	sadd.s32 $0x16600, s10;
	s8 =	sadd.s32 $0xC600, s10;
	s10 =	simm.s32 $0x3  }
.LBB2_1:
0xc: {  	[tilespmem:s2], [sflag:$0x3] =	stream.linear.gather [hbm4b:s7+s2], $0x2800, $0x38;
	[tilespmem:$0xD000] =	vst v63  }
0xd: {  	_ =	swait.ge [sflag:s10], $0x2800  }
0xe: {  	[sflag:s10] =	ssyncset.done $0x0  }
0xf: {  	[sflag:s10] =	ssyncadd.s32 $0xFFFFD800  }
0x10: {  	[tilespmem:s11], [sflag:$0x3] =	stream.linear.gather [hbm4b:s8+s2], $0x2800, $0x38;
	[tilespmem:$0xD000] =	vst v63  }
0x11: {  	_ =	swait.ge [sflag:s10], $0x2800  }
0x12: {  	[sflag:s10] =	ssyncset.done $0x0  }
0x13: {  	s18 =	simm.s32 $0x0;
	[sflag:s10] =	ssyncadd.s32 $0xFFFFD800  }
.LBB2_2:
0x14: {  	s19 =	sshll.u32 s18, $0x7  }
0x15: {  	[tilespmem:s13], [sflag:$0x1] =	stream.indirect.gather [hbm4b:s3+s12], $0x80, s19, s12, $0xb8;
	[tilespmem:$0xD000] =	vst v63  }
0x16: {  	s20 =	sadd.s32 $0x2800, s19  }
0x17: {  	[tilespmem:s14], [sflag:$0x2] =	stream.indirect.gather [hbm4b:s4+s12], $0x80, s20, s12, $0xb8;
	[tilespmem:$0xD000] =	vst v63  }
0x18: {  	_ =	swait.ge [sflag:s15], $0x4000  }
0x19: {  	[sflag:s15] =	ssyncset.done $0x0  }
0x1a: {  	[sflag:s15] =	ssyncadd.s32 $0xFFFFC000  }
0x1b: {  	_ =	swait.ge [sflag:s16], $0x4000  }
0x1c: {  	[sflag:s16] =	ssyncset.done $0x0  }
0x1d: {  	s20 =	simm.s32 $0x0;
	[sflag:s16] =	ssyncadd.s32 $0xFFFFC000  }
0x1e: {  	v7 =	vld [tilespmem:s20+$0x9000]  }
0x1f: {  	v11 =	vld [tilespmem:s20+$0x9010]  }
0x20: {  	v5 =	vld [tilespmem:s20+$0x9020]  }
0x21: {  	v4 =	vld [tilespmem:s20+$0x9030]  }
0x22: {  	v3 =	vld [tilespmem:s20+$0x9040]  }
0x23: {  	v2 =	vld [tilespmem:s20+$0x9050]  }
0x24: {  	v1 =	vld [tilespmem:s20+$0x9060]  }
0x25: {  	v0 =	vld [tilespmem:s20+$0x9070]  }
0x26: {  	v12 =	vld [tilespmem:s20+$0x5000]  }
0x27: {  	v13 =	vld [tilespmem:s20+$0x5010]  }
0x28: {  	v10 =	vld [tilespmem:s20+$0x5020]  }
0x29: {  	v9 =	vld [tilespmem:s20+$0x5030]  }
0x2a: {  	v8 =	vld [tilespmem:s20+$0x5040]  }
0x2b: {  	v6 =	vld [tilespmem:s20+$0x5050];
	v12 =	vadd.f32 v7, v12  }
0x2c: {  	s21 =	simm.s32 $0x200;
	v11 =	vadd.f32 v11, v13;
	v7 =	vld [tilespmem:s20+$0x5060]  }
.LBB2_3:
0x2d: {  	s22 =	sshra.s32 s21, $0x2;
	p0 =	sne.s32 s21, $0xFE00;
	[tilespmem:s20+$0x5000] =	vst v12;
	v5 =	vadd.f32 v5, v10;
	v10 =	vld [tilespmem:s20+$0x5070]  }
0x2e: {  	v12 =	vld [tilespmem:s22+$0x9000];
	[tilespmem:s20+$0x5010] =	vst v11;
	v4 =	vadd.f32 v4, v9  }
0x2f: {  	v11 =	vld [tilespmem:s22+$0x9010];
	[tilespmem:s20+$0x5020] =	vst v5;
	v3 =	vadd.f32 v3, v8  }
0x30: {  	v5 =	vld [tilespmem:s22+$0x9020];
	[tilespmem:s20+$0x5030] =	vst v4;
	v2 =	vadd.f32 v2, v6  }
0x31: {  	v4 =	vld [tilespmem:s22+$0x9030];
	[tilespmem:s20+$0x5040] =	vst v3;
	v1 =	vadd.f32 v1, v7  }
0x32: {  	v3 =	vld [tilespmem:s22+$0x9040];
	[tilespmem:s20+$0x5050] =	vst v2;
	v0 =	vadd.f32 v0, v10  }
0x33: {  	v2 =	vld [tilespmem:s22+$0x9050];
	[tilespmem:s20+$0x5060] =	vst v1  }
0x34: {  	v1 =	vld [tilespmem:s22+$0x9060];
	[tilespmem:s20+$0x5070] =	vst v0;
	s20 =	smov.u32 s22  }
0x35: {  	v0 =	vld [tilespmem:s20+$0x9070]  }
0x36: {  	v6 =	vld [tilespmem:s20+$0x5000]  }
0x37: {  	v7 =	vld [tilespmem:s20+$0x5010]  }
.Ltmp0:
0x38: {  	v10 =	vld [tilespmem:s20+$0x5020];
	(pc) =	sbr.rel @p0 .LBB2_3-.Ltmp0, $4  }
0x39: {  	v9 =	vld [tilespmem:s20+$0x5030]  }
0x3a: {  	v8 =	vld [tilespmem:s20+$0x5040]  }
0x3b: {  	v12 =	vadd.f32 v12, v6;
	v6 =	vld [tilespmem:s20+$0x5050]  }
0x3c: {  	s21 =	sadd.s32 $0x200, s21;
	v11 =	vadd.f32 v11, v7;
	v7 =	vld [tilespmem:s20+$0x5060]  }
0x3d: {  	[tilespmem:s20+$0x5000] =	vst v12;
	v5 =	vadd.f32 v5, v10;
	v63 =	vld [tilespmem:s20+$0x5070]  }
0x3e: {  	[tilespmem:s20+$0x5010] =	vst v11;
	v4 =	vadd.f32 v4, v9  }
0x3f: {  	[tilespmem:s20+$0x5020] =	vst v5;
	v3 =	vadd.f32 v3, v8  }
0x40: {  	[tilespmem:s20+$0x5030] =	vst v4;
	v2 =	vadd.f32 v2, v6  }
0x41: {  	[tilespmem:s20+$0x5040] =	vst v3;
	v1 =	vadd.f32 v1, v7  }
0x42: {  	s19 =	sadd.s32 s6, s19;
	s18 =	sadd.s32 $0x1, s18;
	[tilespmem:s20+$0x5050] =	vst v2;
	v0 =	vadd.f32 v0, v63  }
0x43: {  	s19 =	sshll.u32 s19, $0x4;
	p0 =	sne.s32 s18, $0x4F;
	[tilespmem:s20+$0x5060] =	vst v1  }
.Ltmp1:
0x44: {  	s19 =	sadd.s32 s5, s19;
	[tilespmem:s20+$0x5070] =	vst v0;
	(pc) =	sbr.rel @p0 .LBB2_2-.Ltmp1, $4  }
0x45: {  	[hbm4b:s19+s2] =	stream.linear.scatter [tilespmem:s13], [sflag:$0x3], $0x4000, $0x38;
	[tilespmem:$0xD000] =	vst v63  }
0x46: {  	_ =	swait.ge [sflag:s10], $0x4000  }
0x47: {  	[sflag:s10] =	ssyncset.done $0x0  }
0x48: {  	[sflag:s10] =	ssyncadd.s32 $0xFFFFC000  }
0x49: {  	s17 =	sadd.s32 $0x1, s17  }
0x4a: {  	p0 =	sne.s32 s17, s9  }
.Ltmp2:
0x4b: {  	_ = 	snop;
	(pc) =	sbr.rel @p0 .LBB2_1-.Ltmp2, $1  }
0x4c: {  	_ =	sdelay $0x3  }
0x4d: {  	_ =	sfence.sel $0x180000  }
0x4e: {  	[bflag:$0x0] =	sbarrier.arrive $0xFFFF  }
0x4f: {  	p0 =	sne.s32 s1, $0x0;
	_ =	strace $0x90000047  }
0x50: {  	s0 =	sadd.s32 @!p0 $0x100000, s0;
	[bflag:$0x2] =	sbarrier.arrive $0xFFFF  }
0x51: {  	[sflag:s0] =	ssyncadd.tile.s32 @!p0 $0x1;
	_ =	shalt  }
.Lfunc_end2:
_tile_overlayer_lowered:
.L_overlay_start_2:
0x52: {  	(tag) =	ssettag $0x2  }
0x53: {  	s0 =	rddreg [dreg:$0x0];
	s2 =	stileid.u32  }
0x54: {  	s1 =	rddreg [dreg:$0x1];
	p0 =	sne.s32 s2, $0x0  }
0x55: {  	s3 =	rddreg [dreg:$0x2];
	[bflag:$0x3] =	sbarrier.arrive $0xFFFF;
	s2 =	simm.s32 @!p0 $0x1C03  }
0x56: {  	[timem:s3], [sflag:s2] =	dma.local @!p0 [hbm:s0], s1  }
0x57: {  	s0 =	simm.s32 @!p0 $0x3  }
0x58: {  	_ =	swait.ge @!p0 [sflag:s0], s1  }
0x59: {  	s1 =	ssub.s32 @!p0 $0x0, s1;
	[sflag:s0] =	ssyncset.done @!p0 $0x0  }
0x5a: {  	[sflag:s0] =	ssyncadd.s32 @!p0 s1  }
0x5b: {  	[bflag:$0x3] =	sbarrier.arrive $0xFFFF  }
0x5c: {  	_ =	shalt  }

// kernel: kernel.19.cloned.1.call-start
scs
__scs_entry_jumppad:
0x0: {  	(pc) =	sbr.rel $0x88, $3  }
0x1: {  	(tag) =	ssettag $0x0;
	lr =	simm.s32 $0x1  }
0x2: {  	[smem:$0x3F8A] =	sst lr;
	_ =	strace $0xD0000000  }
0x3: {  	_ = 	snop  }
0x4: {  	_ = 	snop  }
0x5: {  	_ = 	snop  }
0x6: {  	_ = 	snop  }
0x7: {  	_ = 	snop  }
__scs_overlays_trampoline_lowered:
0x8: {  	[smem:$0x3F99] =	sst s0  }
0x9: {  	[smem:$0x3F9A] =	sst s1  }
0xa: {  	[smem:$0x3F9B] =	sst s2  }
0xb: {  	[smem:$0x3F9C] =	sst s3  }
0xc: {  	[smem:$0x3F9D] =	sst s4  }
0xd: {  	[smem:$0x3F9E] =	sst s5  }
0xe: {  	[smem:$0x3F9F] =	sst s6  }
0xf: {  	[smem:$0x3FA0] =	sst s7  }
0x10: {  	[smem:$0x3FA1] =	sst s8  }
0x11: {  	[smem:$0x3FA2] =	sst s9;
	s0 =	simm.s32 @!p0 $0x0  }
0x12: {  	s1 =	sld [smem:$0x3F88];
	s0 =	simm.s32 @p0 $0x1  }
0x13: {  	[smem:$0x3FA3] =	sst s0;
	s0 =	simm.s32 @!p1 $0x0  }
0x14: {  	s2 =	sld [smem:$0x3F87];
	s0 =	simm.s32 @p1 $0x1  }
0x15: {  	[smem:$0x3FA4] =	sst s0;
	s0 =	simm.s32 @!p2 $0x0  }
0x16: {  	s3 =	sld [smem:$0x3FDB];
	s0 =	simm.s32 @p2 $0x1  }
0x17: {  	s4 =	simm.s32 $0x1BF5;
	[smem:$0x3FA6] =	sst s0  }
0x18: {  	s0 =	sld [smem:$0x3F89];
	_ =	swait.ge [sflag:s4], $0x0  }
0x19: {  	s7 =	sld [smem:$0x3F8A]  }
0x1a: {  	s8 =	sadd.s32 $0xFFFFE003, lr  }
0x1b: {  	s9 =	sadd.s32 $0xFFFFFEF7, lr;
	s5 =	simm.s32 $0xFFFFFFFF;
	p2 =	slt.u32 s8, $0xFFFFF086  }
0x1c: {  	p1 =	slt.u32 s9, $0xF7A;
	s5 =	simm.s32 @!p2 $0x0  }
0x1d: {  	s5 =	simm.s32 @p1 $0x1;
	p0 =	seq.s32 s7, s2  }
0x1e: {  	s7 =	smul.u32 @!p0 $0xF7A, s2;
	p2 =	seq.s32 @!p0 s5, $0x0  }
0x1f: {  	s9 =	smul.u32 $0xF7A, s1;
	s8 =	simm.s32 @!p0 $0x1BF5;
	p2 =	por !p2, p0  }
0x20: {  	[sflag:s8] =	ssyncset.s32 @!p0 $0xFFFFF086;
	s6 =	sadd.s32 @!p0 s3, s7;
	s7 =	simm.s32 @!p0 $0x108  }
0x21: {  	s3 =	sadd.s32 s3, s9;
	s6 =	sadd.s32 @!p0 $0x88, s6;
	s7 =	simm.s32 @p2 $0x1082  }
0x22: {  	[simem:s7], [sflag:s8] =	dma.local @!p0 [hbm:s6], $0xF7A  }
0x23: {  	s9 =	sor.u32 $0xD0000000, s2;
	s6 =	simm.s32 $0x108;
	_ =	swait.ge @!p0 [sflag:s8], $0x0  }
0x24: {  	s3 =	sadd.s32 $0x88, s3;
	s6 =	simm.s32 @!p1 $0x1082;
	[sflag:s4] =	ssyncset.s32 $0xFFFFF086  }
0x25: {  	[simem:s6], [sflag:s4] =	dma.local [hbm:s3], $0xF7A  }
0x26: {  	[smem:$0x3F8A] =	sst s1;
	(tag) =	ssettag s2;
	_ =	strace s9  }
0x27: {  	s1 =	sld [smem:$0x3F9A]  }
0x28: {  	s2 =	sld [smem:$0x3F9B]  }
0x29: {  	s4 =	sld [smem:$0x3F9D]  }
0x2a: {  	p0 =	seq.s32 s5, $0x0;
	s5 =	sld [smem:$0x3F9E]  }
0x2b: {  	s6 =	sld [smem:$0x3F9F]  }
0x2c: {  	s7 =	sld [smem:$0x3FA0]  }
0x2d: {  	s3 =	simm.s32 $0x108;
	s8 =	sld [smem:$0x3FA1]  }
0x2e: {  	s3 =	simm.s32 @!p0 $0x1082;
	s9 =	sld [smem:$0x3FA2]  }
0x2f: {  	lr =	sadd.s32 s0, s3;
	s0 =	sld [smem:$0x3F99]  }
0x30: {  	s3 =	sld [smem:$0x3F9C]  }
0x31: {  	[smem:$0x3FA5] =	sst s10  }
0x32: {  	s10 =	sld [smem:$0x3FA3];
	_ =	sdelay $0x3  }
0x33: {  	p0 =	seq.s32 s10, $0x1;
	s10 =	sld [smem:$0x3FA5];
	_ =	sdelay $0x3  }
0x34: {  	[smem:$0x3FA5] =	sst s10  }
0x35: {  	s10 =	sld [smem:$0x3FA4];
	_ =	sdelay $0x3  }
0x36: {  	p1 =	seq.s32 s10, $0x1;
	s10 =	sld [smem:$0x3FA5];
	_ =	sdelay $0x3  }
0x37: {  	[smem:$0x3FA5] =	sst s10  }
0x38: {  	s10 =	sld [smem:$0x3FA6]  }
0x39: {  	_ = 	snop;
	(pc) =	sbr.ind lr, $3  }
0x3a: {  	_ = 	snop  }
0x3b: {  	_ = 	snop  }
0x3c: {  	p2 =	seq.s32 s10, $0x1;
	s10 =	sld [smem:$0x3FA5]  }
0x3d: {  	_ =	shalt  }
0x3e: {  	_ =	shalt  }
0x3f: {  	_ =	shalt  }
0x40: {  	_ =	shalt  }
0x41: {  	_ =	shalt  }
0x42: {  	_ =	shalt  }
0x43: {  	_ =	shalt  }
0x44: {  	_ =	shalt  }
0x45: {  	_ =	shalt  }
0x46: {  	_ =	shalt  }
0x47: {  	_ =	shalt  }
0x48: {  	_ =	shalt  }
0x49: {  	_ =	shalt  }
0x4a: {  	_ =	shalt  }
0x4b: {  	_ =	shalt  }
0x4c: {  	_ =	shalt  }
0x4d: {  	_ =	shalt  }
0x4e: {  	_ =	shalt  }
0x4f: {  	_ =	shalt  }
0x50: {  	_ =	shalt  }
0x51: {  	_ =	shalt  }
0x52: {  	_ =	shalt  }
0x53: {  	_ =	shalt  }
0x54: {  	_ =	shalt  }
0x55: {  	_ =	shalt  }
0x56: {  	_ =	shalt  }
0x57: {  	_ =	shalt  }
0x58: {  	_ =	shalt  }
0x59: {  	_ =	shalt  }
0x5a: {  	_ =	shalt  }
0x5b: {  	_ =	shalt  }
0x5c: {  	_ =	shalt  }
0x5d: {  	_ =	shalt  }
0x5e: {  	_ =	shalt  }
0x5f: {  	_ =	shalt  }
0x60: {  	_ =	shalt  }
0x61: {  	_ =	shalt  }
0x62: {  	_ =	shalt  }
0x63: {  	_ =	shalt  }
0x64: {  	_ =	shalt  }
0x65: {  	_ =	shalt  }
0x66: {  	_ =	shalt  }
0x67: {  	_ =	shalt  }
0x68: {  	_ =	shalt  }
0x69: {  	_ =	shalt  }
0x6a: {  	_ =	shalt  }
0x6b: {  	_ =	shalt  }
0x6c: {  	_ =	shalt  }
0x6d: {  	_ =	shalt  }
0x6e: {  	_ =	shalt  }
0x6f: {  	_ =	shalt  }
0x70: {  	_ =	shalt  }
0x71: {  	_ =	shalt  }
0x72: {  	_ =	shalt  }
0x73: {  	_ =	shalt  }
0x74: {  	_ =	shalt  }
0x75: {  	_ =	shalt  }
0x76: {  	_ =	shalt  }
0x77: {  	_ =	shalt  }
0x78: {  	_ =	shalt  }
0x79: {  	_ =	shalt  }
0x7a: {  	_ =	shalt  }
0x7b: {  	_ =	shalt  }
0x7c: {  	_ =	shalt  }
0x7d: {  	_ =	shalt  }
0x7e: {  	_ =	shalt  }
0x7f: {  	_ =	shalt  }
0x80: {  	_ =	shalt  }
0x81: {  	_ =	shalt  }
0x82: {  	_ =	shalt  }
0x83: {  	_ =	shalt  }
0x84: {  	_ =	shalt  }
0x85: {  	_ =	shalt  }
0x86: {  	_ =	shalt  }
0x87: {  	_ =	shalt  }
.Lfunc_end0:
.L_simem_size_0:
called_computation.1_lowered:
.L_overlay_start_0:
0x88: {  	s2 =	sld [smem:$0x3FD9]  }
0x89: {  	s3 =	sld [smem:$0x3FFE];
	_ =	sdelay $0x1  }
0x8a: {  	s1 =	srdreg.scid  }
0x8b: {  	s0 =	sand.u32 $0x1, s1  }
0x8c: {  	s16 =	sshll.u32 s0, $0xA;
	s2 =	sadd.s32 s3, s2  }
0x8d: {  	s2 =	sadd.s32 s2, s16  }
0x8e: {  	[smem:$0x3FB1] =	sst s2  }
0x8f: {  	_ = 	snop  }
0x90: {  	(tm) =	ssettm $0x1  }
0x91: {  	s17 =	sld [smem:$0x3FFB];
	_ =	sdelay $0x3  }
0x92: {  	_ =	strace s17  }
0x93: {  	s2 =	sld [smem:$0x3FFC];
	_ =	sdelay $0x3  }
0x94: {  	_ =	strace s2  }
0x95: {  	s2 =	sld [smem:$0x3FFD];
	_ =	sdelay $0x3  }
0x96: {  	_ =	strace s2  }
0x97: {  	_ =	strace $0x8FFFFFFF  }
0x98: {  	s18 =	sld [smem:$0x3FDB];
	_ =	sdelay $0x1  }
0x99: {  	s19 =	simm.s32 $_scs_section_size  }
0x9a: {  	s4 =	simm.s32 $_size__tile_overlayer_lowered;
	s5 =	simm.s32 $_tile_overlayer_lowered  }
0x9b: {  	s22 =	simm.s32 $0x1BFF;
	s21 =	sshll.u32 s5, $0x1;
	s2 =	sadd.s32 s19, s18  }
0x9c: {  	s6 =	simm.s32 $0x0;
	s20 =	sshll.u32 s4, $0x1;
	s4 =	sadd.s32 s21, s2  }
0x9d: {  	[timem:s6], [sflag:s22] =	dma.local [hbm:s4], s20  }
0x9e: {  	_ =	swait.ge [sflag:s22], s20  }
0x9f: {  	s3 =	ssub.s32 $0x0, s20;
	[sflag:s22] =	ssyncset.done $0x0  }
0xa0: {  	[sflag:s22] =	ssyncadd.s32 s3;
	_ =	sdelay $0x1  }
0xa1: {  	s23 =	simm.s32 $0x1B8B  }
0xa2: {  	_ =	swait.ge [sflag:s23], $0x1  }
0xa3: {  	[sflag:s23] =	ssyncset.done $0x0  }
0xa4: {  	s25 =	simm.s32 $0x1B8E;
	s24 =	sld [smem:$0x3FFE];
	[sflag:s23] =	ssyncadd.s32 $0xFFFFFFFF  }
0xa5: {  	s26 =	simm.s32 $execute0_lowered;
	[smem:$0x3FD2] =	sst s25  }
0xa6: {  	s4 =	sshll.u32 s26, $0x1;
	_ =	strace $0x80000049;
	[dreg:$0x1] =	wrdreg $0xFFFFFFFF  }
0xa7: {  	s28 =	simm.s32 $_size_execute0_lowered;
	s2 =	sadd.s32 s2, s4;
	[dreg:$0x0] =	wrdreg $0x0  }
0xa8: {  	s4 =	sshll.u32 s28, $0x1;
	[dreg:$0x2] =	wrdreg s2  }
0xa9: {  	[dreg:$0x3] =	wrdreg s4  }
0xaa: {  	[dreg:$0x4] =	wrdreg $0xC0  }
0xab: {  	_ =	task [dreg:s6], $0x5FFFF  }
0xac: {  	[dreg:$0x1] =	wrdreg $0xFFFFFFFF  }
0xad: {  	[dreg:$0x0] =	wrdreg $0x60  }
0xae: {  	[dreg:$0x2] =	wrdreg s24  }
0xaf: {  	[dreg:$0x3] =	wrdreg $0x0  }
0xb0: {  	[dreg:$0x4] =	wrdreg $0x9  }
0xb1: {  	_ =	task.clear_ibuf [dreg:s6], $0x5FFFF;
	_ =	strace $0x90000049  }
0xb2: {  	s29 =	simm.s32 $0x9;
	_ =	strace $0x8000004B  }
0xb3: {  	_ =	swait.ge [sflag:s29], $0x1  }
0xb4: {  	[sflag:s29] =	ssyncadd.s32 $0xFFFFFFFF  }
0xb5: {  	_ =	strace $0x9000004B  }
0xb6: {  	_ =	sfence  }
0xb7: {  	s30 =	sld [smem:$0x0];
	_ =	sdelay $0x2  }
0xb8: {  	s31 =	sshll.u32 s1, $0xD;
	s1 =	sshrl.u32 s1, $0x2  }
0xb9: {  	s3 =	sand.u32 $0x4000, s31;
	s1 =	sadd.s32 s1, s30  }
0xba: {  	s0 =	sor.u32 s3, s0;
	s1 =	sshll.u32 s1, $0x11  }
0xbb: {  	s0 =	sor.u32 s1, s0  }
0xbc: {  	s0 =	sadd.s32 $0x8F2B, s0  }
0xbd: {  	[sflag:s0] =	ssyncadd.remote.s32 $0x1  }
0xbe: {  	_ =	sfence.sel $0xFFFF  }
0xbf: {  	[dreg:$0x0] =	wrdreg $0xFFFFFFFF;
	(pc) =	sbr.abs _section_cstart, $3  }
0xc0: {  	[dreg:$0x1] =	wrdreg $0xFFFFFFFF  }
0xc1: {  	_ =	task.clear_ibuf [dreg:s6], $0x2FFFF;
	_ =	strace $0x9FFFFFFF  }
0xc2: {  	(tm) =	ssettm $0x7FFFFFFF  }
0xc3: {  	_ =	shalt  }
tec
execute0_lowered:
.L_overlay_start_1:
0x0: {  	(tag) =	ssettag $0x1  }
0x1: {  	s4 =	rddreg [dreg:$0x0]  }
0x2: {  	s0 =	srdreg.scid;
	s2 =	stileid.u32  }
0x3: {  	s1 =	rddreg [dreg:$0x1];
	s3 =	simm.s32 $0x0;
	s9 =	smul.u32 $0x1F400, s2  }
0x4: {  	s15 =	simm.s32 $0x13C00;
	s16 =	simm.s32 $0x80;
	s28 =	smul.u32 $0x4F000, s2  }
0x5: {  	s5 =	sand.u32 $0x1, s0;
	s0 =	rddreg [dreg:$0x2];
	s13 =	smul.u32 $0x7D000, s2  }
0x6: {  	s19 =	simm.s32 $0x0;
	[smem:$0x7FF] =	sst s3;
	s14 =	smul.u32 $0x27800, s2  }
0x7: {  	p0 =	sgt.u32 s2, $0x9;
	s6 =	smul.u32 $0x278000, s5;
	s7 =	sshll.u32 s5, $0x4  }
0x8: {  	s8 =	smul.u32 $0x138800, s5;
	_ =	strace $0x8000004A;
	s5 =	ssub.s32 $0x2, s5  }
0x9: {  	s17 =	sshll.u32 @!p0 s2, $0x6;
	s7 =	sor.u32 s2, s7;
	s30 =	sshrl.u32 s5, $0x1  }
0xa: {  	s31 =	sshrl.u32 s28, $0x2;
	s13 =	sshrl.u32 s13, $0x2;
	s17 =	sor.u32 @!p0 $0x1C01, s17  }
0xb: {  	s7 =	smul.u32 $0x500, s7;
	s11 =	sadd.s32 s6, s4;
	s26 =	sadd.s32 s9, s8  }
0xc: {  	s12 =	ssub.s32 s5, s30;
	s18 =	sadd.s32 s13, s1;
	s13 =	simm.s32 $0x16400  }
0xd: {  	s6 =	sshrl.u32 s26, $0x3;
	s14 =	sadd.s32 s14, s11;
	s11 =	smax.u32 s12, $0x1  }
0xe: {  	s18 =	sshrl.u32 @!p0 s18, $0x3;
	s29 =	sadd.s32 s7, s4;
	s10 =	sadd.s32 s6, s4  }
0xf: {  	s4 =	sadd.s32 s31, s1;
	s12 =	sadd.s32 $0xF58C00, s14;
	s14 =	simm.s32 $0x1  }
0x10: {  	s5 =	sadd.s32 $0x4000, s4;
	s6 =	sadd.s32 $0x8000, s4;
	s7 =	sadd.s32 $0xC000, s4  }
0x11: {  	v0 =	vimm.f32 $0.0e+00;
	s8 =	sadd.s32 $0x10000, s4;
	s9 =	sadd.s32 $0xC600, s29;
	s10 =	sadd.s32 $0x21600, s10  }
.LBB2_1:
0x12: {  	s20 =	simm.s32 $0x0;
	s21 =	simm.s32 $0x200  }
.LBB2_2:
0x13: {  	p1 =	sne.s32 s21, $0xFE00;
	[tilespmem:s20+$0x16470] =	vst v0  }
0x14: {  	[tilespmem:s20+$0x16400] =	vst v0  }
0x15: {  	[tilespmem:s20+$0x16410] =	vst v0  }
.Ltmp0:
0x16: {  	[tilespmem:s20+$0x16420] =	vst v0;
	(pc) =	sbr.rel @p1 .LBB2_2-.Ltmp0, $4  }
0x17: {  	[tilespmem:s20+$0x16430] =	vst v0  }
0x18: {  	[tilespmem:s20+$0x16440] =	vst v0  }
0x19: {  	[tilespmem:s20+$0x16450] =	vst v0  }
0x1a: {  	[tilespmem:s20+$0x16460] =	vst v0;
	s20 =	sshra.s32 s21, $0x2;
	s21 =	sadd.s32 $0x200, s21  }
0x1b: {  	[tilespmem:s20+$0x16470] =	vst v0  }
0x1c: {  	[tilespmem:s20+$0x16400] =	vst v0  }
0x1d: {  	[tilespmem:s20+$0x16410] =	vst v0  }
0x1e: {  	[tilespmem:s20+$0x16420] =	vst v0  }
0x1f: {  	[tilespmem:s20+$0x16430] =	vst v0  }
0x20: {  	[tilespmem:s20+$0x16440] =	vst v0  }
0x21: {  	[tilespmem:s20+$0x16450] =	vst v0  }
0x22: {  	[tilespmem:s20+$0x16460] =	vst v0  }
0x23: {  	[spmem:s4] =	stream.linear.scatter [tilespmem:s13], [sflag:$0x1], $0x4000, $0x38;
	[tilespmem:$0x1A400] =	vst v63  }
0x24: {  	_ =	swait.ge [sflag:s14], $0x4000  }
0x25: {  	[sflag:s14] =	ssyncset.done $0x0  }
0x26: {  	[sflag:s14] =	ssyncadd.s32 $0xFFFFC000  }
0x27: {  	[spmem:s5] =	stream.linear.scatter [tilespmem:s13], [sflag:$0x1], $0x4000, $0x38;
	[tilespmem:$0x1A400] =	vst v63  }
0x28: {  	_ =	swait.ge [sflag:s14], $0x4000  }
0x29: {  	[sflag:s14] =	ssyncset.done $0x0  }
0x2a: {  	[sflag:s14] =	ssyncadd.s32 $0xFFFFC000  }
0x2b: {  	[spmem:s6] =	stream.linear.scatter [tilespmem:s13], [sflag:$0x1], $0x4000, $0x38;
	[tilespmem:$0x1A400] =	vst v63  }
0x2c: {  	_ =	swait.ge [sflag:s14], $0x4000  }
0x2d: {  	[sflag:s14] =	ssyncset.done $0x0  }
0x2e: {  	[sflag:s14] =	ssyncadd.s32 $0xFFFFC000  }
0x2f: {  	[spmem:s7] =	stream.linear.scatter [tilespmem:s13], [sflag:$0x1], $0x4000, $0x38;
	[tilespmem:$0x1A400] =	vst v63  }
0x30: {  	_ =	swait.ge [sflag:s14], $0x4000  }
0x31: {  	[sflag:s14] =	ssyncset.done $0x0  }
0x32: {  	[sflag:s14] =	ssyncadd.s32 $0xFFFFC000  }
0x33: {  	[spmem:s8] =	stream.linear.scatter [tilespmem:s13], [sflag:$0x1], $0x3C00, $0x38;
	[tilespmem:$0x1A400] =	vst v63  }
0x34: {  	_ =	swait.ge [sflag:s14], $0x3C00  }
0x35: {  	[sflag:s14] =	ssyncset.done $0x0  }
0x36: {  	[sflag:s14] =	ssyncadd.s32 $0xFFFFC400  }
0x37: {  	s30 =	simm.s32 $0x0;
	[bflag:$0x0] =	sbarrier.arrive $0xFFFF  }
0x38: {  	[tilespmem:s15], [sflag:$0x1] =	stream.linear.gather [hbm4b:s9+s30], $0x2800, $0x38;
	[tilespmem:$0x1A400] =	vst v63  }
0x39: {  	_ =	swait.ge [sflag:s14], $0x2800  }
0x3a: {  	[sflag:s14] =	ssyncset.done $0x0  }
0x3b: {  	[sflag:s14] =	ssyncadd.s32 $0xFFFFD800  }
0x3c: {  	[tilespmem:s13], [sflag:$0x1] =	stream.linear.gather [hbm4b:s12+s3], $0x4000, $0x38;
	[tilespmem:$0x1A400] =	vst v63  }
0x3d: {  	_ =	swait.ge [sflag:s14], $0x4000  }
0x3e: {  	[sflag:s14] =	ssyncset.done $0x0  }
0x3f: {  	s31 =	simm.s32 $0x13C00;
	[sflag:s14] =	ssyncadd.s32 $0xFFFFC000  }
0x40: {  	[spmem:s1] =	stream.indirect.scatter.add.f32 [tilespmem:s13], [sflag:$0x1], $0x80, s31, s16, $0xb8;
	[tilespmem:$0x1A400] =	vst v63  }
0x41: {  	_ =	swait.ge [sflag:s14], $0x4000  }
0x42: {  	s20 =	simm.s32 $0x200;
	s21 =	smov.u32 s12;
	[sflag:s14] =	ssyncset.done $0x0  }
.LBB2_4:
0x43: {  	p1 =	sne.s32 s20, $0x9C00;
	[sflag:s14] =	ssyncadd.s32 $0xFFFFC000;
	s21 =	sadd.s32 $0x800, s21  }
0x44: {  	[tilespmem:s13], [sflag:$0x1] =	stream.linear.gather [hbm4b:s21+s3], $0x4000, $0x38;
	[tilespmem:$0x1A400] =	vst v63  }
0x45: {  	s22 =	smov.u32 s20;
	s20 =	sadd.s32 $0x200, s20;
	_ =	swait.ge [sflag:s14], $0x4000  }
.Ltmp1:
0x46: {  	s22 =	sshra.s32 s22, $0x2;
	[sflag:s14] =	ssyncset.done $0x0;
	(pc) =	sbr.rel @p1 .LBB2_4-.Ltmp1, $4  }
0x47: {  	s22 =	sadd.s32 $0x13C00, s22;
	[sflag:s14] =	ssyncadd.s32 $0xFFFFC000  }
0x48: {  	[spmem:s1] =	stream.indirect.scatter.add.f32 [tilespmem:s13], [sflag:$0x1], $0x80, s22, s16, $0xb8;
	[tilespmem:$0x1A400] =	vst v63  }
0x49: {  	_ =	swait.ge [sflag:s14], $0x4000  }
0x4a: {  	[sflag:s14] =	ssyncset.done $0x0  }
0x4b: {  	s19 =	sadd.s32 $0x1, s19  }
0x4c: {  	[sflag:s14] =	ssyncadd.s32 $0xFFFFC000;
	p1 =	sne.s32 s19, s11  }
.Ltmp2:
0x4d: {  	s20 =	simm.s32 @!p0 $0x1;
	[bflag:$0x0] =	sbarrier.arrive $0xFFFF;
	(pc) =	sbr.rel @p1 .LBB2_1-.Ltmp2, $4  }
0x4e: {  	[hbm:s10], [sflag:s17] =	dma.local @!p0 [spmem:s18], $0x3E80  }
0x4f: {  	_ =	swait.ge @!p0 [sflag:s20], $0x3E80  }
0x50: {  	[sflag:s20] =	ssyncset.done @!p0 $0x0  }
0x51: {  	[sflag:s20] =	ssyncadd.s32 @!p0 $0xFFFFC180  }
0x52: {  	_ =	sfence.sel $0x180000  }
0x53: {  	[bflag:$0x0] =	sbarrier.arrive $0xFFFF  }
0x54: {  	p0 =	sne.s32 s2, $0x0;
	_ =	strace $0x9000004A  }
0x55: {  	s0 =	sadd.s32 @!p0 $0x100000, s0;
	[bflag:$0x2] =	sbarrier.arrive $0xFFFF  }
0x56: {  	[sflag:s0] =	ssyncadd.tile.s32 @!p0 $0x1;
	_ =	shalt  }
.Lfunc_end2:
_tile_overlayer_lowered:
.L_overlay_start_2:
0x57: {  	(tag) =	ssettag $0x2  }
0x58: {  	s0 =	rddreg [dreg:$0x0];
	s2 =	stileid.u32  }
0x59: {  	s1 =	rddreg [dreg:$0x1];
	p0 =	sne.s32 s2, $0x0  }
0x5a: {  	s3 =	rddreg [dreg:$0x2];
	[bflag:$0x3] =	sbarrier.arrive $0xFFFF;
	s2 =	simm.s32 @!p0 $0x1C01  }
0x5b: {  	[timem:s3], [sflag:s2] =	dma.local @!p0 [hbm:s0], s1  }
0x5c: {  	s0 =	simm.s32 @!p0 $0x1  }
0x5d: {  	_ =	swait.ge @!p0 [sflag:s0], s1  }
0x5e: {  	s1 =	ssub.s32 @!p0 $0x0, s1;
	[sflag:s0] =	ssyncset.done @!p0 $0x0  }
0x5f: {  	[sflag:s0] =	ssyncadd.s32 @!p0 s1  }
0x60: {  	[bflag:$0x3] =	sbarrier.arrive $0xFFFF  }
0x61: {  	_ =	shalt  }

// kernel: kernel.22.cloned.1.call-start
scs
__scs_entry_jumppad:
0x0: {  	(pc) =	sbr.rel $0x88, $3  }
0x1: {  	(tag) =	ssettag $0x0;
	lr =	simm.s32 $0x1  }
0x2: {  	[smem:$0x3F8A] =	sst lr;
	_ =	strace $0xD0000000  }
0x3: {  	_ = 	snop  }
0x4: {  	_ = 	snop  }
0x5: {  	_ = 	snop  }
0x6: {  	_ = 	snop  }
0x7: {  	_ = 	snop  }
__scs_overlays_trampoline_lowered:
0x8: {  	[smem:$0x3F99] =	sst s0  }
0x9: {  	[smem:$0x3F9A] =	sst s1  }
0xa: {  	[smem:$0x3F9B] =	sst s2  }
0xb: {  	[smem:$0x3F9C] =	sst s3  }
0xc: {  	[smem:$0x3F9D] =	sst s4  }
0xd: {  	[smem:$0x3F9E] =	sst s5  }
0xe: {  	[smem:$0x3F9F] =	sst s6  }
0xf: {  	[smem:$0x3FA0] =	sst s7  }
0x10: {  	[smem:$0x3FA1] =	sst s8  }
0x11: {  	[smem:$0x3FA2] =	sst s9;
	s0 =	simm.s32 @!p0 $0x0  }
0x12: {  	s1 =	sld [smem:$0x3F88];
	s0 =	simm.s32 @p0 $0x1  }
0x13: {  	[smem:$0x3FA3] =	sst s0;
	s0 =	simm.s32 @!p1 $0x0  }
0x14: {  	s2 =	sld [smem:$0x3F87];
	s0 =	simm.s32 @p1 $0x1  }
0x15: {  	[smem:$0x3FA4] =	sst s0;
	s0 =	simm.s32 @!p2 $0x0  }
0x16: {  	s3 =	sld [smem:$0x3FDB];
	s0 =	simm.s32 @p2 $0x1  }
0x17: {  	s4 =	simm.s32 $0x1BF5;
	[smem:$0x3FA6] =	sst s0  }
0x18: {  	s0 =	sld [smem:$0x3F89];
	_ =	swait.ge [sflag:s4], $0x0  }
0x19: {  	s7 =	sld [smem:$0x3F8A]  }
0x1a: {  	s8 =	sadd.s32 $0xFFFFE003, lr  }
0x1b: {  	s9 =	sadd.s32 $0xFFFFFEF7, lr;
	s5 =	simm.s32 $0xFFFFFFFF;
	p2 =	slt.u32 s8, $0xFFFFF086  }
0x1c: {  	p1 =	slt.u32 s9, $0xF7A;
	s5 =	simm.s32 @!p2 $0x0  }
0x1d: {  	s5 =	simm.s32 @p1 $0x1;
	p0 =	seq.s32 s7, s2  }
0x1e: {  	s7 =	smul.u32 @!p0 $0xF7A, s2;
	p2 =	seq.s32 @!p0 s5, $0x0  }
0x1f: {  	s9 =	smul.u32 $0xF7A, s1;
	s8 =	simm.s32 @!p0 $0x1BF5;
	p2 =	por !p2, p0  }
0x20: {  	[sflag:s8] =	ssyncset.s32 @!p0 $0xFFFFF086;
	s6 =	sadd.s32 @!p0 s3, s7;
	s7 =	simm.s32 @!p0 $0x108  }
0x21: {  	s3 =	sadd.s32 s3, s9;
	s6 =	sadd.s32 @!p0 $0x88, s6;
	s7 =	simm.s32 @p2 $0x1082  }
0x22: {  	[simem:s7], [sflag:s8] =	dma.local @!p0 [hbm:s6], $0xF7A  }
0x23: {  	s9 =	sor.u32 $0xD0000000, s2;
	s6 =	simm.s32 $0x108;
	_ =	swait.ge @!p0 [sflag:s8], $0x0  }
0x24: {  	s3 =	sadd.s32 $0x88, s3;
	s6 =	simm.s32 @!p1 $0x1082;
	[sflag:s4] =	ssyncset.s32 $0xFFFFF086  }
0x25: {  	[simem:s6], [sflag:s4] =	dma.local [hbm:s3], $0xF7A  }
0x26: {  	[smem:$0x3F8A] =	sst s1;
	(tag) =	ssettag s2;
	_ =	strace s9  }
0x27: {  	s1 =	sld [smem:$0x3F9A]  }
0x28: {  	s2 =	sld [smem:$0x3F9B]  }
0x29: {  	s4 =	sld [smem:$0x3F9D]  }
0x2a: {  	p0 =	seq.s32 s5, $0x0;
	s5 =	sld [smem:$0x3F9E]  }
0x2b: {  	s6 =	sld [smem:$0x3F9F]  }
0x2c: {  	s7 =	sld [smem:$0x3FA0]  }
0x2d: {  	s3 =	simm.s32 $0x108;
	s8 =	sld [smem:$0x3FA1]  }
0x2e: {  	s3 =	simm.s32 @!p0 $0x1082;
	s9 =	sld [smem:$0x3FA2]  }
0x2f: {  	lr =	sadd.s32 s0, s3;
	s0 =	sld [smem:$0x3F99]  }
0x30: {  	s3 =	sld [smem:$0x3F9C]  }
0x31: {  	[smem:$0x3FA5] =	sst s10  }
0x32: {  	s10 =	sld [smem:$0x3FA3];
	_ =	sdelay $0x3  }
0x33: {  	p0 =	seq.s32 s10, $0x1;
	s10 =	sld [smem:$0x3FA5];
	_ =	sdelay $0x3  }
0x34: {  	[smem:$0x3FA5] =	sst s10  }
0x35: {  	s10 =	sld [smem:$0x3FA4];
	_ =	sdelay $0x3  }
0x36: {  	p1 =	seq.s32 s10, $0x1;
	s10 =	sld [smem:$0x3FA5];
	_ =	sdelay $0x3  }
0x37: {  	[smem:$0x3FA5] =	sst s10  }
0x38: {  	s10 =	sld [smem:$0x3FA6]  }
0x39: {  	_ = 	snop;
	(pc) =	sbr.ind lr, $3  }
0x3a: {  	_ = 	snop  }
0x3b: {  	_ = 	snop  }
0x3c: {  	p2 =	seq.s32 s10, $0x1;
	s10 =	sld [smem:$0x3FA5]  }
0x3d: {  	_ =	shalt  }
0x3e: {  	_ =	shalt  }
0x3f: {  	_ =	shalt  }
0x40: {  	_ =	shalt  }
0x41: {  	_ =	shalt  }
0x42: {  	_ =	shalt  }
0x43: {  	_ =	shalt  }
0x44: {  	_ =	shalt  }
0x45: {  	_ =	shalt  }
0x46: {  	_ =	shalt  }
0x47: {  	_ =	shalt  }
0x48: {  	_ =	shalt  }
0x49: {  	_ =	shalt  }
0x4a: {  	_ =	shalt  }
0x4b: {  	_ =	shalt  }
0x4c: {  	_ =	shalt  }
0x4d: {  	_ =	shalt  }
0x4e: {  	_ =	shalt  }
0x4f: {  	_ =	shalt  }
0x50: {  	_ =	shalt  }
0x51: {  	_ =	shalt  }
0x52: {  	_ =	shalt  }
0x53: {  	_ =	shalt  }
0x54: {  	_ =	shalt  }
0x55: {  	_ =	shalt  }
0x56: {  	_ =	shalt  }
0x57: {  	_ =	shalt  }
0x58: {  	_ =	shalt  }
0x59: {  	_ =	shalt  }
0x5a: {  	_ =	shalt  }
0x5b: {  	_ =	shalt  }
0x5c: {  	_ =	shalt  }
0x5d: {  	_ =	shalt  }
0x5e: {  	_ =	shalt  }
0x5f: {  	_ =	shalt  }
0x60: {  	_ =	shalt  }
0x61: {  	_ =	shalt  }
0x62: {  	_ =	shalt  }
0x63: {  	_ =	shalt  }
0x64: {  	_ =	shalt  }
0x65: {  	_ =	shalt  }
0x66: {  	_ =	shalt  }
0x67: {  	_ =	shalt  }
0x68: {  	_ =	shalt  }
0x69: {  	_ =	shalt  }
0x6a: {  	_ =	shalt  }
0x6b: {  	_ =	shalt  }
0x6c: {  	_ =	shalt  }
0x6d: {  	_ =	shalt  }
0x6e: {  	_ =	shalt  }
0x6f: {  	_ =	shalt  }
0x70: {  	_ =	shalt  }
0x71: {  	_ =	shalt  }
0x72: {  	_ =	shalt  }
0x73: {  	_ =	shalt  }
0x74: {  	_ =	shalt  }
0x75: {  	_ =	shalt  }
0x76: {  	_ =	shalt  }
0x77: {  	_ =	shalt  }
0x78: {  	_ =	shalt  }
0x79: {  	_ =	shalt  }
0x7a: {  	_ =	shalt  }
0x7b: {  	_ =	shalt  }
0x7c: {  	_ =	shalt  }
0x7d: {  	_ =	shalt  }
0x7e: {  	_ =	shalt  }
0x7f: {  	_ =	shalt  }
0x80: {  	_ =	shalt  }
0x81: {  	_ =	shalt  }
0x82: {  	_ =	shalt  }
0x83: {  	_ =	shalt  }
0x84: {  	_ =	shalt  }
0x85: {  	_ =	shalt  }
0x86: {  	_ =	shalt  }
0x87: {  	_ =	shalt  }
.Lfunc_end0:
.L_simem_size_0:
called_computation.2_lowered:
.L_overlay_start_0:
0x88: {  	s2 =	sld [smem:$0x3FD9]  }
0x89: {  	s3 =	sld [smem:$0x3FFE];
	_ =	sdelay $0x1  }
0x8a: {  	s1 =	srdreg.scid  }
0x8b: {  	s0 =	sand.u32 $0x1, s1  }
0x8c: {  	s16 =	sshll.u32 s0, $0xA;
	s2 =	sadd.s32 s3, s2  }
0x8d: {  	s2 =	sadd.s32 s2, s16  }
0x8e: {  	[smem:$0x3FB1] =	sst s2  }
0x8f: {  	_ = 	snop  }
0x90: {  	(tm) =	ssettm $0x1  }
0x91: {  	s17 =	sld [smem:$0x3FFB];
	_ =	sdelay $0x3  }
0x92: {  	_ =	strace s17  }
0x93: {  	s2 =	sld [smem:$0x3FFC];
	_ =	sdelay $0x3  }
0x94: {  	_ =	strace s2  }
0x95: {  	s2 =	sld [smem:$0x3FFD];
	_ =	sdelay $0x3  }
0x96: {  	_ =	strace s2  }
0x97: {  	_ =	strace $0x8FFFFFFF  }
0x98: {  	s18 =	sld [smem:$0x3FDB];
	_ =	sdelay $0x1  }
0x99: {  	s19 =	simm.s32 $_scs_section_size  }
0x9a: {  	s4 =	simm.s32 $_size__tile_overlayer_lowered;
	s5 =	simm.s32 $_tile_overlayer_lowered  }
0x9b: {  	s22 =	simm.s32 $0x1BFF;
	s21 =	sshll.u32 s5, $0x1;
	s2 =	sadd.s32 s19, s18  }
0x9c: {  	s6 =	simm.s32 $0x0;
	s20 =	sshll.u32 s4, $0x1;
	s4 =	sadd.s32 s21, s2  }
0x9d: {  	[timem:s6], [sflag:s22] =	dma.local [hbm:s4], s20  }
0x9e: {  	_ =	swait.ge [sflag:s22], s20  }
0x9f: {  	s3 =	ssub.s32 $0x0, s20;
	[sflag:s22] =	ssyncset.done $0x0  }
0xa0: {  	[sflag:s22] =	ssyncadd.s32 s3;
	_ =	sdelay $0x1  }
0xa1: {  	s23 =	simm.s32 $0x1B8B  }
0xa2: {  	_ =	swait.ge [sflag:s23], $0x1  }
0xa3: {  	[sflag:s23] =	ssyncset.done $0x0  }
0xa4: {  	s25 =	simm.s32 $0x1B8E;
	s24 =	sld [smem:$0x3FFE];
	[sflag:s23] =	ssyncadd.s32 $0xFFFFFFFF  }
0xa5: {  	s26 =	simm.s32 $execute0_lowered;
	[smem:$0x3FD2] =	sst s25  }
0xa6: {  	s4 =	sshll.u32 s26, $0x1;
	_ =	strace $0x8000004C;
	[dreg:$0x1] =	wrdreg $0xFFFFFFFF  }
0xa7: {  	s28 =	simm.s32 $_size_execute0_lowered;
	s2 =	sadd.s32 s2, s4;
	[dreg:$0x0] =	wrdreg $0x0  }
0xa8: {  	s4 =	sshll.u32 s28, $0x1;
	[dreg:$0x2] =	wrdreg s2  }
0xa9: {  	[dreg:$0x3] =	wrdreg s4  }
0xaa: {  	[dreg:$0x4] =	wrdreg $0xC0  }
0xab: {  	_ =	task [dreg:s6], $0x5FFFF  }
0xac: {  	[dreg:$0x1] =	wrdreg $0xFFFFFFFF  }
0xad: {  	[dreg:$0x0] =	wrdreg $0x60  }
0xae: {  	[dreg:$0x2] =	wrdreg s24  }
0xaf: {  	[dreg:$0x3] =	wrdreg $0x9  }
0xb0: {  	_ =	task.clear_ibuf [dreg:s6], $0x4FFFF;
	_ =	strace $0x9000004C  }
0xb1: {  	s29 =	simm.s32 $0x9;
	_ =	strace $0x8000004E  }
0xb2: {  	_ =	swait.ge [sflag:s29], $0x1  }
0xb3: {  	[sflag:s29] =	ssyncadd.s32 $0xFFFFFFFF  }
0xb4: {  	_ =	strace $0x9000004E  }
0xb5: {  	_ =	sfence  }
0xb6: {  	s30 =	sld [smem:$0x0];
	_ =	sdelay $0x2  }
0xb7: {  	s31 =	sshll.u32 s1, $0xD;
	s1 =	sshrl.u32 s1, $0x2  }
0xb8: {  	s3 =	sand.u32 $0x4000, s31;
	s1 =	sadd.s32 s1, s30  }
0xb9: {  	s0 =	sor.u32 s3, s0;
	s1 =	sshll.u32 s1, $0x11  }
0xba: {  	s0 =	sor.u32 s1, s0  }
0xbb: {  	s0 =	sadd.s32 $0x8F2B, s0  }
0xbc: {  	[sflag:s0] =	ssyncadd.remote.s32 $0x1  }
0xbd: {  	_ =	sfence.sel $0xFFFF  }
0xbe: {  	[dreg:$0x0] =	wrdreg $0xFFFFFFFF;
	(pc) =	sbr.abs _section_cstart, $3  }
0xbf: {  	[dreg:$0x1] =	wrdreg $0xFFFFFFFF  }
0xc0: {  	_ =	task.clear_ibuf [dreg:s6], $0x2FFFF;
	_ =	strace $0x9FFFFFFF  }
0xc1: {  	(tm) =	ssettm $0x7FFFFFFF  }
tec
execute0_lowered:
.L_overlay_start_1:
0x0: {  	(tag) =	ssettag $0x1  }
0x1: {  	s5 =	rddreg [dreg:$0x0]  }
0x2: {  	s0 =	rddreg [dreg:$0x1];
	s3 =	srdreg.scid  }
0x3: {  	s1 =	stileid.u32;
	s2 =	simm.s32 $0x0;
	s11 =	simm.s32 $0x2800  }
0x4: {  	s12 =	simm.s32 $0x80;
	s13 =	simm.s32 $0x5000;
	s14 =	simm.s32 $0x9000  }
0x5: {  	s15 =	simm.s32 $0x1;
	s16 =	simm.s32 $0x2;
	s17 =	simm.s32 $0x0  }
0x6: {  	s3 =	sand.u32 $0x1, s3;
	s4 =	sshll.u32 s1, $0x1;
	[smem:$0x7FF] =	sst s2  }
0x7: {  	s6 =	sor.u32 s3, s4;
	_ =	strace $0x8000004D;
	s8 =	ssub.s32 $0x2, s3  }
0x8: {  	s3 =	sadd.s32 $0x21600, s5;
	s7 =	smul.u32 $0x500, s6;
	s9 =	sshrl.u32 s8, $0x1  }
0x9: {  	s4 =	sadd.s32 $0x6FA00, s5;
	s6 =	smul.u32 $0x2780, s6;
	s9 =	ssub.s32 s8, s9  }
0xa: {  	s10 =	sadd.s32 s7, s5;
	s5 =	sadd.s32 $0xBDE00, s5;
	s9 =	smax.u32 s9, $0x1  }
0xb: {  	s7 =	sadd.s32 $0x16600, s10;
	s8 =	sadd.s32 $0xC600, s10;
	s10 =	simm.s32 $0x3  }
.LBB2_1:
0xc: {  	[tilespmem:s2], [sflag:$0x3] =	stream.linear.gather [hbm4b:s7+s2], $0x2800, $0x38;
	[tilespmem:$0xD000] =	vst v63  }
0xd: {  	_ =	swait.ge [sflag:s10], $0x2800  }
0xe: {  	[sflag:s10] =	ssyncset.done $0x0  }
0xf: {  	[sflag:s10] =	ssyncadd.s32 $0xFFFFD800  }
0x10: {  	[tilespmem:s11], [sflag:$0x3] =	stream.linear.gather [hbm4b:s8+s2], $0x2800, $0x38;
	[tilespmem:$0xD000] =	vst v63  }
0x11: {  	_ =	swait.ge [sflag:s10], $0x2800  }
0x12: {  	[sflag:s10] =	ssyncset.done $0x0  }
0x13: {  	s18 =	simm.s32 $0x0;
	[sflag:s10] =	ssyncadd.s32 $0xFFFFD800  }
.LBB2_2:
0x14: {  	s19 =	sshll.u32 s18, $0x7  }
0x15: {  	[tilespmem:s13], [sflag:$0x1] =	stream.indirect.gather [hbm4b:s3+s12], $0x80, s19, s12, $0xb8;
	[tilespmem:$0xD000] =	vst v63  }
0x16: {  	s20 =	sadd.s32 $0x2800, s19  }
0x17: {  	[tilespmem:s14], [sflag:$0x2] =	stream.indirect.gather [hbm4b:s4+s12], $0x80, s20, s12, $0xb8;
	[tilespmem:$0xD000] =	vst v63  }
0x18: {  	_ =	swait.ge [sflag:s15], $0x4000  }
0x19: {  	[sflag:s15] =	ssyncset.done $0x0  }
0x1a: {  	[sflag:s15] =	ssyncadd.s32 $0xFFFFC000  }
0x1b: {  	_ =	swait.ge [sflag:s16], $0x4000  }
0x1c: {  	[sflag:s16] =	ssyncset.done $0x0  }
0x1d: {  	s20 =	simm.s32 $0x0;
	[sflag:s16] =	ssyncadd.s32 $0xFFFFC000  }
0x1e: {  	v7 =	vld [tilespmem:s20+$0x9000]  }
0x1f: {  	v11 =	vld [tilespmem:s20+$0x9010]  }
0x20: {  	v5 =	vld [tilespmem:s20+$0x9020]  }
0x21: {  	v4 =	vld [tilespmem:s20+$0x9030]  }
0x22: {  	v3 =	vld [tilespmem:s20+$0x9040]  }
0x23: {  	v2 =	vld [tilespmem:s20+$0x9050]  }
0x24: {  	v1 =	vld [tilespmem:s20+$0x9060]  }
0x25: {  	v0 =	vld [tilespmem:s20+$0x9070]  }
0x26: {  	v12 =	vld [tilespmem:s20+$0x5000]  }
0x27: {  	v13 =	vld [tilespmem:s20+$0x5010]  }
0x28: {  	v10 =	vld [tilespmem:s20+$0x5020]  }
0x29: {  	v9 =	vld [tilespmem:s20+$0x5030]  }
0x2a: {  	v8 =	vld [tilespmem:s20+$0x5040]  }
0x2b: {  	v6 =	vld [tilespmem:s20+$0x5050];
	v12 =	vadd.f32 v7, v12  }
0x2c: {  	s21 =	simm.s32 $0x200;
	v11 =	vadd.f32 v11, v13;
	v7 =	vld [tilespmem:s20+$0x5060]  }
.LBB2_3:
0x2d: {  	s22 =	sshra.s32 s21, $0x2;
	p0 =	sne.s32 s21, $0xFE00;
	[tilespmem:s20+$0x5000] =	vst v12;
	v5 =	vadd.f32 v5, v10;
	v10 =	vld [tilespmem:s20+$0x5070]  }
0x2e: {  	v12 =	vld [tilespmem:s22+$0x9000];
	[tilespmem:s20+$0x5010] =	vst v11;
	v4 =	vadd.f32 v4, v9  }
0x2f: {  	v11 =	vld [tilespmem:s22+$0x9010];
	[tilespmem:s20+$0x5020] =	vst v5;
	v3 =	vadd.f32 v3, v8  }
0x30: {  	v5 =	vld [tilespmem:s22+$0x9020];
	[tilespmem:s20+$0x5030] =	vst v4;
	v2 =	vadd.f32 v2, v6  }
0x31: {  	v4 =	vld [tilespmem:s22+$0x9030];
	[tilespmem:s20+$0x5040] =	vst v3;
	v1 =	vadd.f32 v1, v7  }
0x32: {  	v3 =	vld [tilespmem:s22+$0x9040];
	[tilespmem:s20+$0x5050] =	vst v2;
	v0 =	vadd.f32 v0, v10  }
0x33: {  	v2 =	vld [tilespmem:s22+$0x9050];
	[tilespmem:s20+$0x5060] =	vst v1  }
0x34: {  	v1 =	vld [tilespmem:s22+$0x9060];
	[tilespmem:s20+$0x5070] =	vst v0;
	s20 =	smov.u32 s22  }
0x35: {  	v0 =	vld [tilespmem:s20+$0x9070]  }
0x36: {  	v6 =	vld [tilespmem:s20+$0x5000]  }
0x37: {  	v7 =	vld [tilespmem:s20+$0x5010]  }
.Ltmp0:
0x38: {  	v10 =	vld [tilespmem:s20+$0x5020];
	(pc) =	sbr.rel @p0 .LBB2_3-.Ltmp0, $4  }
0x39: {  	v9 =	vld [tilespmem:s20+$0x5030]  }
0x3a: {  	v8 =	vld [tilespmem:s20+$0x5040]  }
0x3b: {  	v12 =	vadd.f32 v12, v6;
	v6 =	vld [tilespmem:s20+$0x5050]  }
0x3c: {  	s21 =	sadd.s32 $0x200, s21;
	v11 =	vadd.f32 v11, v7;
	v7 =	vld [tilespmem:s20+$0x5060]  }
0x3d: {  	[tilespmem:s20+$0x5000] =	vst v12;
	v5 =	vadd.f32 v5, v10;
	v63 =	vld [tilespmem:s20+$0x5070]  }
0x3e: {  	[tilespmem:s20+$0x5010] =	vst v11;
	v4 =	vadd.f32 v4, v9  }
0x3f: {  	[tilespmem:s20+$0x5020] =	vst v5;
	v3 =	vadd.f32 v3, v8  }
0x40: {  	[tilespmem:s20+$0x5030] =	vst v4;
	v2 =	vadd.f32 v2, v6  }
0x41: {  	[tilespmem:s20+$0x5040] =	vst v3;
	v1 =	vadd.f32 v1, v7  }
0x42: {  	s19 =	sadd.s32 s6, s19;
	s18 =	sadd.s32 $0x1, s18;
	[tilespmem:s20+$0x5050] =	vst v2;
	v0 =	vadd.f32 v0, v63  }
0x43: {  	s19 =	sshll.u32 s19, $0x4;
	p0 =	sne.s32 s18, $0x4F;
	[tilespmem:s20+$0x5060] =	vst v1  }
.Ltmp1:
0x44: {  	s19 =	sadd.s32 s5, s19;
	[tilespmem:s20+$0x5070] =	vst v0;
	(pc) =	sbr.rel @p0 .LBB2_2-.Ltmp1, $4  }
0x45: {  	[hbm4b:s19+s2] =	stream.linear.scatter [tilespmem:s13], [sflag:$0x3], $0x4000, $0x38;
	[tilespmem:$0xD000] =	vst v63  }
0x46: {  	_ =	swait.ge [sflag:s10], $0x4000  }
0x47: {  	[sflag:s10] =	ssyncset.done $0x0  }
0x48: {  	[sflag:s10] =	ssyncadd.s32 $0xFFFFC000  }
0x49: {  	s17 =	sadd.s32 $0x1, s17  }
0x4a: {  	p0 =	sne.s32 s17, s9  }
.Ltmp2:
0x4b: {  	_ = 	snop;
	(pc) =	sbr.rel @p0 .LBB2_1-.Ltmp2, $1  }
0x4c: {  	_ =	sdelay $0x3  }
0x4d: {  	_ =	sfence.sel $0x180000  }
0x4e: {  	[bflag:$0x0] =	sbarrier.arrive $0xFFFF  }
0x4f: {  	p0 =	sne.s32 s1, $0x0;
	_ =	strace $0x9000004D  }
0x50: {  	s0 =	sadd.s32 @!p0 $0x100000, s0;
	[bflag:$0x2] =	sbarrier.arrive $0xFFFF  }
0x51: {  	[sflag:s0] =	ssyncadd.tile.s32 @!p0 $0x1;
	_ =	shalt  }
.Lfunc_end2:
_tile_overlayer_lowered:
.L_overlay_start_2:
0x52: {  	(tag) =	ssettag $0x2  }
0x53: {  	s0 =	rddreg [dreg:$0x0];
	s2 =	stileid.u32  }
0x54: {  	s1 =	rddreg [dreg:$0x1];
	p0 =	sne.s32 s2, $0x0  }
0x55: {  	s3 =	rddreg [dreg:$0x2];
	[bflag:$0x3] =	sbarrier.arrive $0xFFFF;
	s2 =	simm.s32 @!p0 $0x1C03  }
0x56: {  	[timem:s3], [sflag:s2] =	dma.local @!p0 [hbm:s0], s1  }
0x57: {  	s0 =	simm.s32 @!p0 $0x3  }
0x58: {  	_ =	swait.ge @!p0 [sflag:s0], s1  }
0x59: {  	s1 =	ssub.s32 @!p0 $0x0, s1;
	[sflag:s0] =	ssyncset.done @!p0 $0x0  }
0x5a: {  	[sflag:s0] =	ssyncadd.s32 @!p0 s1  }
0x5b: {  	[bflag:$0x3] =	sbarrier.arrive $0xFFFF  }
0x5c: {  	_ =	shalt  }

// kernel: kernel.25.cloned.1.call-start
scs
__scs_entry_jumppad:
0x0: {  	(pc) =	sbr.rel $0x88, $3  }
0x1: {  	(tag) =	ssettag $0x0;
	lr =	simm.s32 $0x1  }
0x2: {  	[smem:$0x3F8A] =	sst lr;
	_ =	strace $0xD0000000  }
0x3: {  	_ = 	snop  }
0x4: {  	_ = 	snop  }
0x5: {  	_ = 	snop  }
0x6: {  	_ = 	snop  }
0x7: {  	_ = 	snop  }
__scs_overlays_trampoline_lowered:
0x8: {  	[smem:$0x3F99] =	sst s0  }
0x9: {  	[smem:$0x3F9A] =	sst s1  }
0xa: {  	[smem:$0x3F9B] =	sst s2  }
0xb: {  	[smem:$0x3F9C] =	sst s3  }
0xc: {  	[smem:$0x3F9D] =	sst s4  }
0xd: {  	[smem:$0x3F9E] =	sst s5  }
0xe: {  	[smem:$0x3F9F] =	sst s6  }
0xf: {  	[smem:$0x3FA0] =	sst s7  }
0x10: {  	[smem:$0x3FA1] =	sst s8  }
0x11: {  	[smem:$0x3FA2] =	sst s9;
	s0 =	simm.s32 @!p0 $0x0  }
0x12: {  	s1 =	sld [smem:$0x3F88];
	s0 =	simm.s32 @p0 $0x1  }
0x13: {  	[smem:$0x3FA3] =	sst s0;
	s0 =	simm.s32 @!p1 $0x0  }
0x14: {  	s2 =	sld [smem:$0x3F87];
	s0 =	simm.s32 @p1 $0x1  }
0x15: {  	[smem:$0x3FA4] =	sst s0;
	s0 =	simm.s32 @!p2 $0x0  }
0x16: {  	s3 =	sld [smem:$0x3FDB];
	s0 =	simm.s32 @p2 $0x1  }
0x17: {  	s4 =	simm.s32 $0x1BF5;
	[smem:$0x3FA6] =	sst s0  }
0x18: {  	s0 =	sld [smem:$0x3F89];
	_ =	swait.ge [sflag:s4], $0x0  }
0x19: {  	s7 =	sld [smem:$0x3F8A]  }
0x1a: {  	s8 =	sadd.s32 $0xFFFFE003, lr  }
0x1b: {  	s9 =	sadd.s32 $0xFFFFFEF7, lr;
	s5 =	simm.s32 $0xFFFFFFFF;
	p2 =	slt.u32 s8, $0xFFFFF086  }
0x1c: {  	p1 =	slt.u32 s9, $0xF7A;
	s5 =	simm.s32 @!p2 $0x0  }
0x1d: {  	s5 =	simm.s32 @p1 $0x1;
	p0 =	seq.s32 s7, s2  }
0x1e: {  	s7 =	smul.u32 @!p0 $0xF7A, s2;
	p2 =	seq.s32 @!p0 s5, $0x0  }
0x1f: {  	s9 =	smul.u32 $0xF7A, s1;
	s8 =	simm.s32 @!p0 $0x1BF5;
	p2 =	por !p2, p0  }
0x20: {  	[sflag:s8] =	ssyncset.s32 @!p0 $0xFFFFF086;
	s6 =	sadd.s32 @!p0 s3, s7;
	s7 =	simm.s32 @!p0 $0x108  }
0x21: {  	s3 =	sadd.s32 s3, s9;
	s6 =	sadd.s32 @!p0 $0x88, s6;
	s7 =	simm.s32 @p2 $0x1082  }
0x22: {  	[simem:s7], [sflag:s8] =	dma.local @!p0 [hbm:s6], $0xF7A  }
0x23: {  	s9 =	sor.u32 $0xD0000000, s2;
	s6 =	simm.s32 $0x108;
	_ =	swait.ge @!p0 [sflag:s8], $0x0  }
0x24: {  	s3 =	sadd.s32 $0x88, s3;
	s6 =	simm.s32 @!p1 $0x1082;
	[sflag:s4] =	ssyncset.s32 $0xFFFFF086  }
0x25: {  	[simem:s6], [sflag:s4] =	dma.local [hbm:s3], $0xF7A  }
0x26: {  	[smem:$0x3F8A] =	sst s1;
	(tag) =	ssettag s2;
	_ =	strace s9  }
0x27: {  	s1 =	sld [smem:$0x3F9A]  }
0x28: {  	s2 =	sld [smem:$0x3F9B]  }
0x29: {  	s4 =	sld [smem:$0x3F9D]  }
0x2a: {  	p0 =	seq.s32 s5, $0x0;
	s5 =	sld [smem:$0x3F9E]  }
0x2b: {  	s6 =	sld [smem:$0x3F9F]  }
0x2c: {  	s7 =	sld [smem:$0x3FA0]  }
0x2d: {  	s3 =	simm.s32 $0x108;
	s8 =	sld [smem:$0x3FA1]  }
0x2e: {  	s3 =	simm.s32 @!p0 $0x1082;
	s9 =	sld [smem:$0x3FA2]  }
0x2f: {  	lr =	sadd.s32 s0, s3;
	s0 =	sld [smem:$0x3F99]  }
0x30: {  	s3 =	sld [smem:$0x3F9C]  }
0x31: {  	[smem:$0x3FA5] =	sst s10  }
0x32: {  	s10 =	sld [smem:$0x3FA3];
	_ =	sdelay $0x3  }
0x33: {  	p0 =	seq.s32 s10, $0x1;
	s10 =	sld [smem:$0x3FA5];
	_ =	sdelay $0x3  }
0x34: {  	[smem:$0x3FA5] =	sst s10  }
0x35: {  	s10 =	sld [smem:$0x3FA4];
	_ =	sdelay $0x3  }
0x36: {  	p1 =	seq.s32 s10, $0x1;
	s10 =	sld [smem:$0x3FA5];
	_ =	sdelay $0x3  }
0x37: {  	[smem:$0x3FA5] =	sst s10  }
0x38: {  	s10 =	sld [smem:$0x3FA6]  }
0x39: {  	_ = 	snop;
	(pc) =	sbr.ind lr, $3  }
0x3a: {  	_ = 	snop  }
0x3b: {  	_ = 	snop  }
0x3c: {  	p2 =	seq.s32 s10, $0x1;
	s10 =	sld [smem:$0x3FA5]  }
0x3d: {  	_ =	shalt  }
0x3e: {  	_ =	shalt  }
0x3f: {  	_ =	shalt  }
0x40: {  	_ =	shalt  }
0x41: {  	_ =	shalt  }
0x42: {  	_ =	shalt  }
0x43: {  	_ =	shalt  }
0x44: {  	_ =	shalt  }
0x45: {  	_ =	shalt  }
0x46: {  	_ =	shalt  }
0x47: {  	_ =	shalt  }
0x48: {  	_ =	shalt  }
0x49: {  	_ =	shalt  }
0x4a: {  	_ =	shalt  }
0x4b: {  	_ =	shalt  }
0x4c: {  	_ =	shalt  }
0x4d: {  	_ =	shalt  }
0x4e: {  	_ =	shalt  }
0x4f: {  	_ =	shalt  }
0x50: {  	_ =	shalt  }
0x51: {  	_ =	shalt  }
0x52: {  	_ =	shalt  }
0x53: {  	_ =	shalt  }
0x54: {  	_ =	shalt  }
0x55: {  	_ =	shalt  }
0x56: {  	_ =	shalt  }
0x57: {  	_ =	shalt  }
0x58: {  	_ =	shalt  }
0x59: {  	_ =	shalt  }
0x5a: {  	_ =	shalt  }
0x5b: {  	_ =	shalt  }
0x5c: {  	_ =	shalt  }
0x5d: {  	_ =	shalt  }
0x5e: {  	_ =	shalt  }
0x5f: {  	_ =	shalt  }
0x60: {  	_ =	shalt  }
0x61: {  	_ =	shalt  }
0x62: {  	_ =	shalt  }
0x63: {  	_ =	shalt  }
0x64: {  	_ =	shalt  }
0x65: {  	_ =	shalt  }
0x66: {  	_ =	shalt  }
0x67: {  	_ =	shalt  }
0x68: {  	_ =	shalt  }
0x69: {  	_ =	shalt  }
0x6a: {  	_ =	shalt  }
0x6b: {  	_ =	shalt  }
0x6c: {  	_ =	shalt  }
0x6d: {  	_ =	shalt  }
0x6e: {  	_ =	shalt  }
0x6f: {  	_ =	shalt  }
0x70: {  	_ =	shalt  }
0x71: {  	_ =	shalt  }
0x72: {  	_ =	shalt  }
0x73: {  	_ =	shalt  }
0x74: {  	_ =	shalt  }
0x75: {  	_ =	shalt  }
0x76: {  	_ =	shalt  }
0x77: {  	_ =	shalt  }
0x78: {  	_ =	shalt  }
0x79: {  	_ =	shalt  }
0x7a: {  	_ =	shalt  }
0x7b: {  	_ =	shalt  }
0x7c: {  	_ =	shalt  }
0x7d: {  	_ =	shalt  }
0x7e: {  	_ =	shalt  }
0x7f: {  	_ =	shalt  }
0x80: {  	_ =	shalt  }
0x81: {  	_ =	shalt  }
0x82: {  	_ =	shalt  }
0x83: {  	_ =	shalt  }
0x84: {  	_ =	shalt  }
0x85: {  	_ =	shalt  }
0x86: {  	_ =	shalt  }
0x87: {  	_ =	shalt  }
.Lfunc_end0:
.L_simem_size_0:
called_computation.3_lowered:
.L_overlay_start_0:
0x88: {  	s2 =	sld [smem:$0x3FD9]  }
0x89: {  	s3 =	sld [smem:$0x3FFE];
	_ =	sdelay $0x1  }
0x8a: {  	s1 =	srdreg.scid  }
0x8b: {  	s0 =	sand.u32 $0x1, s1  }
0x8c: {  	s16 =	sshll.u32 s0, $0xA;
	s2 =	sadd.s32 s3, s2  }
0x8d: {  	s2 =	sadd.s32 s2, s16  }
0x8e: {  	[smem:$0x3FB1] =	sst s2  }
0x8f: {  	_ = 	snop  }
0x90: {  	(tm) =	ssettm $0x1  }
0x91: {  	s17 =	sld [smem:$0x3FFB];
	_ =	sdelay $0x3  }
0x92: {  	_ =	strace s17  }
0x93: {  	s2 =	sld [smem:$0x3FFC];
	_ =	sdelay $0x3  }
0x94: {  	_ =	strace s2  }
0x95: {  	s2 =	sld [smem:$0x3FFD];
	_ =	sdelay $0x3  }
0x96: {  	_ =	strace s2  }
0x97: {  	_ =	strace $0x8FFFFFFF  }
0x98: {  	s18 =	sld [smem:$0x3FDB];
	_ =	sdelay $0x1  }
0x99: {  	s19 =	simm.s32 $_scs_section_size  }
0x9a: {  	s4 =	simm.s32 $_size__tile_overlayer_lowered;
	s5 =	simm.s32 $_tile_overlayer_lowered  }
0x9b: {  	s22 =	simm.s32 $0x1BFF;
	s21 =	sshll.u32 s5, $0x1;
	s2 =	sadd.s32 s19, s18  }
0x9c: {  	s6 =	simm.s32 $0x0;
	s20 =	sshll.u32 s4, $0x1;
	s4 =	sadd.s32 s21, s2  }
0x9d: {  	[timem:s6], [sflag:s22] =	dma.local [hbm:s4], s20  }
0x9e: {  	_ =	swait.ge [sflag:s22], s20  }
0x9f: {  	s3 =	ssub.s32 $0x0, s20;
	[sflag:s22] =	ssyncset.done $0x0  }
0xa0: {  	[sflag:s22] =	ssyncadd.s32 s3;
	_ =	sdelay $0x1  }
0xa1: {  	s23 =	simm.s32 $0x1B8B  }
0xa2: {  	_ =	swait.ge [sflag:s23], $0x1  }
0xa3: {  	[sflag:s23] =	ssyncset.done $0x0  }
0xa4: {  	s25 =	simm.s32 $0x1B8E;
	s24 =	sld [smem:$0x3FFE];
	[sflag:s23] =	ssyncadd.s32 $0xFFFFFFFF  }
0xa5: {  	s26 =	simm.s32 $execute0_lowered;
	[smem:$0x3FD2] =	sst s25  }
0xa6: {  	s4 =	sshll.u32 s26, $0x1;
	_ =	strace $0x8000004F;
	[dreg:$0x1] =	wrdreg $0xFFFFFFFF  }
0xa7: {  	s28 =	simm.s32 $_size_execute0_lowered;
	s2 =	sadd.s32 s2, s4;
	[dreg:$0x0] =	wrdreg $0x0  }
0xa8: {  	s4 =	sshll.u32 s28, $0x1;
	[dreg:$0x2] =	wrdreg s2  }
0xa9: {  	[dreg:$0x3] =	wrdreg s4  }
0xaa: {  	[dreg:$0x4] =	wrdreg $0xC0  }
0xab: {  	_ =	task [dreg:s6], $0x5FFFF  }
0xac: {  	[dreg:$0x1] =	wrdreg $0xFFFFFFFF  }
0xad: {  	[dreg:$0x0] =	wrdreg $0x60  }
0xae: {  	[dreg:$0x2] =	wrdreg s24  }
0xaf: {  	[dreg:$0x3] =	wrdreg $0x0  }
0xb0: {  	[dreg:$0x4] =	wrdreg $0x9  }
0xb1: {  	_ =	task.clear_ibuf [dreg:s6], $0x5FFFF;
	_ =	strace $0x9000004F  }
0xb2: {  	s29 =	simm.s32 $0x9;
	_ =	strace $0x80000051  }
0xb3: {  	_ =	swait.ge [sflag:s29], $0x1  }
0xb4: {  	[sflag:s29] =	ssyncadd.s32 $0xFFFFFFFF  }
0xb5: {  	_ =	strace $0x90000051  }
0xb6: {  	_ =	sfence  }
0xb7: {  	s30 =	sld [smem:$0x0];
	_ =	sdelay $0x2  }
0xb8: {  	s31 =	sshll.u32 s1, $0xD;
	s1 =	sshrl.u32 s1, $0x2  }
0xb9: {  	s3 =	sand.u32 $0x4000, s31;
	s1 =	sadd.s32 s1, s30  }
0xba: {  	s0 =	sor.u32 s3, s0;
	s1 =	sshll.u32 s1, $0x11  }
0xbb: {  	s0 =	sor.u32 s1, s0  }
0xbc: {  	s0 =	sadd.s32 $0x8F2B, s0  }
0xbd: {  	[sflag:s0] =	ssyncadd.remote.s32 $0x1  }
0xbe: {  	_ =	sfence.sel $0xFFFF  }
0xbf: {  	[dreg:$0x0] =	wrdreg $0xFFFFFFFF;
	(pc) =	sbr.abs _section_cstart, $3  }
0xc0: {  	[dreg:$0x1] =	wrdreg $0xFFFFFFFF  }
0xc1: {  	_ =	task.clear_ibuf [dreg:s6], $0x2FFFF;
	_ =	strace $0x9FFFFFFF  }
0xc2: {  	(tm) =	ssettm $0x7FFFFFFF  }
0xc3: {  	_ =	shalt  }
tec
execute0_lowered:
.L_overlay_start_1:
0x0: {  	(tag) =	ssettag $0x1  }
0x1: {  	s4 =	rddreg [dreg:$0x0]  }
0x2: {  	s0 =	srdreg.scid;
	s2 =	stileid.u32  }
0x3: {  	s1 =	rddreg [dreg:$0x1];
	s3 =	simm.s32 $0x0;
	s9 =	smul.u32 $0x1F400, s2  }
0x4: {  	s15 =	simm.s32 $0x13C00;
	s16 =	simm.s32 $0x80;
	s28 =	smul.u32 $0x4F000, s2  }
0x5: {  	s5 =	sand.u32 $0x1, s0;
	s0 =	rddreg [dreg:$0x2];
	s13 =	smul.u32 $0x7D000, s2  }
0x6: {  	s19 =	simm.s32 $0x0;
	[smem:$0x7FF] =	sst s3;
	s14 =	smul.u32 $0x27800, s2  }
0x7: {  	p0 =	sgt.u32 s2, $0x9;
	s6 =	smul.u32 $0x278000, s5;
	s7 =	sshll.u32 s5, $0x4  }
0x8: {  	s8 =	smul.u32 $0x138800, s5;
	_ =	strace $0x80000050;
	s5 =	ssub.s32 $0x2, s5  }
0x9: {  	s17 =	sshll.u32 @!p0 s2, $0x6;
	s7 =	sor.u32 s2, s7;
	s30 =	sshrl.u32 s5, $0x1  }
0xa: {  	s31 =	sshrl.u32 s28, $0x2;
	s13 =	sshrl.u32 s13, $0x2;
	s17 =	sor.u32 @!p0 $0x1C01, s17  }
0xb: {  	s7 =	smul.u32 $0x500, s7;
	s11 =	sadd.s32 s6, s4;
	s26 =	sadd.s32 s9, s8  }
0xc: {  	s12 =	ssub.s32 s5, s30;
	s18 =	sadd.s32 s13, s1;
	s13 =	simm.s32 $0x16400  }
0xd: {  	s6 =	sshrl.u32 s26, $0x3;
	s14 =	sadd.s32 s14, s11;
	s11 =	smax.u32 s12, $0x1  }
0xe: {  	s18 =	sshrl.u32 @!p0 s18, $0x3;
	s29 =	sadd.s32 s7, s4;
	s10 =	sadd.s32 s6, s4  }
0xf: {  	s4 =	sadd.s32 s31, s1;
	s12 =	sadd.s32 $0xF58C00, s14;
	s14 =	simm.s32 $0x1  }
0x10: {  	s5 =	sadd.s32 $0x4000, s4;
	s6 =	sadd.s32 $0x8000, s4;
	s7 =	sadd.s32 $0xC000, s4  }
0x11: {  	v0 =	vimm.f32 $0.0e+00;
	s8 =	sadd.s32 $0x10000, s4;
	s9 =	sadd.s32 $0xC600, s29;
	s10 =	sadd.s32 $0x21600, s10  }
.LBB2_1:
0x12: {  	s20 =	simm.s32 $0x0;
	s21 =	simm.s32 $0x200  }
.LBB2_2:
0x13: {  	p1 =	sne.s32 s21, $0xFE00;
	[tilespmem:s20+$0x16470] =	vst v0  }
0x14: {  	[tilespmem:s20+$0x16400] =	vst v0  }
0x15: {  	[tilespmem:s20+$0x16410] =	vst v0  }
.Ltmp0:
0x16: {  	[tilespmem:s20+$0x16420] =	vst v0;
	(pc) =	sbr.rel @p1 .LBB2_2-.Ltmp0, $4  }
0x17: {  	[tilespmem:s20+$0x16430] =	vst v0  }
0x18: {  	[tilespmem:s20+$0x16440] =	vst v0  }
0x19: {  	[tilespmem:s20+$0x16450] =	vst v0  }
0x1a: {  	[tilespmem:s20+$0x16460] =	vst v0;
	s20 =	sshra.s32 s21, $0x2;
	s21 =	sadd.s32 $0x200, s21  }
0x1b: {  	[tilespmem:s20+$0x16470] =	vst v0  }
0x1c: {  	[tilespmem:s20+$0x16400] =	vst v0  }
0x1d: {  	[tilespmem:s20+$0x16410] =	vst v0  }
0x1e: {  	[tilespmem:s20+$0x16420] =	vst v0  }
0x1f: {  	[tilespmem:s20+$0x16430] =	vst v0  }
0x20: {  	[tilespmem:s20+$0x16440] =	vst v0  }
0x21: {  	[tilespmem:s20+$0x16450] =	vst v0  }
0x22: {  	[tilespmem:s20+$0x16460] =	vst v0  }
0x23: {  	[spmem:s4] =	stream.linear.scatter [tilespmem:s13], [sflag:$0x1], $0x4000, $0x38;
	[tilespmem:$0x1A400] =	vst v63  }
0x24: {  	_ =	swait.ge [sflag:s14], $0x4000  }
0x25: {  	[sflag:s14] =	ssyncset.done $0x0  }
0x26: {  	[sflag:s14] =	ssyncadd.s32 $0xFFFFC000  }
0x27: {  	[spmem:s5] =	stream.linear.scatter [tilespmem:s13], [sflag:$0x1], $0x4000, $0x38;
	[tilespmem:$0x1A400] =	vst v63  }
0x28: {  	_ =	swait.ge [sflag:s14], $0x4000  }
0x29: {  	[sflag:s14] =	ssyncset.done $0x0  }
0x2a: {  	[sflag:s14] =	ssyncadd.s32 $0xFFFFC000  }
0x2b: {  	[spmem:s6] =	stream.linear.scatter [tilespmem:s13], [sflag:$0x1], $0x4000, $0x38;
	[tilespmem:$0x1A400] =	vst v63  }
0x2c: {  	_ =	swait.ge [sflag:s14], $0x4000  }
0x2d: {  	[sflag:s14] =	ssyncset.done $0x0  }
0x2e: {  	[sflag:s14] =	ssyncadd.s32 $0xFFFFC000  }
0x2f: {  	[spmem:s7] =	stream.linear.scatter [tilespmem:s13], [sflag:$0x1], $0x4000, $0x38;
	[tilespmem:$0x1A400] =	vst v63  }
0x30: {  	_ =	swait.ge [sflag:s14], $0x4000  }
0x31: {  	[sflag:s14] =	ssyncset.done $0x0  }
0x32: {  	[sflag:s14] =	ssyncadd.s32 $0xFFFFC000  }
0x33: {  	[spmem:s8] =	stream.linear.scatter [tilespmem:s13], [sflag:$0x1], $0x3C00, $0x38;
	[tilespmem:$0x1A400] =	vst v63  }
0x34: {  	_ =	swait.ge [sflag:s14], $0x3C00  }
0x35: {  	[sflag:s14] =	ssyncset.done $0x0  }
0x36: {  	[sflag:s14] =	ssyncadd.s32 $0xFFFFC400  }
0x37: {  	s30 =	simm.s32 $0x0;
	[bflag:$0x0] =	sbarrier.arrive $0xFFFF  }
0x38: {  	[tilespmem:s15], [sflag:$0x1] =	stream.linear.gather [hbm4b:s9+s30], $0x2800, $0x38;
	[tilespmem:$0x1A400] =	vst v63  }
0x39: {  	_ =	swait.ge [sflag:s14], $0x2800  }
0x3a: {  	[sflag:s14] =	ssyncset.done $0x0  }
0x3b: {  	[sflag:s14] =	ssyncadd.s32 $0xFFFFD800  }
0x3c: {  	[tilespmem:s13], [sflag:$0x1] =	stream.linear.gather [hbm4b:s12+s3], $0x4000, $0x38;
	[tilespmem:$0x1A400] =	vst v63  }
0x3d: {  	_ =	swait.ge [sflag:s14], $0x4000  }
0x3e: {  	[sflag:s14] =	ssyncset.done $0x0  }
0x3f: {  	s31 =	simm.s32 $0x13C00;
	[sflag:s14] =	ssyncadd.s32 $0xFFFFC000  }
0x40: {  	[spmem:s1] =	stream.indirect.scatter.add.f32 [tilespmem:s13], [sflag:$0x1], $0x80, s31, s16, $0xb8;
	[tilespmem:$0x1A400] =	vst v63  }
0x41: {  	_ =	swait.ge [sflag:s14], $0x4000  }
0x42: {  	s20 =	simm.s32 $0x200;
	s21 =	smov.u32 s12;
	[sflag:s14] =	ssyncset.done $0x0  }
.LBB2_4:
0x43: {  	p1 =	sne.s32 s20, $0x9C00;
	[sflag:s14] =	ssyncadd.s32 $0xFFFFC000;
	s21 =	sadd.s32 $0x800, s21  }
0x44: {  	[tilespmem:s13], [sflag:$0x1] =	stream.linear.gather [hbm4b:s21+s3], $0x4000, $0x38;
	[tilespmem:$0x1A400] =	vst v63  }
0x45: {  	s22 =	smov.u32 s20;
	s20 =	sadd.s32 $0x200, s20;
	_ =	swait.ge [sflag:s14], $0x4000  }
.Ltmp1:
0x46: {  	s22 =	sshra.s32 s22, $0x2;
	[sflag:s14] =	ssyncset.done $0x0;
	(pc) =	sbr.rel @p1 .LBB2_4-.Ltmp1, $4  }
0x47: {  	s22 =	sadd.s32 $0x13C00, s22;
	[sflag:s14] =	ssyncadd.s32 $0xFFFFC000  }
0x48: {  	[spmem:s1] =	stream.indirect.scatter.add.f32 [tilespmem:s13], [sflag:$0x1], $0x80, s22, s16, $0xb8;
	[tilespmem:$0x1A400] =	vst v63  }
0x49: {  	_ =	swait.ge [sflag:s14], $0x4000  }
0x4a: {  	[sflag:s14] =	ssyncset.done $0x0  }
0x4b: {  	s19 =	sadd.s32 $0x1, s19  }
0x4c: {  	[sflag:s14] =	ssyncadd.s32 $0xFFFFC000;
	p1 =	sne.s32 s19, s11  }
.Ltmp2:
0x4d: {  	s20 =	simm.s32 @!p0 $0x1;
	[bflag:$0x0] =	sbarrier.arrive $0xFFFF;
	(pc) =	sbr.rel @p1 .LBB2_1-.Ltmp2, $4  }
0x4e: {  	[hbm:s10], [sflag:s17] =	dma.local @!p0 [spmem:s18], $0x3E80  }
0x4f: {  	_ =	swait.ge @!p0 [sflag:s20], $0x3E80  }
0x50: {  	[sflag:s20] =	ssyncset.done @!p0 $0x0  }
0x51: {  	[sflag:s20] =	ssyncadd.s32 @!p0 $0xFFFFC180  }
0x52: {  	_ =	sfence.sel $0x180000  }
0x53: {  	[bflag:$0x0] =	sbarrier.arrive $0xFFFF  }
0x54: {  	p0 =	sne.s32 s2, $0x0;
	_ =	strace $0x90000050  }
0x55: {  	s0 =	sadd.s32 @!p0 $0x100000, s0;
	[bflag:$0x2] =	sbarrier.arrive $0xFFFF  }
0x56: {  	[sflag:s0] =	ssyncadd.tile.s32 @!p0 $0x1;
	_ =	shalt  }
.Lfunc_end2:
_tile_overlayer_lowered:
.L_overlay_start_2:
0x57: {  	(tag) =	ssettag $0x2  }
0x58: {  	s0 =	rddreg [dreg:$0x0];
	s2 =	stileid.u32  }
0x59: {  	s1 =	rddreg [dreg:$0x1];
	p0 =	sne.s32 s2, $0x0  }
0x5a: {  	s3 =	rddreg [dreg:$0x2];
	[bflag:$0x3] =	sbarrier.arrive $0xFFFF;
	s2 =	simm.s32 @!p0 $0x1C01  }
0x5b: {  	[timem:s3], [sflag:s2] =	dma.local @!p0 [hbm:s0], s1  }
0x5c: {  	s0 =	simm.s32 @!p0 $0x1  }
0x5d: {  	_ =	swait.ge @!p0 [sflag:s0], s1  }
0x5e: {  	s1 =	ssub.s32 @!p0 $0x0, s1;
	[sflag:s0] =	ssyncset.done @!p0 $0x0  }
0x5f: {  	[sflag:s0] =	ssyncadd.s32 @!p0 s1  }
0x60: {  	[bflag:$0x3] =	sbarrier.arrive $0xFFFF  }
0x61: {  	_ =	shalt  }

// kernel: kernel.28.cloned.1.call-start
scs
__scs_entry_jumppad:
0x0: {  	(pc) =	sbr.rel $0x88, $3  }
0x1: {  	(tag) =	ssettag $0x0;
	lr =	simm.s32 $0x1  }
0x2: {  	[smem:$0x3F8A] =	sst lr;
	_ =	strace $0xD0000000  }
0x3: {  	_ = 	snop  }
0x4: {  	_ = 	snop  }
0x5: {  	_ = 	snop  }
0x6: {  	_ = 	snop  }
0x7: {  	_ = 	snop  }
__scs_overlays_trampoline_lowered:
0x8: {  	[smem:$0x3F99] =	sst s0  }
0x9: {  	[smem:$0x3F9A] =	sst s1  }
0xa: {  	[smem:$0x3F9B] =	sst s2  }
0xb: {  	[smem:$0x3F9C] =	sst s3  }
0xc: {  	[smem:$0x3F9D] =	sst s4  }
0xd: {  	[smem:$0x3F9E] =	sst s5  }
0xe: {  	[smem:$0x3F9F] =	sst s6  }
0xf: {  	[smem:$0x3FA0] =	sst s7  }
0x10: {  	[smem:$0x3FA1] =	sst s8  }
0x11: {  	[smem:$0x3FA2] =	sst s9;
	s0 =	simm.s32 @!p0 $0x0  }
0x12: {  	s1 =	sld [smem:$0x3F88];
	s0 =	simm.s32 @p0 $0x1  }
0x13: {  	[smem:$0x3FA3] =	sst s0;
	s0 =	simm.s32 @!p1 $0x0  }
0x14: {  	s2 =	sld [smem:$0x3F87];
	s0 =	simm.s32 @p1 $0x1  }
0x15: {  	[smem:$0x3FA4] =	sst s0;
	s0 =	simm.s32 @!p2 $0x0  }
0x16: {  	s3 =	sld [smem:$0x3FDB];
	s0 =	simm.s32 @p2 $0x1  }
0x17: {  	s4 =	simm.s32 $0x1BF5;
	[smem:$0x3FA6] =	sst s0  }
0x18: {  	s0 =	sld [smem:$0x3F89];
	_ =	swait.ge [sflag:s4], $0x0  }
0x19: {  	s7 =	sld [smem:$0x3F8A]  }
0x1a: {  	s8 =	sadd.s32 $0xFFFFE003, lr  }
0x1b: {  	s9 =	sadd.s32 $0xFFFFFEF7, lr;
	s5 =	simm.s32 $0xFFFFFFFF;
	p2 =	slt.u32 s8, $0xFFFFF086  }
0x1c: {  	p1 =	slt.u32 s9, $0xF7A;
	s5 =	simm.s32 @!p2 $0x0  }
0x1d: {  	s5 =	simm.s32 @p1 $0x1;
	p0 =	seq.s32 s7, s2  }
0x1e: {  	s7 =	smul.u32 @!p0 $0xF7A, s2;
	p2 =	seq.s32 @!p0 s5, $0x0  }
0x1f: {  	s9 =	smul.u32 $0xF7A, s1;
	s8 =	simm.s32 @!p0 $0x1BF5;
	p2 =	por !p2, p0  }
0x20: {  	[sflag:s8] =	ssyncset.s32 @!p0 $0xFFFFF086;
	s6 =	sadd.s32 @!p0 s3, s7;
	s7 =	simm.s32 @!p0 $0x108  }
0x21: {  	s3 =	sadd.s32 s3, s9;
	s6 =	sadd.s32 @!p0 $0x88, s6;
	s7 =	simm.s32 @p2 $0x1082  }
0x22: {  	[simem:s7], [sflag:s8] =	dma.local @!p0 [hbm:s6], $0xF7A  }
0x23: {  	s9 =	sor.u32 $0xD0000000, s2;
	s6 =	simm.s32 $0x108;
	_ =	swait.ge @!p0 [sflag:s8], $0x0  }
0x24: {  	s3 =	sadd.s32 $0x88, s3;
	s6 =	simm.s32 @!p1 $0x1082;
	[sflag:s4] =	ssyncset.s32 $0xFFFFF086  }
0x25: {  	[simem:s6], [sflag:s4] =	dma.local [hbm:s3], $0xF7A  }
0x26: {  	[smem:$0x3F8A] =	sst s1;
	(tag) =	ssettag s2;
	_ =	strace s9  }
0x27: {  	s1 =	sld [smem:$0x3F9A]  }
0x28: {  	s2 =	sld [smem:$0x3F9B]  }
0x29: {  	s4 =	sld [smem:$0x3F9D]  }
0x2a: {  	p0 =	seq.s32 s5, $0x0;
	s5 =	sld [smem:$0x3F9E]  }
0x2b: {  	s6 =	sld [smem:$0x3F9F]  }
0x2c: {  	s7 =	sld [smem:$0x3FA0]  }
0x2d: {  	s3 =	simm.s32 $0x108;
	s8 =	sld [smem:$0x3FA1]  }
0x2e: {  	s3 =	simm.s32 @!p0 $0x1082;
	s9 =	sld [smem:$0x3FA2]  }
0x2f: {  	lr =	sadd.s32 s0, s3;
	s0 =	sld [smem:$0x3F99]  }
0x30: {  	s3 =	sld [smem:$0x3F9C]  }
0x31: {  	[smem:$0x3FA5] =	sst s10  }
0x32: {  	s10 =	sld [smem:$0x3FA3];
	_ =	sdelay $0x3  }
0x33: {  	p0 =	seq.s32 s10, $0x1;
	s10 =	sld [smem:$0x3FA5];
	_ =	sdelay $0x3  }
0x34: {  	[smem:$0x3FA5] =	sst s10  }
0x35: {  	s10 =	sld [smem:$0x3FA4];
	_ =	sdelay $0x3  }
0x36: {  	p1 =	seq.s32 s10, $0x1;
	s10 =	sld [smem:$0x3FA5];
	_ =	sdelay $0x3  }
0x37: {  	[smem:$0x3FA5] =	sst s10  }
0x38: {  	s10 =	sld [smem:$0x3FA6]  }
0x39: {  	_ = 	snop;
	(pc) =	sbr.ind lr, $3  }
0x3a: {  	_ = 	snop  }
0x3b: {  	_ = 	snop  }
0x3c: {  	p2 =	seq.s32 s10, $0x1;
	s10 =	sld [smem:$0x3FA5]  }
0x3d: {  	_ =	shalt  }
0x3e: {  	_ =	shalt  }
0x3f: {  	_ =	shalt  }
0x40: {  	_ =	shalt  }
0x41: {  	_ =	shalt  }
0x42: {  	_ =	shalt  }
0x43: {  	_ =	shalt  }
0x44: {  	_ =	shalt  }
0x45: {  	_ =	shalt  }
0x46: {  	_ =	shalt  }
0x47: {  	_ =	shalt  }
0x48: {  	_ =	shalt  }
0x49: {  	_ =	shalt  }
0x4a: {  	_ =	shalt  }
0x4b: {  	_ =	shalt  }
0x4c: {  	_ =	shalt  }
0x4d: {  	_ =	shalt  }
0x4e: {  	_ =	shalt  }
0x4f: {  	_ =	shalt  }
0x50: {  	_ =	shalt  }
0x51: {  	_ =	shalt  }
0x52: {  	_ =	shalt  }
0x53: {  	_ =	shalt  }
0x54: {  	_ =	shalt  }
0x55: {  	_ =	shalt  }
0x56: {  	_ =	shalt  }
0x57: {  	_ =	shalt  }
0x58: {  	_ =	shalt  }
0x59: {  	_ =	shalt  }
0x5a: {  	_ =	shalt  }
0x5b: {  	_ =	shalt  }
0x5c: {  	_ =	shalt  }
0x5d: {  	_ =	shalt  }
0x5e: {  	_ =	shalt  }
0x5f: {  	_ =	shalt  }
0x60: {  	_ =	shalt  }
0x61: {  	_ =	shalt  }
0x62: {  	_ =	shalt  }
0x63: {  	_ =	shalt  }
0x64: {  	_ =	shalt  }
0x65: {  	_ =	shalt  }
0x66: {  	_ =	shalt  }
0x67: {  	_ =	shalt  }
0x68: {  	_ =	shalt  }
0x69: {  	_ =	shalt  }
0x6a: {  	_ =	shalt  }
0x6b: {  	_ =	shalt  }
0x6c: {  	_ =	shalt  }
0x6d: {  	_ =	shalt  }
0x6e: {  	_ =	shalt  }
0x6f: {  	_ =	shalt  }
0x70: {  	_ =	shalt  }
0x71: {  	_ =	shalt  }
0x72: {  	_ =	shalt  }
0x73: {  	_ =	shalt  }
0x74: {  	_ =	shalt  }
0x75: {  	_ =	shalt  }
0x76: {  	_ =	shalt  }
0x77: {  	_ =	shalt  }
0x78: {  	_ =	shalt  }
0x79: {  	_ =	shalt  }
0x7a: {  	_ =	shalt  }
0x7b: {  	_ =	shalt  }
0x7c: {  	_ =	shalt  }
0x7d: {  	_ =	shalt  }
0x7e: {  	_ =	shalt  }
0x7f: {  	_ =	shalt  }
0x80: {  	_ =	shalt  }
0x81: {  	_ =	shalt  }
0x82: {  	_ =	shalt  }
0x83: {  	_ =	shalt  }
0x84: {  	_ =	shalt  }
0x85: {  	_ =	shalt  }
0x86: {  	_ =	shalt  }
0x87: {  	_ =	shalt  }
.Lfunc_end0:
.L_simem_size_0:
called_computation.4_lowered:
.L_overlay_start_0:
0x88: {  	s2 =	sld [smem:$0x3FD9]  }
0x89: {  	s3 =	sld [smem:$0x3FFE];
	_ =	sdelay $0x1  }
0x8a: {  	s1 =	srdreg.scid  }
0x8b: {  	s0 =	sand.u32 $0x1, s1  }
0x8c: {  	s16 =	sshll.u32 s0, $0xA;
	s2 =	sadd.s32 s3, s2  }
0x8d: {  	s2 =	sadd.s32 s2, s16  }
0x8e: {  	[smem:$0x3FB1] =	sst s2  }
0x8f: {  	_ = 	snop  }
0x90: {  	(tm) =	ssettm $0x1  }
0x91: {  	s17 =	sld [smem:$0x3FFB];
	_ =	sdelay $0x3  }
0x92: {  	_ =	strace s17  }
0x93: {  	s2 =	sld [smem:$0x3FFC];
	_ =	sdelay $0x3  }
0x94: {  	_ =	strace s2  }
0x95: {  	s2 =	sld [smem:$0x3FFD];
	_ =	sdelay $0x3  }
0x96: {  	_ =	strace s2  }
0x97: {  	_ =	strace $0x8FFFFFFF  }
0x98: {  	s18 =	sld [smem:$0x3FDB];
	_ =	sdelay $0x1  }
0x99: {  	s19 =	simm.s32 $_scs_section_size  }
0x9a: {  	s4 =	simm.s32 $_size__tile_overlayer_lowered;
	s5 =	simm.s32 $_tile_overlayer_lowered  }
0x9b: {  	s22 =	simm.s32 $0x1BFF;
	s21 =	sshll.u32 s5, $0x1;
	s2 =	sadd.s32 s19, s18  }
0x9c: {  	s6 =	simm.s32 $0x0;
	s20 =	sshll.u32 s4, $0x1;
	s4 =	sadd.s32 s21, s2  }
0x9d: {  	[timem:s6], [sflag:s22] =	dma.local [hbm:s4], s20  }
0x9e: {  	_ =	swait.ge [sflag:s22], s20  }
0x9f: {  	s3 =	ssub.s32 $0x0, s20;
	[sflag:s22] =	ssyncset.done $0x0  }
0xa0: {  	[sflag:s22] =	ssyncadd.s32 s3;
	_ =	sdelay $0x1  }
0xa1: {  	s23 =	simm.s32 $0x1B8B  }
0xa2: {  	_ =	swait.ge [sflag:s23], $0x1  }
0xa3: {  	[sflag:s23] =	ssyncset.done $0x0  }
0xa4: {  	s25 =	simm.s32 $0x1B8E;
	s24 =	sld [smem:$0x3FFE];
	[sflag:s23] =	ssyncadd.s32 $0xFFFFFFFF  }
0xa5: {  	s26 =	simm.s32 $execute0_lowered;
	[smem:$0x3FD2] =	sst s25  }
0xa6: {  	s4 =	sshll.u32 s26, $0x1;
	_ =	strace $0x80000052;
	[dreg:$0x1] =	wrdreg $0xFFFFFFFF  }
0xa7: {  	s28 =	simm.s32 $_size_execute0_lowered;
	s2 =	sadd.s32 s2, s4;
	[dreg:$0x0] =	wrdreg $0x0  }
0xa8: {  	s4 =	sshll.u32 s28, $0x1;
	[dreg:$0x2] =	wrdreg s2  }
0xa9: {  	[dreg:$0x3] =	wrdreg s4  }
0xaa: {  	[dreg:$0x4] =	wrdreg $0xC0  }
0xab: {  	_ =	task [dreg:s6], $0x5FFFF  }
0xac: {  	[dreg:$0x1] =	wrdreg $0xFFFFFFFF  }
0xad: {  	[dreg:$0x0] =	wrdreg $0x60  }
0xae: {  	[dreg:$0x2] =	wrdreg s24  }
0xaf: {  	[dreg:$0x3] =	wrdreg $0x9  }
0xb0: {  	_ =	task.clear_ibuf [dreg:s6], $0x4FFFF;
	_ =	strace $0x90000052  }
0xb1: {  	s29 =	simm.s32 $0x9;
	_ =	strace $0x80000054  }
0xb2: {  	_ =	swait.ge [sflag:s29], $0x1  }
0xb3: {  	[sflag:s29] =	ssyncadd.s32 $0xFFFFFFFF  }
0xb4: {  	_ =	strace $0x90000054  }
0xb5: {  	_ =	sfence  }
0xb6: {  	s30 =	sld [smem:$0x0];
	_ =	sdelay $0x2  }
0xb7: {  	s31 =	sshll.u32 s1, $0xD;
	s1 =	sshrl.u32 s1, $0x2  }
0xb8: {  	s3 =	sand.u32 $0x4000, s31;
	s1 =	sadd.s32 s1, s30  }
0xb9: {  	s0 =	sor.u32 s3, s0;
	s1 =	sshll.u32 s1, $0x11  }
0xba: {  	s0 =	sor.u32 s1, s0  }
0xbb: {  	s0 =	sadd.s32 $0x8F2B, s0  }
0xbc: {  	[sflag:s0] =	ssyncadd.remote.s32 $0x1  }
0xbd: {  	_ =	sfence.sel $0xFFFF  }
0xbe: {  	[dreg:$0x0] =	wrdreg $0xFFFFFFFF;
	(pc) =	sbr.abs _section_cstart, $3  }
0xbf: {  	[dreg:$0x1] =	wrdreg $0xFFFFFFFF  }
0xc0: {  	_ =	task.clear_ibuf [dreg:s6], $0x2FFFF;
	_ =	strace $0x9FFFFFFF  }
0xc1: {  	(tm) =	ssettm $0x7FFFFFFF  }
tec
execute0_lowered:
.L_overlay_start_1:
0x0: {  	(tag) =	ssettag $0x1  }
0x1: {  	s5 =	rddreg [dreg:$0x0]  }
0x2: {  	s0 =	rddreg [dreg:$0x1];
	s3 =	srdreg.scid  }
0x3: {  	s1 =	stileid.u32;
	s2 =	simm.s32 $0x0;
	s11 =	simm.s32 $0x2800  }
0x4: {  	s12 =	simm.s32 $0x80;
	s13 =	simm.s32 $0x5000;
	s14 =	simm.s32 $0x9000  }
0x5: {  	s15 =	simm.s32 $0x1;
	s16 =	simm.s32 $0x2;
	s17 =	simm.s32 $0x0  }
0x6: {  	s3 =	sand.u32 $0x1, s3;
	s4 =	sshll.u32 s1, $0x1;
	[smem:$0x7FF] =	sst s2  }
0x7: {  	s6 =	sor.u32 s3, s4;
	_ =	strace $0x80000053;
	s8 =	ssub.s32 $0x2, s3  }
0x8: {  	s3 =	sadd.s32 $0x20600, s5;
	s7 =	smul.u32 $0x500, s6;
	s9 =	sshrl.u32 s8, $0x1  }
0x9: {  	s4 =	sadd.s32 $0x47800, s5;
	s6 =	smul.u32 $0x2780, s6;
	s9 =	ssub.s32 s8, s9  }
0xa: {  	s10 =	sadd.s32 s7, s5;
	s5 =	sadd.s32 $0x95C00, s5;
	s9 =	smax.u32 s9, $0x1  }
0xb: {  	s7 =	sadd.s32 $0x16600, s10;
	s8 =	sadd.s32 $0xC600, s10;
	s10 =	simm.s32 $0x3  }
.LBB2_1:
0xc: {  	[tilespmem:s2], [sflag:$0x3] =	stream.linear.gather [hbm4b:s7+s2], $0x2800, $0x38;
	[tilespmem:$0xD000] =	vst v63  }
0xd: {  	_ =	swait.ge [sflag:s10], $0x2800  }
0xe: {  	[sflag:s10] =	ssyncset.done $0x0  }
0xf: {  	[sflag:s10] =	ssyncadd.s32 $0xFFFFD800  }
0x10: {  	[tilespmem:s11], [sflag:$0x3] =	stream.linear.gather [hbm4b:s8+s2], $0x2800, $0x38;
	[tilespmem:$0xD000] =	vst v63  }
0x11: {  	_ =	swait.ge [sflag:s10], $0x2800  }
0x12: {  	[sflag:s10] =	ssyncset.done $0x0  }
0x13: {  	s18 =	simm.s32 $0x0;
	[sflag:s10] =	ssyncadd.s32 $0xFFFFD800  }
.LBB2_2:
0x14: {  	s19 =	sshll.u32 s18, $0x7  }
0x15: {  	[tilespmem:s13], [sflag:$0x1] =	stream.indirect.gather [hbm4b:s3+s12], $0x80, s19, s12, $0xb8;
	[tilespmem:$0xD000] =	vst v63  }
0x16: {  	s20 =	sadd.s32 $0x2800, s19  }
0x17: {  	[tilespmem:s14], [sflag:$0x2] =	stream.indirect.gather [hbm4b:s4+s12], $0x80, s20, s12, $0xb8;
	[tilespmem:$0xD000] =	vst v63  }
0x18: {  	_ =	swait.ge [sflag:s15], $0x4000  }
0x19: {  	[sflag:s15] =	ssyncset.done $0x0  }
0x1a: {  	[sflag:s15] =	ssyncadd.s32 $0xFFFFC000  }
0x1b: {  	_ =	swait.ge [sflag:s16], $0x4000  }
0x1c: {  	[sflag:s16] =	ssyncset.done $0x0  }
0x1d: {  	s20 =	simm.s32 $0x0;
	[sflag:s16] =	ssyncadd.s32 $0xFFFFC000  }
0x1e: {  	v7 =	vld [tilespmem:s20+$0x9000]  }
0x1f: {  	v11 =	vld [tilespmem:s20+$0x9010]  }
0x20: {  	v5 =	vld [tilespmem:s20+$0x9020]  }
0x21: {  	v4 =	vld [tilespmem:s20+$0x9030]  }
0x22: {  	v3 =	vld [tilespmem:s20+$0x9040]  }
0x23: {  	v2 =	vld [tilespmem:s20+$0x9050]  }
0x24: {  	v1 =	vld [tilespmem:s20+$0x9060]  }
0x25: {  	v0 =	vld [tilespmem:s20+$0x9070]  }
0x26: {  	v12 =	vld [tilespmem:s20+$0x5000]  }
0x27: {  	v13 =	vld [tilespmem:s20+$0x5010]  }
0x28: {  	v10 =	vld [tilespmem:s20+$0x5020]  }
0x29: {  	v9 =	vld [tilespmem:s20+$0x5030]  }
0x2a: {  	v8 =	vld [tilespmem:s20+$0x5040]  }
0x2b: {  	v6 =	vld [tilespmem:s20+$0x5050];
	v12 =	vadd.f32 v7, v12  }
0x2c: {  	s21 =	simm.s32 $0x200;
	v11 =	vadd.f32 v11, v13;
	v7 =	vld [tilespmem:s20+$0x5060]  }
.LBB2_3:
0x2d: {  	s22 =	sshra.s32 s21, $0x2;
	p0 =	sne.s32 s21, $0xFE00;
	[tilespmem:s20+$0x5000] =	vst v12;
	v5 =	vadd.f32 v5, v10;
	v10 =	vld [tilespmem:s20+$0x5070]  }
0x2e: {  	v12 =	vld [tilespmem:s22+$0x9000];
	[tilespmem:s20+$0x5010] =	vst v11;
	v4 =	vadd.f32 v4, v9  }
0x2f: {  	v11 =	vld [tilespmem:s22+$0x9010];
	[tilespmem:s20+$0x5020] =	vst v5;
	v3 =	vadd.f32 v3, v8  }
0x30: {  	v5 =	vld [tilespmem:s22+$0x9020];
	[tilespmem:s20+$0x5030] =	vst v4;
	v2 =	vadd.f32 v2, v6  }
0x31: {  	v4 =	vld [tilespmem:s22+$0x9030];
	[tilespmem:s20+$0x5040] =	vst v3;
	v1 =	vadd.f32 v1, v7  }
0x32: {  	v3 =	vld [tilespmem:s22+$0x9040];
	[tilespmem:s20+$0x5050] =	vst v2;
	v0 =	vadd.f32 v0, v10  }
0x33: {  	v2 =	vld [tilespmem:s22+$0x9050];
	[tilespmem:s20+$0x5060] =	vst v1  }
0x34: {  	v1 =	vld [tilespmem:s22+$0x9060];
	[tilespmem:s20+$0x5070] =	vst v0;
	s20 =	smov.u32 s22  }
0x35: {  	v0 =	vld [tilespmem:s20+$0x9070]  }
0x36: {  	v6 =	vld [tilespmem:s20+$0x5000]  }
0x37: {  	v7 =	vld [tilespmem:s20+$0x5010]  }
.Ltmp0:
0x38: {  	v10 =	vld [tilespmem:s20+$0x5020];
	(pc) =	sbr.rel @p0 .LBB2_3-.Ltmp0, $4  }
0x39: {  	v9 =	vld [tilespmem:s20+$0x5030]  }
0x3a: {  	v8 =	vld [tilespmem:s20+$0x5040]  }
0x3b: {  	v12 =	vadd.f32 v12, v6;
	v6 =	vld [tilespmem:s20+$0x5050]  }
0x3c: {  	s21 =	sadd.s32 $0x200, s21;
	v11 =	vadd.f32 v11, v7;
	v7 =	vld [tilespmem:s20+$0x5060]  }
0x3d: {  	[tilespmem:s20+$0x5000] =	vst v12;
	v5 =	vadd.f32 v5, v10;
	v63 =	vld [tilespmem:s20+$0x5070]  }
0x3e: {  	[tilespmem:s20+$0x5010] =	vst v11;
	v4 =	vadd.f32 v4, v9  }
0x3f: {  	[tilespmem:s20+$0x5020] =	vst v5;
	v3 =	vadd.f32 v3, v8  }
0x40: {  	[tilespmem:s20+$0x5030] =	vst v4;
	v2 =	vadd.f32 v2, v6  }
0x41: {  	[tilespmem:s20+$0x5040] =	vst v3;
	v1 =	vadd.f32 v1, v7  }
0x42: {  	s19 =	sadd.s32 s6, s19;
	s18 =	sadd.s32 $0x1, s18;
	[tilespmem:s20+$0x5050] =	vst v2;
	v0 =	vadd.f32 v0, v63  }
0x43: {  	s19 =	sshll.u32 s19, $0x4;
	p0 =	sne.s32 s18, $0x4F;
	[tilespmem:s20+$0x5060] =	vst v1  }
.Ltmp1:
0x44: {  	s19 =	sadd.s32 s5, s19;
	[tilespmem:s20+$0x5070] =	vst v0;
	(pc) =	sbr.rel @p0 .LBB2_2-.Ltmp1, $4  }
0x45: {  	[hbm4b:s19+s2] =	stream.linear.scatter [tilespmem:s13], [sflag:$0x3], $0x4000, $0x38;
	[tilespmem:$0xD000] =	vst v63  }
0x46: {  	_ =	swait.ge [sflag:s10], $0x4000  }
0x47: {  	[sflag:s10] =	ssyncset.done $0x0  }
0x48: {  	[sflag:s10] =	ssyncadd.s32 $0xFFFFC000  }
0x49: {  	s17 =	sadd.s32 $0x1, s17  }
0x4a: {  	p0 =	sne.s32 s17, s9  }
.Ltmp2:
0x4b: {  	_ = 	snop;
	(pc) =	sbr.rel @p0 .LBB2_1-.Ltmp2, $1  }
0x4c: {  	_ =	sdelay $0x3  }
0x4d: {  	_ =	sfence.sel $0x180000  }
0x4e: {  	[bflag:$0x0] =	sbarrier.arrive $0xFFFF  }
0x4f: {  	p0 =	sne.s32 s1, $0x0;
	_ =	strace $0x90000053  }
0x50: {  	s0 =	sadd.s32 @!p0 $0x100000, s0;
	[bflag:$0x2] =	sbarrier.arrive $0xFFFF  }
0x51: {  	[sflag:s0] =	ssyncadd.tile.s32 @!p0 $0x1;
	_ =	shalt  }
.Lfunc_end2:
_tile_overlayer_lowered:
.L_overlay_start_2:
0x52: {  	(tag) =	ssettag $0x2  }
0x53: {  	s0 =	rddreg [dreg:$0x0];
	s2 =	stileid.u32  }
0x54: {  	s1 =	rddreg [dreg:$0x1];
	p0 =	sne.s32 s2, $0x0  }
0x55: {  	s3 =	rddreg [dreg:$0x2];
	[bflag:$0x3] =	sbarrier.arrive $0xFFFF;
	s2 =	simm.s32 @!p0 $0x1C03  }
0x56: {  	[timem:s3], [sflag:s2] =	dma.local @!p0 [hbm:s0], s1  }
0x57: {  	s0 =	simm.s32 @!p0 $0x3  }
0x58: {  	_ =	swait.ge @!p0 [sflag:s0], s1  }
0x59: {  	s1 =	ssub.s32 @!p0 $0x0, s1;
	[sflag:s0] =	ssyncset.done @!p0 $0x0  }
0x5a: {  	[sflag:s0] =	ssyncadd.s32 @!p0 s1  }
0x5b: {  	[bflag:$0x3] =	sbarrier.arrive $0xFFFF  }
0x5c: {  	_ =	shalt  }

// kernel: kernel.31.cloned.1.call-start
scs
__scs_entry_jumppad:
0x0: {  	(pc) =	sbr.rel $0x88, $3  }
0x1: {  	(tag) =	ssettag $0x0;
	lr =	simm.s32 $0x1  }
0x2: {  	[smem:$0x3F8A] =	sst lr;
	_ =	strace $0xD0000000  }
0x3: {  	_ = 	snop  }
0x4: {  	_ = 	snop  }
0x5: {  	_ = 	snop  }
0x6: {  	_ = 	snop  }
0x7: {  	_ = 	snop  }
__scs_overlays_trampoline_lowered:
0x8: {  	[smem:$0x3F99] =	sst s0  }
0x9: {  	[smem:$0x3F9A] =	sst s1  }
0xa: {  	[smem:$0x3F9B] =	sst s2  }
0xb: {  	[smem:$0x3F9C] =	sst s3  }
0xc: {  	[smem:$0x3F9D] =	sst s4  }
0xd: {  	[smem:$0x3F9E] =	sst s5  }
0xe: {  	[smem:$0x3F9F] =	sst s6  }
0xf: {  	[smem:$0x3FA0] =	sst s7  }
0x10: {  	[smem:$0x3FA1] =	sst s8  }
0x11: {  	[smem:$0x3FA2] =	sst s9;
	s0 =	simm.s32 @!p0 $0x0  }
0x12: {  	s1 =	sld [smem:$0x3F88];
	s0 =	simm.s32 @p0 $0x1  }
0x13: {  	[smem:$0x3FA3] =	sst s0;
	s0 =	simm.s32 @!p1 $0x0  }
0x14: {  	s2 =	sld [smem:$0x3F87];
	s0 =	simm.s32 @p1 $0x1  }
0x15: {  	[smem:$0x3FA4] =	sst s0;
	s0 =	simm.s32 @!p2 $0x0  }
0x16: {  	s3 =	sld [smem:$0x3FDB];
	s0 =	simm.s32 @p2 $0x1  }
0x17: {  	s4 =	simm.s32 $0x1BF5;
	[smem:$0x3FA6] =	sst s0  }
0x18: {  	s0 =	sld [smem:$0x3F89];
	_ =	swait.ge [sflag:s4], $0x0  }
0x19: {  	s7 =	sld [smem:$0x3F8A]  }
0x1a: {  	s8 =	sadd.s32 $0xFFFFE003, lr  }
0x1b: {  	s9 =	sadd.s32 $0xFFFFFEF7, lr;
	s5 =	simm.s32 $0xFFFFFFFF;
	p2 =	slt.u32 s8, $0xFFFFF086  }
0x1c: {  	p1 =	slt.u32 s9, $0xF7A;
	s5 =	simm.s32 @!p2 $0x0  }
0x1d: {  	s5 =	simm.s32 @p1 $0x1;
	p0 =	seq.s32 s7, s2  }
0x1e: {  	s7 =	smul.u32 @!p0 $0xF7A, s2;
	p2 =	seq.s32 @!p0 s5, $0x0  }
0x1f: {  	s9 =	smul.u32 $0xF7A, s1;
	s8 =	simm.s32 @!p0 $0x1BF5;
	p2 =	por !p2, p0  }
0x20: {  	[sflag:s8] =	ssyncset.s32 @!p0 $0xFFFFF086;
	s6 =	sadd.s32 @!p0 s3, s7;
	s7 =	simm.s32 @!p0 $0x108  }
0x21: {  	s3 =	sadd.s32 s3, s9;
	s6 =	sadd.s32 @!p0 $0x88, s6;
	s7 =	simm.s32 @p2 $0x1082  }
0x22: {  	[simem:s7], [sflag:s8] =	dma.local @!p0 [hbm:s6], $0xF7A  }
0x23: {  	s9 =	sor.u32 $0xD0000000, s2;
	s6 =	simm.s32 $0x108;
	_ =	swait.ge @!p0 [sflag:s8], $0x0  }
0x24: {  	s3 =	sadd.s32 $0x88, s3;
	s6 =	simm.s32 @!p1 $0x1082;
	[sflag:s4] =	ssyncset.s32 $0xFFFFF086  }
0x25: {  	[simem:s6], [sflag:s4] =	dma.local [hbm:s3], $0xF7A  }
0x26: {  	[smem:$0x3F8A] =	sst s1;
	(tag) =	ssettag s2;
	_ =	strace s9  }
0x27: {  	s1 =	sld [smem:$0x3F9A]  }
0x28: {  	s2 =	sld [smem:$0x3F9B]  }
0x29: {  	s4 =	sld [smem:$0x3F9D]  }
0x2a: {  	p0 =	seq.s32 s5, $0x0;
	s5 =	sld [smem:$0x3F9E]  }
0x2b: {  	s6 =	sld [smem:$0x3F9F]  }
0x2c: {  	s7 =	sld [smem:$0x3FA0]  }
0x2d: {  	s3 =	simm.s32 $0x108;
	s8 =	sld [smem:$0x3FA1]  }
0x2e: {  	s3 =	simm.s32 @!p0 $0x1082;
	s9 =	sld [smem:$0x3FA2]  }
0x2f: {  	lr =	sadd.s32 s0, s3;
	s0 =	sld [smem:$0x3F99]  }
0x30: {  	s3 =	sld [smem:$0x3F9C]  }
0x31: {  	[smem:$0x3FA5] =	sst s10  }
0x32: {  	s10 =	sld [smem:$0x3FA3];
	_ =	sdelay $0x3  }
0x33: {  	p0 =	seq.s32 s10, $0x1;
	s10 =	sld [smem:$0x3FA5];
	_ =	sdelay $0x3  }
0x34: {  	[smem:$0x3FA5] =	sst s10  }
0x35: {  	s10 =	sld [smem:$0x3FA4];
	_ =	sdelay $0x3  }
0x36: {  	p1 =	seq.s32 s10, $0x1;
	s10 =	sld [smem:$0x3FA5];
	_ =	sdelay $0x3  }
0x37: {  	[smem:$0x3FA5] =	sst s10  }
0x38: {  	s10 =	sld [smem:$0x3FA6]  }
0x39: {  	_ = 	snop;
	(pc) =	sbr.ind lr, $3  }
0x3a: {  	_ = 	snop  }
0x3b: {  	_ = 	snop  }
0x3c: {  	p2 =	seq.s32 s10, $0x1;
	s10 =	sld [smem:$0x3FA5]  }
0x3d: {  	_ =	shalt  }
0x3e: {  	_ =	shalt  }
0x3f: {  	_ =	shalt  }
0x40: {  	_ =	shalt  }
0x41: {  	_ =	shalt  }
0x42: {  	_ =	shalt  }
0x43: {  	_ =	shalt  }
0x44: {  	_ =	shalt  }
0x45: {  	_ =	shalt  }
0x46: {  	_ =	shalt  }
0x47: {  	_ =	shalt  }
0x48: {  	_ =	shalt  }
0x49: {  	_ =	shalt  }
0x4a: {  	_ =	shalt  }
0x4b: {  	_ =	shalt  }
0x4c: {  	_ =	shalt  }
0x4d: {  	_ =	shalt  }
0x4e: {  	_ =	shalt  }
0x4f: {  	_ =	shalt  }
0x50: {  	_ =	shalt  }
0x51: {  	_ =	shalt  }
0x52: {  	_ =	shalt  }
0x53: {  	_ =	shalt  }
0x54: {  	_ =	shalt  }
0x55: {  	_ =	shalt  }
0x56: {  	_ =	shalt  }
0x57: {  	_ =	shalt  }
0x58: {  	_ =	shalt  }
0x59: {  	_ =	shalt  }
0x5a: {  	_ =	shalt  }
0x5b: {  	_ =	shalt  }
0x5c: {  	_ =	shalt  }
0x5d: {  	_ =	shalt  }
0x5e: {  	_ =	shalt  }
0x5f: {  	_ =	shalt  }
0x60: {  	_ =	shalt  }
0x61: {  	_ =	shalt  }
0x62: {  	_ =	shalt  }
0x63: {  	_ =	shalt  }
0x64: {  	_ =	shalt  }
0x65: {  	_ =	shalt  }
0x66: {  	_ =	shalt  }
0x67: {  	_ =	shalt  }
0x68: {  	_ =	shalt  }
0x69: {  	_ =	shalt  }
0x6a: {  	_ =	shalt  }
0x6b: {  	_ =	shalt  }
0x6c: {  	_ =	shalt  }
0x6d: {  	_ =	shalt  }
0x6e: {  	_ =	shalt  }
0x6f: {  	_ =	shalt  }
0x70: {  	_ =	shalt  }
0x71: {  	_ =	shalt  }
0x72: {  	_ =	shalt  }
0x73: {  	_ =	shalt  }
0x74: {  	_ =	shalt  }
0x75: {  	_ =	shalt  }
0x76: {  	_ =	shalt  }
0x77: {  	_ =	shalt  }
0x78: {  	_ =	shalt  }
0x79: {  	_ =	shalt  }
0x7a: {  	_ =	shalt  }
0x7b: {  	_ =	shalt  }
0x7c: {  	_ =	shalt  }
0x7d: {  	_ =	shalt  }
0x7e: {  	_ =	shalt  }
0x7f: {  	_ =	shalt  }
0x80: {  	_ =	shalt  }
0x81: {  	_ =	shalt  }
0x82: {  	_ =	shalt  }
0x83: {  	_ =	shalt  }
0x84: {  	_ =	shalt  }
0x85: {  	_ =	shalt  }
0x86: {  	_ =	shalt  }
0x87: {  	_ =	shalt  }
.Lfunc_end0:
.L_simem_size_0:
called_computation.5_lowered:
.L_overlay_start_0:
0x88: {  	s2 =	sld [smem:$0x3FD9]  }
0x89: {  	s3 =	sld [smem:$0x3FFE];
	_ =	sdelay $0x1  }
0x8a: {  	s1 =	srdreg.scid  }
0x8b: {  	s0 =	sand.u32 $0x1, s1  }
0x8c: {  	s16 =	sshll.u32 s0, $0xA;
	s2 =	sadd.s32 s3, s2  }
0x8d: {  	s2 =	sadd.s32 s2, s16  }
0x8e: {  	[smem:$0x3FB1] =	sst s2  }
0x8f: {  	_ = 	snop  }
0x90: {  	(tm) =	ssettm $0x1  }
0x91: {  	s17 =	sld [smem:$0x3FFB];
	_ =	sdelay $0x3  }
0x92: {  	_ =	strace s17  }
0x93: {  	s2 =	sld [smem:$0x3FFC];
	_ =	sdelay $0x3  }
0x94: {  	_ =	strace s2  }
0x95: {  	s2 =	sld [smem:$0x3FFD];
	_ =	sdelay $0x3  }
0x96: {  	_ =	strace s2  }
0x97: {  	_ =	strace $0x8FFFFFFF  }
0x98: {  	s18 =	sld [smem:$0x3FDB];
	_ =	sdelay $0x1  }
0x99: {  	s19 =	simm.s32 $_scs_section_size  }
0x9a: {  	s4 =	simm.s32 $_size__tile_overlayer_lowered;
	s5 =	simm.s32 $_tile_overlayer_lowered  }
0x9b: {  	s22 =	simm.s32 $0x1BFF;
	s21 =	sshll.u32 s5, $0x1;
	s2 =	sadd.s32 s19, s18  }
0x9c: {  	s6 =	simm.s32 $0x0;
	s20 =	sshll.u32 s4, $0x1;
	s4 =	sadd.s32 s21, s2  }
0x9d: {  	[timem:s6], [sflag:s22] =	dma.local [hbm:s4], s20  }
0x9e: {  	_ =	swait.ge [sflag:s22], s20  }
0x9f: {  	s3 =	ssub.s32 $0x0, s20;
	[sflag:s22] =	ssyncset.done $0x0  }
0xa0: {  	[sflag:s22] =	ssyncadd.s32 s3;
	_ =	sdelay $0x1  }
0xa1: {  	s23 =	simm.s32 $0x1B8B  }
0xa2: {  	_ =	swait.ge [sflag:s23], $0x1  }
0xa3: {  	[sflag:s23] =	ssyncset.done $0x0  }
0xa4: {  	s25 =	simm.s32 $0x1B8E;
	s24 =	sld [smem:$0x3FFE];
	[sflag:s23] =	ssyncadd.s32 $0xFFFFFFFF  }
0xa5: {  	s26 =	simm.s32 $execute0_lowered;
	[smem:$0x3FD2] =	sst s25  }
0xa6: {  	s4 =	sshll.u32 s26, $0x1;
	_ =	strace $0x80000055;
	[dreg:$0x1] =	wrdreg $0xFFFFFFFF  }
0xa7: {  	s28 =	simm.s32 $_size_execute0_lowered;
	s2 =	sadd.s32 s2, s4;
	[dreg:$0x0] =	wrdreg $0x0  }
0xa8: {  	s4 =	sshll.u32 s28, $0x1;
	[dreg:$0x2] =	wrdreg s2  }
0xa9: {  	[dreg:$0x3] =	wrdreg s4  }
0xaa: {  	[dreg:$0x4] =	wrdreg $0xC0  }
0xab: {  	_ =	task [dreg:s6], $0x5FFFF  }
0xac: {  	[dreg:$0x1] =	wrdreg $0xFFFFFFFF  }
0xad: {  	[dreg:$0x0] =	wrdreg $0x60  }
0xae: {  	[dreg:$0x2] =	wrdreg s24  }
0xaf: {  	[dreg:$0x3] =	wrdreg $0x0  }
0xb0: {  	[dreg:$0x4] =	wrdreg $0x9  }
0xb1: {  	_ =	task.clear_ibuf [dreg:s6], $0x5FFFF;
	_ =	strace $0x90000055  }
0xb2: {  	s29 =	simm.s32 $0x9;
	_ =	strace $0x80000057  }
0xb3: {  	_ =	swait.ge [sflag:s29], $0x1  }
0xb4: {  	[sflag:s29] =	ssyncadd.s32 $0xFFFFFFFF  }
0xb5: {  	_ =	strace $0x90000057  }
0xb6: {  	_ =	sfence  }
0xb7: {  	s30 =	sld [smem:$0x0];
	_ =	sdelay $0x2  }
0xb8: {  	s31 =	sshll.u32 s1, $0xD;
	s1 =	sshrl.u32 s1, $0x2  }
0xb9: {  	s3 =	sand.u32 $0x4000, s31;
	s1 =	sadd.s32 s1, s30  }
0xba: {  	s0 =	sor.u32 s3, s0;
	s1 =	sshll.u32 s1, $0x11  }
0xbb: {  	s0 =	sor.u32 s1, s0  }
0xbc: {  	s0 =	sadd.s32 $0x8F2B, s0  }
0xbd: {  	[sflag:s0] =	ssyncadd.remote.s32 $0x1  }
0xbe: {  	_ =	sfence.sel $0xFFFF  }
0xbf: {  	[dreg:$0x0] =	wrdreg $0xFFFFFFFF;
	(pc) =	sbr.abs _section_cstart, $3  }
0xc0: {  	[dreg:$0x1] =	wrdreg $0xFFFFFFFF  }
0xc1: {  	_ =	task.clear_ibuf [dreg:s6], $0x2FFFF;
	_ =	strace $0x9FFFFFFF  }
0xc2: {  	(tm) =	ssettm $0x7FFFFFFF  }
0xc3: {  	_ =	shalt  }
tec
execute0_lowered:
.L_overlay_start_1:
0x0: {  	(tag) =	ssettag $0x1  }
0x1: {  	s4 =	rddreg [dreg:$0x0]  }
0x2: {  	s0 =	srdreg.scid;
	s2 =	stileid.u32  }
0x3: {  	s1 =	rddreg [dreg:$0x1];
	s3 =	simm.s32 $0x0;
	s9 =	smul.u32 $0x1F400, s2  }
0x4: {  	s15 =	simm.s32 $0x13C00;
	s16 =	simm.s32 $0x80;
	s28 =	smul.u32 $0x4F000, s2  }
0x5: {  	s5 =	sand.u32 $0x1, s0;
	s0 =	rddreg [dreg:$0x2];
	s13 =	smul.u32 $0x7D000, s2  }
0x6: {  	s19 =	simm.s32 $0x0;
	[smem:$0x7FF] =	sst s3;
	s14 =	smul.u32 $0x27800, s2  }
0x7: {  	p0 =	sgt.u32 s2, $0x9;
	s6 =	smul.u32 $0x278000, s5;
	s7 =	sshll.u32 s5, $0x4  }
0x8: {  	s8 =	smul.u32 $0x138800, s5;
	_ =	strace $0x80000056;
	s5 =	ssub.s32 $0x2, s5  }
0x9: {  	s17 =	sshll.u32 @!p0 s2, $0x6;
	s7 =	sor.u32 s2, s7;
	s30 =	sshrl.u32 s5, $0x1  }
0xa: {  	s31 =	sshrl.u32 s28, $0x2;
	s13 =	sshrl.u32 s13, $0x2;
	s17 =	sor.u32 @!p0 $0x1C01, s17  }
0xb: {  	s7 =	smul.u32 $0x500, s7;
	s11 =	sadd.s32 s6, s4;
	s26 =	sadd.s32 s9, s8  }
0xc: {  	s12 =	ssub.s32 s5, s30;
	s18 =	sadd.s32 s13, s1;
	s13 =	simm.s32 $0x16400  }
0xd: {  	s6 =	sshrl.u32 s26, $0x3;
	s14 =	sadd.s32 s14, s11;
	s11 =	smax.u32 s12, $0x1  }
0xe: {  	s18 =	sshrl.u32 @!p0 s18, $0x3;
	s29 =	sadd.s32 s7, s4;
	s10 =	sadd.s32 s6, s4  }
0xf: {  	s4 =	sadd.s32 s31, s1;
	s12 =	sadd.s32 $0xF58C00, s14;
	s14 =	simm.s32 $0x1  }
0x10: {  	s5 =	sadd.s32 $0x4000, s4;
	s6 =	sadd.s32 $0x8000, s4;
	s7 =	sadd.s32 $0xC000, s4  }
0x11: {  	v0 =	vimm.f32 $0.0e+00;
	s8 =	sadd.s32 $0x10000, s4;
	s9 =	sadd.s32 $0xC600, s29;
	s10 =	sadd.s32 $0x16600, s10  }
.LBB2_1:
0x12: {  	s20 =	simm.s32 $0x0;
	s21 =	simm.s32 $0x200  }
.LBB2_2:
0x13: {  	p1 =	sne.s32 s21, $0xFE00;
	[tilespmem:s20+$0x16470] =	vst v0  }
0x14: {  	[tilespmem:s20+$0x16400] =	vst v0  }
0x15: {  	[tilespmem:s20+$0x16410] =	vst v0  }
.Ltmp0:
0x16: {  	[tilespmem:s20+$0x16420] =	vst v0;
	(pc) =	sbr.rel @p1 .LBB2_2-.Ltmp0, $4  }
0x17: {  	[tilespmem:s20+$0x16430] =	vst v0  }
0x18: {  	[tilespmem:s20+$0x16440] =	vst v0  }
0x19: {  	[tilespmem:s20+$0x16450] =	vst v0  }
0x1a: {  	[tilespmem:s20+$0x16460] =	vst v0;
	s20 =	sshra.s32 s21, $0x2;
	s21 =	sadd.s32 $0x200, s21  }
0x1b: {  	[tilespmem:s20+$0x16470] =	vst v0  }
0x1c: {  	[tilespmem:s20+$0x16400] =	vst v0  }
0x1d: {  	[tilespmem:s20+$0x16410] =	vst v0  }
0x1e: {  	[tilespmem:s20+$0x16420] =	vst v0  }
0x1f: {  	[tilespmem:s20+$0x16430] =	vst v0  }
0x20: {  	[tilespmem:s20+$0x16440] =	vst v0  }
0x21: {  	[tilespmem:s20+$0x16450] =	vst v0  }
0x22: {  	[tilespmem:s20+$0x16460] =	vst v0  }
0x23: {  	[spmem:s4] =	stream.linear.scatter [tilespmem:s13], [sflag:$0x1], $0x4000, $0x38;
	[tilespmem:$0x1A400] =	vst v63  }
0x24: {  	_ =	swait.ge [sflag:s14], $0x4000  }
0x25: {  	[sflag:s14] =	ssyncset.done $0x0  }
0x26: {  	[sflag:s14] =	ssyncadd.s32 $0xFFFFC000  }
0x27: {  	[spmem:s5] =	stream.linear.scatter [tilespmem:s13], [sflag:$0x1], $0x4000, $0x38;
	[tilespmem:$0x1A400] =	vst v63  }
0x28: {  	_ =	swait.ge [sflag:s14], $0x4000  }
0x29: {  	[sflag:s14] =	ssyncset.done $0x0  }
0x2a: {  	[sflag:s14] =	ssyncadd.s32 $0xFFFFC000  }
0x2b: {  	[spmem:s6] =	stream.linear.scatter [tilespmem:s13], [sflag:$0x1], $0x4000, $0x38;
	[tilespmem:$0x1A400] =	vst v63  }
0x2c: {  	_ =	swait.ge [sflag:s14], $0x4000  }
0x2d: {  	[sflag:s14] =	ssyncset.done $0x0  }
0x2e: {  	[sflag:s14] =	ssyncadd.s32 $0xFFFFC000  }
0x2f: {  	[spmem:s7] =	stream.linear.scatter [tilespmem:s13], [sflag:$0x1], $0x4000, $0x38;
	[tilespmem:$0x1A400] =	vst v63  }
0x30: {  	_ =	swait.ge [sflag:s14], $0x4000  }
0x31: {  	[sflag:s14] =	ssyncset.done $0x0  }
0x32: {  	[sflag:s14] =	ssyncadd.s32 $0xFFFFC000  }
0x33: {  	[spmem:s8] =	stream.linear.scatter [tilespmem:s13], [sflag:$0x1], $0x3C00, $0x38;
	[tilespmem:$0x1A400] =	vst v63  }
0x34: {  	_ =	swait.ge [sflag:s14], $0x3C00  }
0x35: {  	[sflag:s14] =	ssyncset.done $0x0  }
0x36: {  	[sflag:s14] =	ssyncadd.s32 $0xFFFFC400  }
0x37: {  	s30 =	simm.s32 $0x0;
	[bflag:$0x0] =	sbarrier.arrive $0xFFFF  }
0x38: {  	[tilespmem:s15], [sflag:$0x1] =	stream.linear.gather [hbm4b:s9+s30], $0x2800, $0x38;
	[tilespmem:$0x1A400] =	vst v63  }
0x39: {  	_ =	swait.ge [sflag:s14], $0x2800  }
0x3a: {  	[sflag:s14] =	ssyncset.done $0x0  }
0x3b: {  	[sflag:s14] =	ssyncadd.s32 $0xFFFFD800  }
0x3c: {  	[tilespmem:s13], [sflag:$0x1] =	stream.linear.gather [hbm4b:s12+s3], $0x4000, $0x38;
	[tilespmem:$0x1A400] =	vst v63  }
0x3d: {  	_ =	swait.ge [sflag:s14], $0x4000  }
0x3e: {  	[sflag:s14] =	ssyncset.done $0x0  }
0x3f: {  	s31 =	simm.s32 $0x13C00;
	[sflag:s14] =	ssyncadd.s32 $0xFFFFC000  }
0x40: {  	[spmem:s1] =	stream.indirect.scatter.add.f32 [tilespmem:s13], [sflag:$0x1], $0x80, s31, s16, $0xb8;
	[tilespmem:$0x1A400] =	vst v63  }
0x41: {  	_ =	swait.ge [sflag:s14], $0x4000  }
0x42: {  	s20 =	simm.s32 $0x200;
	s21 =	smov.u32 s12;
	[sflag:s14] =	ssyncset.done $0x0  }
.LBB2_4:
0x43: {  	p1 =	sne.s32 s20, $0x9C00;
	[sflag:s14] =	ssyncadd.s32 $0xFFFFC000;
	s21 =	sadd.s32 $0x800, s21  }
0x44: {  	[tilespmem:s13], [sflag:$0x1] =	stream.linear.gather [hbm4b:s21+s3], $0x4000, $0x38;
	[tilespmem:$0x1A400] =	vst v63  }
0x45: {  	s22 =	smov.u32 s20;
	s20 =	sadd.s32 $0x200, s20;
	_ =	swait.ge [sflag:s14], $0x4000  }
.Ltmp1:
0x46: {  	s22 =	sshra.s32 s22, $0x2;
	[sflag:s14] =	ssyncset.done $0x0;
	(pc) =	sbr.rel @p1 .LBB2_4-.Ltmp1, $4  }
0x47: {  	s22 =	sadd.s32 $0x13C00, s22;
	[sflag:s14] =	ssyncadd.s32 $0xFFFFC000  }
0x48: {  	[spmem:s1] =	stream.indirect.scatter.add.f32 [tilespmem:s13], [sflag:$0x1], $0x80, s22, s16, $0xb8;
	[tilespmem:$0x1A400] =	vst v63  }
0x49: {  	_ =	swait.ge [sflag:s14], $0x4000  }
0x4a: {  	[sflag:s14] =	ssyncset.done $0x0  }
0x4b: {  	s19 =	sadd.s32 $0x1, s19  }
0x4c: {  	[sflag:s14] =	ssyncadd.s32 $0xFFFFC000;
	p1 =	sne.s32 s19, s11  }
.Ltmp2:
0x4d: {  	s20 =	simm.s32 @!p0 $0x1;
	[bflag:$0x0] =	sbarrier.arrive $0xFFFF;
	(pc) =	sbr.rel @p1 .LBB2_1-.Ltmp2, $4  }
0x4e: {  	[hbm:s10], [sflag:s17] =	dma.local @!p0 [spmem:s18], $0x3E80  }
0x4f: {  	_ =	swait.ge @!p0 [sflag:s20], $0x3E80  }
0x50: {  	[sflag:s20] =	ssyncset.done @!p0 $0x0  }
0x51: {  	[sflag:s20] =	ssyncadd.s32 @!p0 $0xFFFFC180  }
0x52: {  	_ =	sfence.sel $0x180000  }
0x53: {  	[bflag:$0x0] =	sbarrier.arrive $0xFFFF  }
0x54: {  	p0 =	sne.s32 s2, $0x0;
	_ =	strace $0x90000056  }
0x55: {  	s0 =	sadd.s32 @!p0 $0x100000, s0;
	[bflag:$0x2] =	sbarrier.arrive $0xFFFF  }
0x56: {  	[sflag:s0] =	ssyncadd.tile.s32 @!p0 $0x1;
	_ =	shalt  }
.Lfunc_end2:
_tile_overlayer_lowered:
.L_overlay_start_2:
0x57: {  	(tag) =	ssettag $0x2  }
0x58: {  	s0 =	rddreg [dreg:$0x0];
	s2 =	stileid.u32  }
0x59: {  	s1 =	rddreg [dreg:$0x1];
	p0 =	sne.s32 s2, $0x0  }
0x5a: {  	s3 =	rddreg [dreg:$0x2];
	[bflag:$0x3] =	sbarrier.arrive $0xFFFF;
	s2 =	simm.s32 @!p0 $0x1C01  }
0x5b: {  	[timem:s3], [sflag:s2] =	dma.local @!p0 [hbm:s0], s1  }
0x5c: {  	s0 =	simm.s32 @!p0 $0x1  }
0x5d: {  	_ =	swait.ge @!p0 [sflag:s0], s1  }
0x5e: {  	s1 =	ssub.s32 @!p0 $0x0, s1;
	[sflag:s0] =	ssyncset.done @!p0 $0x0  }
0x5f: {  	[sflag:s0] =	ssyncadd.s32 @!p0 s1  }
0x60: {  	[bflag:$0x3] =	sbarrier.arrive $0xFFFF  }
0x61: {  	_ =	shalt  }

</sc_bundles>
